<compile_context>
chip_gen: v7x
topology: tpu7x:2x2x1
jax: 0.10.2.dev20260603
libtpu: 0.0.44.dev20260713+nightly
codegen_flags: <defaults>
</compile_context>

<pallas_src>
import jax
import jax.numpy as jnp
from jax import lax
from jax.experimental import pallas as pl
from jax.experimental.pallas import tpu as pltpu
from jax.experimental.pallas import tpu_sc as plsc

B, S, DIM = 4, 8192, 768
HID = DIM // 4
K = S // 2
L = 16



def _scores_body(x_ref, w1_ref, b1_ref, w2_ref, b2_ref, out_ref):
    sb = x_ref.shape[1]
    xb = x_ref[...].reshape(B * sb, DIM)
    h = lax.dot_general(xb, w1_ref[...], (((1,), (1,)), ((), ())),
                        preferred_element_type=jnp.float32)
    h = jnp.maximum(h + b1_ref[...], 0.0)
    sc = lax.dot_general(h.astype(jnp.bfloat16),
                         w2_ref[...].reshape(HID, 1).astype(jnp.bfloat16),
                         (((1,), (0,)), ((), ())),
                         preferred_element_type=jnp.float32)
    out_ref[...] = sc.reshape(B, sb) + b2_ref[0, 0]


def _scores_tc(x, W1, b1, W2, b2):
    SB = 1024
    return pl.pallas_call(
        _scores_body,
        grid=(S // SB,),
        in_specs=[
            pl.BlockSpec((B, SB, DIM), lambda j: (0, j, 0)),
            pl.BlockSpec((HID, DIM), lambda j: (0, 0)),
            pl.BlockSpec((1, HID), lambda j: (0, 0)),
            pl.BlockSpec((1, HID), lambda j: (0, 0)),
            pl.BlockSpec((1, 1), lambda j: (0, 0)),
        ],
        out_specs=pl.BlockSpec((B, SB), lambda j: (0, j)),
        out_shape=jax.ShapeDtypeStruct((B, S), jnp.float32),
    )(x, W1, b1.reshape(1, HID), W2.reshape(1, HID), b2.reshape(1, 1))



def _radix_pass(iota, hist, tot_v, base_v, dig_v, pos_v, src_k, dst_k,
                src_p, dst_p, shift, nbits, chunk):
    ndig = 1 << nbits
    dmask = ndig - 1
    lane_base = iota * chunk
    shift_v = jnp.full((L,), shift, jnp.int32)
    ones = jnp.ones((L,), jnp.int32)

    @plsc.parallel_loop(0, ndig, unroll=8)
    def _(h):
        hist[pl.ds(h * L, L)] = jnp.zeros((L,), jnp.int32)

    @plsc.parallel_loop(0, chunk, unroll=4)
    def _(v):
        key = plsc.load_gather(src_k, [lane_base + v])
        d = lax.shift_right_logical(key, shift_v) & dmask
        hidx = d * L + iota
        dig_v[pl.ds(v * L, L)] = hidx
        plsc.addupdate_scatter(hist, [hidx], ones)

    @plsc.parallel_loop(0, ndig, unroll=4)
    def _(h):
        sl = pl.ds(h * L, L)
        cnt = hist[sl]
        incl = plsc.cumsum(cnt)
        hist[sl] = incl - cnt
        tot_v[sl] = incl

    def scan2_body(j, carry):
        tv = plsc.load_gather(tot_v, [j * (L * L) + iota * L + (L - 1)])
        incl2 = plsc.cumsum(tv)
        base_v[pl.ds(j * L, L)] = incl2 - tv + carry
        return carry + incl2[L - 1]
    lax.fori_loop(0, ndig // L, scan2_body, jnp.int32(0))

    @plsc.parallel_loop(0, ndig, unroll=4)
    def _(h):
        sl = pl.ds(h * L, L)
        b = plsc.load_gather(base_v, [jnp.broadcast_to(h, (L,)).astype(jnp.int32)])
        hist[sl] = hist[sl] + b

    def pos_body(v, c):
        sl = pl.ds(v * L, L)
        hidx = dig_v[sl]
        pos = plsc.load_gather(hist, [hidx])
        plsc.store_scatter(hist, [hidx], pos + 1)
        pos_v[sl] = pos
        return c
    lax.fori_loop(0, chunk, pos_body, 0)

    @plsc.parallel_loop(0, chunk, unroll=4)
    def _(v):
        idx = lane_base + v
        pos = pos_v[pl.ds(v * L, L)]
        plsc.store_scatter(dst_k, [pos], plsc.load_gather(src_k, [idx]))
        if src_p is not None:
            plsc.store_scatter(dst_p, [pos], plsc.load_gather(src_p, [idx]))


def _router_body(scores_hbm, mask_hbm, rout_hbm,
                 s_v, ka, kb, ia, ib, hist, e_v, mask_v, rout_v,
                 dig_v, pos_v, tot_v, base_v):
    cid = lax.axis_index("c")
    sid = lax.axis_index("s")
    row = sid * 2 + cid

    @pl.when(row < B)
    def _():
        pltpu.sync_copy(scores_hbm.at[row], s_v)
        iota = lax.iota(jnp.int32, L)
        ones_i = jnp.ones((L,), jnp.int32)
        zeros_i = jnp.zeros((L,), jnp.int32)
        zeros_f = jnp.zeros((L,), jnp.float32)
        sh24 = jnp.full((L,), 24, jnp.int32)

        @plsc.parallel_loop(0, 256, unroll=8)
        def _(h):
            hist[pl.ds(h * L, L)] = jnp.zeros((L,), jnp.int32)

        @plsc.parallel_loop(0, S // L, unroll=4)
        def _(v):
            sl = pl.ds(v * L, L)
            i = lax.bitcast_convert_type(s_v[sl], jnp.int32)
            kd = jnp.where(i < 0, i, ~i & 0x7FFFFFFF)
            ka[sl] = kd
            d = lax.shift_right_logical(kd, sh24)
            plsc.addupdate_scatter(hist, [d * L + iota], ones_i)

        @plsc.parallel_loop(0, 256, unroll=4)
        def _(h):
            sl = pl.ds(h * L, L)
            tot_v[sl] = plsc.cumsum(hist[sl])

        def bstar_body(j, carry):
            cum, bst = carry
            tv = plsc.load_gather(tot_v, [j * (L * L) + iota * L + (L - 1)])
            incl2 = plsc.cumsum(tv) + cum
            cross = jnp.logical_and(incl2 >= K, incl2 - tv < K)
            bst = bst + jnp.sum(jnp.where(cross, j * L + iota, zeros_i))
            return (incl2[L - 1], bst)
        _, bstar = lax.fori_loop(0, 256 // L, bstar_body,
                                 (jnp.int32(0), jnp.int32(0)))
        bstar_v = jnp.broadcast_to(bstar, (L,))

        def class_body(v, cnt):
            sl = pl.ds(v * L, L)
            kd = ka[sl]
            m = lax.shift_right_logical(kd, sh24) <= bstar_v
            plsc.store_compressed(kb.at[pl.ds(cnt, L)], kd, mask=m)
            plsc.store_compressed(ib.at[pl.ds(cnt, L)], iota + v * L, mask=m)
            mask_v[sl] = zeros_i
            rout_v[sl] = zeros_f
            pc = plsc.all_reduce_population_count(m)
            return cnt + pc[0]
        nc = lax.fori_loop(0, S // L, class_body, jnp.int32(0))

        kb[pl.ds(nc, L)] = jnp.full((L,), -1, jnp.int32)
        ib[pl.ds(nc, L)] = zeros_i
        ncp = (nc + (L - 1)) & (-L)
        chunk = lax.shift_right_logical(ncp, 4)

        _radix_pass(iota, hist, tot_v, base_v, dig_v, pos_v, kb, ka, ib, ia,
                    0, 8, chunk)
        _radix_pass(iota, hist, tot_v, base_v, dig_v, pos_v, ka, kb, ia, ib,
                    8, 8, chunk)
        _radix_pass(iota, hist, tot_v, base_v, dig_v, pos_v, kb, ka, ib, ia,
                    16, 8, chunk)
        _radix_pass(iota, hist, tot_v, base_v, dig_v, pos_v, ka, kb, ia, ib,
                    24, 8, chunk)

        k0 = kb[pl.ds(0, L)]
        vmax = jnp.max(lax.bitcast_convert_type(
            jnp.where(k0 < 0, k0, ~k0 & 0x7FFFFFFF), jnp.float32))

        @plsc.parallel_loop(0, K // L, unroll=4,
                            carry=jnp.zeros((L,), jnp.float32))
        def zacc(r, acc):
            sl = pl.ds(r * L, L)
            kk = kb[sl]
            f = lax.bitcast_convert_type(
                jnp.where(kk < 0, kk, ~kk & 0x7FFFFFFF), jnp.float32)
            e = jnp.exp(f - vmax)
            e_v[sl] = e
            return acc + e
        zvec = jnp.broadcast_to(jnp.sum(zacc), (L,))
        zinv = jnp.ones((L,), jnp.float32) / zvec

        @plsc.parallel_loop(0, K // L, unroll=4)
        def _(r):
            plsc.store_scatter(mask_v, [ib[pl.ds(r * L, L)]], ones_i)

        def comp_body(v, cnt):
            sl = pl.ds(v * L, L)
            m = mask_v[sl] == 1
            plsc.store_compressed(ia.at[pl.ds(cnt, L)], iota + v * L, mask=m)
            pc = plsc.all_reduce_population_count(m)
            return cnt + pc[0]
        lax.fori_loop(0, S // L, comp_body, jnp.int32(0))

        @plsc.parallel_loop(0, K // L, unroll=4)
        def _(r):
            sl = pl.ds(r * L, L)
            plsc.store_scatter(rout_v, [ia[sl]], e_v[sl] * zinv)

        pltpu.sync_copy(mask_v, mask_hbm.at[row])
        pltpu.sync_copy(rout_v, rout_hbm.at[row])


def _router_sc(scores):
    mesh = plsc.VectorSubcoreMesh(core_axis_name="c", subcore_axis_name="s")
    fn = pl.kernel(
        _router_body,
        out_type=(jax.ShapeDtypeStruct((B, S), jnp.int32),
                  jax.ShapeDtypeStruct((B, S), jnp.float32)),
        mesh=mesh,
        compiler_params=pltpu.CompilerParams(needs_layout_passes=False),
        scratch_types=[
            pltpu.VMEM((S,), jnp.float32),
            pltpu.VMEM((S,), jnp.int32),
            pltpu.VMEM((S + L,), jnp.int32),
            pltpu.VMEM((S,), jnp.int32),
            pltpu.VMEM((S + L,), jnp.int32),
            pltpu.VMEM((256 * L,), jnp.int32),
            pltpu.VMEM((K,), jnp.float32),
            pltpu.VMEM((S,), jnp.int32),
            pltpu.VMEM((S,), jnp.float32),
            pltpu.VMEM((S,), jnp.int32),
            pltpu.VMEM((S,), jnp.int32),
            pltpu.VMEM((256 * L,), jnp.int32),
            pltpu.VMEM((256,), jnp.int32),
        ],
    )
    return fn(scores)


def kernel(x, W1, b1, W2, b2):
    scores = _scores_tc(x, W1, b1, W2, b2)
    mask_i, routing = _router_sc(scores)
    return mask_i.astype(bool), routing

# --- scband reference (transcript-rebuilt; emitter-appended) ---
"""Pipeline reference for scband-mixture-of-depths-router-50929722196043 (READ-ONLY COPY).

The authoritative reference and input builder live on the scoring server;
editing this copy changes nothing except your own understanding.
"""

import jax, jax.numpy as jnp
import numpy as np

DIM = 768
CAPACITY = 0.5
TEMPERATURE = 1.0
B, S = 4, 8192
HID = DIM // 4


def setup_inputs(seed: int = 0) -> dict:
    key = jax.random.key(seed)
    k1, k2, k3, k4, k5 = jax.random.split(key, 5)
    x = jax.random.normal(k1, (B, S, DIM), dtype=jnp.float32)
    bound1 = 1.0 / np.sqrt(DIM)
    W1 = jax.random.uniform(k2, (HID, DIM), dtype=jnp.float32, minval=-bound1, maxval=bound1)
    b1 = jax.random.uniform(k3, (HID,), dtype=jnp.float32, minval=-bound1, maxval=bound1)
    bound2 = 1.0 / np.sqrt(HID)
    W2 = jax.random.uniform(k4, (1, HID), dtype=jnp.float32, minval=-bound2, maxval=bound2)
    b2 = jax.random.uniform(k5, (1,), dtype=jnp.float32, minval=-bound2, maxval=bound2)
    return {"x": x, "W1": W1, "b1": b1, "W2": W2, "b2": b2}


def reference(x, W1, b1, W2, b2):
    batch_size, seq_len, _ = x.shape
    h = jnp.maximum(jnp.einsum('bsd,hd->bsh', x, W1) + b1, 0.0)
    scores = (jnp.einsum('bsh,oh->bso', h, W2) + b2)[..., 0]
    scores = scores / TEMPERATURE
    k = int(seq_len * CAPACITY)
    topk_scores, topk_indices = jax.lax.top_k(scores, k)
    rows = jnp.arange(batch_size)[:, None]
    mask = jnp.zeros(scores.shape, dtype=bool).at[rows, topk_indices].set(True)
    # torch semantics: routing_weights[mask] = softmax(topk_scores).flatten()
    # boolean masked assignment fills True positions in ascending index order per row,
    # with values taken in top-k (descending-score) order.
    sorted_idx = jnp.sort(topk_indices, axis=-1)
    sm = jax.nn.softmax(topk_scores, axis=-1)
    routing_weights = jnp.zeros(scores.shape, dtype=x.dtype).at[rows, sorted_idx].set(sm)
    return (mask, routing_weights)

if __name__ == "__main__":
    import jax
    _d = setup_inputs()
    print(jax.jit(kernel)(*tuple(_d.values())))

</pallas_src>

<mosaic_0001>
#map = affine_map<(d0, d1) -> (0, 0)>
module attributes {stable_mosaic.version = 14 : i64} {
  func.func @_router_body(%arg0: i32, %arg1: i32, %arg2: memref<4x8192xf32, #tpu.memory_space<hbm>>, %arg3: memref<4x8192xi32, #tpu.memory_space<hbm>>, %arg4: memref<4x8192xf32, #tpu.memory_space<hbm>>, %arg5: memref<8192xf32, #tpu.memory_space<vmem>>, %arg6: memref<8192xi32, #tpu.memory_space<vmem>>, %arg7: memref<8208xi32, #tpu.memory_space<vmem>>, %arg8: memref<8192xi32, #tpu.memory_space<vmem>>, %arg9: memref<8208xi32, #tpu.memory_space<vmem>>, %arg10: memref<4096xi32, #tpu.memory_space<vmem>>, %arg11: memref<4096xf32, #tpu.memory_space<vmem>>, %arg12: memref<8192xi32, #tpu.memory_space<vmem>>, %arg13: memref<8192xf32, #tpu.memory_space<vmem>>, %arg14: memref<8192xi32, #tpu.memory_space<vmem>>, %arg15: memref<8192xi32, #tpu.memory_space<vmem>>, %arg16: memref<4096xi32, #tpu.memory_space<vmem>>, %arg17: memref<256xi32, #tpu.memory_space<vmem>>) attributes {dimension_semantics = [#tpu.dimension_semantics<core_parallel>, #tpu.dimension_semantics<subcore_parallel>], iteration_bounds = array<i64: 2, 16>, scalar_prefetch = 0 : i64, scratch_operands = 13 : i64, tpu.core_type = #tpu.core_type<sc_vector_subcore>, window_params = [{transform_indices = #map}, {transform_indices = #map}, {transform_indices = #map}]} {
    %mul3A = arith.constant 2 : i32
    %mul3A_0 = arith.muli %arg1, %mul3A : i32
    %add3A = arith.addi %mul3A_0, %arg0 : i32
    %lt3A = arith.constant 4 : i32
    %lt3A_1 = arith.cmpi slt, %add3A, %lt3A : i32
    %convert_element_type3A = arith.extui %lt3A_1 : i1 to i32
    %cond3A = arith.constant 0 : i32
    %cond3A_2 = arith.cmpi ne, %convert_element_type3A, %cond3A : i32
    scf.if %cond3A_2 {
      "tpu.region"() ({
        %run_scoped3A = tpu.sem_alloc : memref<!tpu.dma_semaphore, #tpu.memory_space<semaphore_mem>>
        %dma_start3A = arith.constant 0 : i32
        %dma_start3A_221 = tpu.memref_slice %arg2[%add3A, %dma_start3A] : memref<4x8192xf32, #tpu.memory_space<hbm>> -> memref<1x8192xf32, #tpu.memory_space<hbm>>
        %dma_start3A_222 = tpu.memref_squeeze %dma_start3A_221 : memref<1x8192xf32, #tpu.memory_space<hbm>> -> memref<8192xf32, #tpu.memory_space<hbm>>
        %dma_start3A_223 = arith.constant 0 : i32
        %dma_start3A_224 = tpu.memref_slice %arg2[%add3A, %dma_start3A_223] : memref<4x8192xf32, #tpu.memory_space<hbm>> -> memref<1x8192xf32, #tpu.memory_space<hbm>>
        %dma_start3A_225 = tpu.memref_squeeze %dma_start3A_224 : memref<1x8192xf32, #tpu.memory_space<hbm>> -> memref<8192xf32, #tpu.memory_space<hbm>>
        tpu.enqueue_dma source(%dma_start3A_225 : memref<8192xf32, #tpu.memory_space<hbm>>) target(%arg5 : memref<8192xf32, #tpu.memory_space<vmem>>) target_semaphore(%run_scoped3A : memref<!tpu.dma_semaphore, #tpu.memory_space<semaphore_mem>>)
        %dma_wait3A = arith.constant 0 : i32
        %dma_wait3A_226 = tpu.memref_slice %arg2[%add3A, %dma_wait3A] : memref<4x8192xf32, #tpu.memory_space<hbm>> -> memref<1x8192xf32, #tpu.memory_space<hbm>>
        %dma_wait3A_227 = tpu.memref_squeeze %dma_wait3A_226 : memref<1x8192xf32, #tpu.memory_space<hbm>> -> memref<8192xf32, #tpu.memory_space<hbm>>
        %dma_wait3A_228 = arith.constant 0 : i32
        %dma_wait3A_229 = tpu.memref_slice %arg2[%add3A, %dma_wait3A_228] : memref<4x8192xf32, #tpu.memory_space<hbm>> -> memref<1x8192xf32, #tpu.memory_space<hbm>>
        %dma_wait3A_230 = tpu.memref_squeeze %dma_wait3A_229 : memref<1x8192xf32, #tpu.memory_space<hbm>> -> memref<8192xf32, #tpu.memory_space<hbm>>
        tpu.wait_dma2 semaphore(%run_scoped3A : memref<!tpu.dma_semaphore, #tpu.memory_space<semaphore_mem>>) src(%dma_wait3A_230 : memref<8192xf32, #tpu.memory_space<hbm>>) dst(%arg5 : memref<8192xf32, #tpu.memory_space<vmem>>)
        tpu.yield
      }) : () -> ()
      %iota3A = tpu.iota {dimensions = array<i32: 0>} : vector<16xi32>
      %broadcast_in_dim3A = arith.constant 1 : i32
      %broadcast_in_dim3A_3 = vector.broadcast %broadcast_in_dim3A : i32 to vector<16xi32>
      %broadcast_in_dim3A_4 = arith.constant 0 : i32
      %broadcast_in_dim3A_5 = vector.broadcast %broadcast_in_dim3A_4 : i32 to vector<16xi32>
      %broadcast_in_dim3A_6 = arith.constant 0.000000e+00 : f32
      %broadcast_in_dim3A_7 = vector.broadcast %broadcast_in_dim3A_6 : f32 to vector<16xf32>
      %broadcast_in_dim3A_8 = arith.constant 24 : i32
      %broadcast_in_dim3A_9 = vector.broadcast %broadcast_in_dim3A_8 : i32 to vector<16xi32>
      %parallel_loop3A = arith.constant 0 : i32
      %parallel_loop3A_10 = arith.constant 256 : i32
      %parallel_loop3A_11 = arith.constant 1 : i32
      scf.for %parallel_loop3A_221 = %parallel_loop3A to %parallel_loop3A_10 step %parallel_loop3A_11  : i32 {
        %parallel_loop3A_222 = arith.constant 0 : i32
        %parallel_loop3A_223 = vector.broadcast %parallel_loop3A_222 : i32 to vector<16xi32>
        %parallel_loop3A_224 = arith.constant 16 : i32
        %parallel_loop3A_225 = arith.muli %parallel_loop3A_221, %parallel_loop3A_224 : i32
        %parallel_loop3A_226 = arith.index_cast %parallel_loop3A_225 : i32 to index
        %parallel_loop3A_227 = tpu.vector_load %arg10[%parallel_loop3A_226] {strides = array<i32>} : memref<4096xi32, #tpu.memory_space<vmem>>, vector<16xi32>,
        tpu.vector_store %arg10[%parallel_loop3A_226], %parallel_loop3A_223 {strides = array<i32>} : memref<4096xi32, #tpu.memory_space<vmem>>, vector<16xi32>,
      } {sc.loop_unroll_factor = 8 : i64, sc.parallel_access}
      %parallel_loop3A_12 = arith.constant 0 : i32
      %parallel_loop3A_13 = arith.constant 512 : i32
      %parallel_loop3A_14 = arith.constant 1 : i32
      scf.for %parallel_loop3A_221 = %parallel_loop3A_12 to %parallel_loop3A_13 step %parallel_loop3A_14  : i32 {
        %parallel_loop3A_222 = arith.constant 16 : i32
        %parallel_loop3A_223 = arith.muli %parallel_loop3A_221, %parallel_loop3A_222 : i32
        %parallel_loop3A_224 = arith.index_cast %parallel_loop3A_223 : i32 to index
        %parallel_loop3A_225 = tpu.vector_load %arg5[%parallel_loop3A_224] {strides = array<i32>} : memref<8192xf32, #tpu.memory_space<vmem>>, vector<16xf32>,
        %parallel_loop3A_226 = tpu.bitcast %parallel_loop3A_225 : vector<16xf32> -> vector<16xi32>
        %parallel_loop3A_227 = arith.constant 0 : i32
        %parallel_loop3A_228 = vector.broadcast %parallel_loop3A_227 : i32 to vector<16xi32>
        %parallel_loop3A_229 = arith.cmpi slt, %parallel_loop3A_226, %parallel_loop3A_228 : vector<16xi32>
        %parallel_loop3A_230 = arith.constant dense<-1> : vector<16xi32>
        %parallel_loop3A_231 = arith.xori %parallel_loop3A_226, %parallel_loop3A_230 : vector<16xi32>
        %parallel_loop3A_232 = arith.constant 2147483647 : i32
        %parallel_loop3A_233 = vector.broadcast %parallel_loop3A_232 : i32 to vector<16xi32>
        %parallel_loop3A_234 = arith.andi %parallel_loop3A_231, %parallel_loop3A_233 : vector<16xi32>
        %parallel_loop3A_235 = arith.select %parallel_loop3A_229, %parallel_loop3A_226, %parallel_loop3A_234 : vector<16xi1>, vector<16xi32>
        %parallel_loop3A_236 = arith.index_cast %parallel_loop3A_223 : i32 to index
        %parallel_loop3A_237 = tpu.vector_load %arg6[%parallel_loop3A_236] {strides = array<i32>} : memref<8192xi32, #tpu.memory_space<vmem>>, vector<16xi32>,
        tpu.vector_store %arg6[%parallel_loop3A_236], %parallel_loop3A_235 {strides = array<i32>} : memref<8192xi32, #tpu.memory_space<vmem>>, vector<16xi32>,
        %parallel_loop3A_238 = arith.shrui %parallel_loop3A_235, %broadcast_in_dim3A_9 : vector<16xi32>
        %parallel_loop3A_239 = arith.constant 16 : i32
        %parallel_loop3A_240 = vector.broadcast %parallel_loop3A_239 : i32 to vector<16xi32>
        %parallel_loop3A_241 = arith.muli %parallel_loop3A_238, %parallel_loop3A_240 : vector<16xi32>
        %parallel_loop3A_242 = arith.addi %parallel_loop3A_241, %iota3A : vector<16xi32>
        tpu.vector_store_idx %arg10[%parallel_loop3A_242], %broadcast_in_dim3A_3 {add = true} : memref<4096xi32, #tpu.memory_space<vmem>>[vector<16xi32>], vector<16xi32>,
      } {sc.loop_unroll_factor = 4 : i64, sc.parallel_access}
      %parallel_loop3A_15 = arith.constant 0 : i32
      %parallel_loop3A_16 = arith.constant 256 : i32
      %parallel_loop3A_17 = arith.constant 1 : i32
      scf.for %parallel_loop3A_221 = %parallel_loop3A_15 to %parallel_loop3A_16 step %parallel_loop3A_17  : i32 {
        %parallel_loop3A_222 = arith.constant 16 : i32
        %parallel_loop3A_223 = arith.muli %parallel_loop3A_221, %parallel_loop3A_222 : i32
        %parallel_loop3A_224 = arith.index_cast %parallel_loop3A_223 : i32 to index
        %parallel_loop3A_225 = tpu.vector_load %arg10[%parallel_loop3A_224] {strides = array<i32>} : memref<4096xi32, #tpu.memory_space<vmem>>, vector<16xi32>,
        %parallel_loop3A_226 = arith.constant true
        %parallel_loop3A_227 = vector.broadcast %parallel_loop3A_226 : i1 to vector<16xi1>
        %parallel_loop3A_228 = tpu.scan <sum>, %parallel_loop3A_225 masked %parallel_loop3A_227 : vector<16xi32>, vector<16xi1> -> vector<16xi32>
        %parallel_loop3A_229 = arith.index_cast %parallel_loop3A_223 : i32 to index
        %parallel_loop3A_230 = tpu.vector_load %arg16[%parallel_loop3A_229] {strides = array<i32>} : memref<4096xi32, #tpu.memory_space<vmem>>, vector<16xi32>,
        tpu.vector_store %arg16[%parallel_loop3A_229], %parallel_loop3A_228 {strides = array<i32>} : memref<4096xi32, #tpu.memory_space<vmem>>, vector<16xi32>,
      } {sc.loop_unroll_factor = 4 : i64, sc.parallel_access}
      %scan3A = arith.constant 0 : i32
      %scan3A_18 = arith.constant 0 : i32
      %scan3A_19 = arith.constant 0 : i32
      %scan3A_20 = arith.constant 16 : i32
      %scan3A_21 = arith.addi %scan3A_19, %scan3A_20 : i32
      %scan3A_22 = arith.constant 1 : i32
      %scan3A_23:2 = scf.for %scan3A_221 = %scan3A_19 to %scan3A_21 step %scan3A_22 iter_args(%scan3A_222 = %scan3A, %scan3A_223 = %scan3A_18) -> (i32, i32)  : i32 {
        %mul3A_224 = arith.constant 256 : i32
        %mul3A_225 = arith.muli %scan3A_221, %mul3A_224 : i32
        %mul3A_226 = arith.constant 16 : i32
        %mul3A_227 = vector.broadcast %mul3A_226 : i32 to vector<16xi32>
        %mul3A_228 = arith.muli %iota3A, %mul3A_227 : vector<16xi32>
        %add3A_229 = vector.broadcast %mul3A_225 : i32 to vector<16xi32>
        %add3A_230 = arith.addi %add3A_229, %mul3A_228 : vector<16xi32>
        %add3A_231 = arith.constant 15 : i32
        %add3A_232 = vector.broadcast %add3A_231 : i32 to vector<16xi32>
        %add3A_233 = arith.addi %add3A_230, %add3A_232 : vector<16xi32>
        %gather3A = tpu.vector_load_idx %arg16[%add3A_233] : memref<4096xi32, #tpu.memory_space<vmem>>[vector<16xi32>], vector<16xi32>,
        %broadcast_in_dim3A_234 = arith.constant true
        %broadcast_in_dim3A_235 = vector.broadcast %broadcast_in_dim3A_234 : i1 to vector<16xi1>
        %masked_cumsum3A = tpu.scan <sum>, %gather3A masked %broadcast_in_dim3A_235 : vector<16xi32>, vector<16xi1> -> vector<16xi32>
        %add3A_236 = vector.broadcast %scan3A_222 : i32 to vector<16xi32>
        %add3A_237 = arith.addi %masked_cumsum3A, %add3A_236 : vector<16xi32>
        %ge3A = arith.constant 4096 : i32
        %ge3A_238 = vector.broadcast %ge3A : i32 to vector<16xi32>
        %ge3A_239 = arith.cmpi sge, %add3A_237, %ge3A_238 : vector<16xi32>
        %sub3A = arith.subi %add3A_237, %gather3A : vector<16xi32>
        %lt3A_240 = arith.constant 4096 : i32
        %lt3A_241 = vector.broadcast %lt3A_240 : i32 to vector<16xi32>
        %lt3A_242 = arith.cmpi slt, %sub3A, %lt3A_241 : vector<16xi32>
        %and3A_243 = arith.andi %ge3A_239, %lt3A_242 : vector<16xi1>
        %mul3A_244 = arith.constant 16 : i32
        %mul3A_245 = arith.muli %scan3A_221, %mul3A_244 : i32
        %add3A_246 = vector.broadcast %mul3A_245 : i32 to vector<16xi32>
        %add3A_247 = arith.addi %add3A_246, %iota3A : vector<16xi32>
        %select_n3A_248 = arith.select %and3A_243, %add3A_247, %broadcast_in_dim3A_5 : vector<16xi1>, vector<16xi32>
        %reduce_sum3A_249 = arith.constant true
        %reduce_sum3A_250 = vector.broadcast %reduce_sum3A_249 : i1 to vector<16xi1>
        %reduce_sum3A_251 = tpu.scan <sum>, %select_n3A_248 masked %reduce_sum3A_250 : vector<16xi32>, vector<16xi1> -> vector<16xi32>
        %reduce_sum3A_252 = vector.extract %reduce_sum3A_251[15] : i32 from vector<16xi32>
        %add3A_253 = arith.addi %scan3A_223, %reduce_sum3A_252 : i32
        %slice3A = vector.extract_strided_slice %add3A_237 {offsets = [15], sizes = [1], strides = [1]} : vector<16xi32> to vector<1xi32>
        %squeeze3A = vector.extract %slice3A[0] : i32 from vector<1xi32>
        scf.yield %squeeze3A, %add3A_253 : i32, i32
      }
      %scan3A_24 = arith.constant 16 : i32
      %broadcast_in_dim3A_25 = vector.broadcast %scan3A_23#1 : i32 to vector<16xi32>
      %scan3A_26 = arith.constant 0 : i32
      %scan3A_27 = arith.constant 0 : i32
      %scan3A_28 = arith.constant 512 : i32
      %scan3A_29 = arith.addi %scan3A_27, %scan3A_28 : i32
      %scan3A_30 = arith.constant 1 : i32
      %scan3A_31 = scf.for %scan3A_221 = %scan3A_27 to %scan3A_29 step %scan3A_30 iter_args(%scan3A_222 = %scan3A_26) -> (i32)  : i32 {
        %mul3A_223 = arith.constant 16 : i32
        %mul3A_224 = arith.muli %scan3A_221, %mul3A_223 : i32
        %get3A_225 = arith.index_cast %mul3A_224 : i32 to index
        %get3A_226 = tpu.vector_load %arg6[%get3A_225] {strides = array<i32>} : memref<8192xi32, #tpu.memory_space<vmem>>, vector<16xi32>,
        %shift_right_logical3A_227 = arith.shrui %get3A_226, %broadcast_in_dim3A_9 : vector<16xi32>
        %le3A = arith.cmpi sle, %shift_right_logical3A_227, %broadcast_in_dim3A_25 : vector<16xi32>
        %swap3A_228 = arith.index_cast %scan3A_222 : i32 to index
        %swap3A_229 = tpu.vector_load %arg7[%swap3A_228] masked %le3A {strides = array<i32>} : memref<8208xi32, #tpu.memory_space<vmem>>, vector<16xi32>, vector<16xi1>
        tpu.vector_store %arg7[%swap3A_228], %get3A_226 masked %le3A {strides = array<i32>} : memref<8208xi32, #tpu.memory_space<vmem>>, vector<16xi32>, vector<16xi1>
        %mul3A_230 = arith.constant 16 : i32
        %mul3A_231 = arith.muli %scan3A_221, %mul3A_230 : i32
        %add3A_232 = vector.broadcast %mul3A_231 : i32 to vector<16xi32>
        %add3A_233 = arith.addi %iota3A, %add3A_232 : vector<16xi32>
        %swap3A_234 = arith.index_cast %scan3A_222 : i32 to index
        %swap3A_235 = tpu.vector_load %arg9[%swap3A_234] masked %le3A {strides = array<i32>} : memref<8208xi32, #tpu.memory_space<vmem>>, vector<16xi32>, vector<16xi1>
        tpu.vector_store %arg9[%swap3A_234], %add3A_233 masked %le3A {strides = array<i32>} : memref<8208xi32, #tpu.memory_space<vmem>>, vector<16xi32>, vector<16xi1>
        %swap3A_236 = arith.index_cast %mul3A_224 : i32 to index
        %swap3A_237 = tpu.vector_load %arg12[%swap3A_236] {strides = array<i32>} : memref<8192xi32, #tpu.memory_space<vmem>>, vector<16xi32>,
        tpu.vector_store %arg12[%swap3A_236], %broadcast_in_dim3A_5 {strides = array<i32>} : memref<8192xi32, #tpu.memory_space<vmem>>, vector<16xi32>,
        %swap3A_238 = arith.index_cast %mul3A_224 : i32 to index
        %swap3A_239 = tpu.vector_load %arg13[%swap3A_238] {strides = array<i32>} : memref<8192xf32, #tpu.memory_space<vmem>>, vector<16xf32>,
        tpu.vector_store %arg13[%swap3A_238], %broadcast_in_dim3A_7 {strides = array<i32>} : memref<8192xf32, #tpu.memory_space<vmem>>, vector<16xf32>,
        %all_reduce_population_count3A = tpu.all_reduce %le3A {dim = 0 : i64, kind = #tpu.reduction_kind<sum>} : vector<16xi1> -> vector<16xi32>
        %slice3A = vector.extract_strided_slice %all_reduce_population_count3A {offsets = [0], sizes = [1], strides = [1]} : vector<16xi32> to vector<1xi32>
        %squeeze3A = vector.extract %slice3A[0] : i32 from vector<1xi32>
        %add3A_240 = arith.addi %scan3A_222, %squeeze3A : i32
        scf.yield %add3A_240 : i32
      }
      %scan3A_32 = arith.constant 512 : i32
      %broadcast_in_dim3A_33 = arith.constant -1 : i32
      %broadcast_in_dim3A_34 = vector.broadcast %broadcast_in_dim3A_33 : i32 to vector<16xi32>
      %swap3A = arith.index_cast %scan3A_31 : i32 to index
      %swap3A_35 = tpu.vector_load %arg7[%swap3A] {strides = array<i32>} : memref<8208xi32, #tpu.memory_space<vmem>>, vector<16xi32>,
      tpu.vector_store %arg7[%swap3A], %broadcast_in_dim3A_34 {strides = array<i32>} : memref<8208xi32, #tpu.memory_space<vmem>>, vector<16xi32>,
      %swap3A_36 = arith.index_cast %scan3A_31 : i32 to index
      %swap3A_37 = tpu.vector_load %arg9[%swap3A_36] {strides = array<i32>} : memref<8208xi32, #tpu.memory_space<vmem>>, vector<16xi32>,
      tpu.vector_store %arg9[%swap3A_36], %broadcast_in_dim3A_5 {strides = array<i32>} : memref<8208xi32, #tpu.memory_space<vmem>>, vector<16xi32>,
      %add3A_38 = arith.constant 15 : i32
      %add3A_39 = arith.addi %scan3A_31, %add3A_38 : i32
      %and3A = arith.constant -16 : i32
      %and3A_40 = arith.andi %add3A_39, %and3A : i32
      %shift_right_logical3A = arith.constant 4 : i32
      %shift_right_logical3A_41 = arith.shrui %and3A_40, %shift_right_logical3A : i32
      %mul3A_42 = vector.broadcast %shift_right_logical3A_41 : i32 to vector<16xi32>
      %mul3A_43 = arith.muli %iota3A, %mul3A_42 : vector<16xi32>
      %broadcast_in_dim3A_44 = arith.constant 0 : i32
      %broadcast_in_dim3A_45 = vector.broadcast %broadcast_in_dim3A_44 : i32 to vector<16xi32>
      %broadcast_in_dim3A_46 = arith.constant 1 : i32
      %broadcast_in_dim3A_47 = vector.broadcast %broadcast_in_dim3A_46 : i32 to vector<16xi32>
      %parallel_loop3A_48 = arith.constant 0 : i32
      %parallel_loop3A_49 = arith.constant 256 : i32
      %parallel_loop3A_50 = arith.constant 1 : i32
      scf.for %parallel_loop3A_221 = %parallel_loop3A_48 to %parallel_loop3A_49 step %parallel_loop3A_50  : i32 {
        %parallel_loop3A_222 = arith.constant 0 : i32
        %parallel_loop3A_223 = vector.broadcast %parallel_loop3A_222 : i32 to vector<16xi32>
        %parallel_loop3A_224 = arith.constant 16 : i32
        %parallel_loop3A_225 = arith.muli %parallel_loop3A_221, %parallel_loop3A_224 : i32
        %parallel_loop3A_226 = arith.index_cast %parallel_loop3A_225 : i32 to index
        %parallel_loop3A_227 = tpu.vector_load %arg10[%parallel_loop3A_226] {strides = array<i32>} : memref<4096xi32, #tpu.memory_space<vmem>>, vector<16xi32>,
        tpu.vector_store %arg10[%parallel_loop3A_226], %parallel_loop3A_223 {strides = array<i32>} : memref<4096xi32, #tpu.memory_space<vmem>>, vector<16xi32>,
      } {sc.loop_unroll_factor = 8 : i64, sc.parallel_access}
      %parallel_loop3A_51 = arith.constant 0 : i32
      %parallel_loop3A_52 = arith.constant 1 : i32
      scf.for %parallel_loop3A_221 = %parallel_loop3A_51 to %shift_right_logical3A_41 step %parallel_loop3A_52  : i32 {
        %parallel_loop3A_222 = vector.broadcast %parallel_loop3A_221 : i32 to vector<16xi32>
        %parallel_loop3A_223 = arith.addi %mul3A_43, %parallel_loop3A_222 : vector<16xi32>
        %parallel_loop3A_224 = tpu.vector_load_idx %arg7[%parallel_loop3A_223] : memref<8208xi32, #tpu.memory_space<vmem>>[vector<16xi32>], vector<16xi32>,
        %parallel_loop3A_225 = arith.shrui %parallel_loop3A_224, %broadcast_in_dim3A_45 : vector<16xi32>
        %parallel_loop3A_226 = arith.constant 255 : i32
        %parallel_loop3A_227 = vector.broadcast %parallel_loop3A_226 : i32 to vector<16xi32>
        %parallel_loop3A_228 = arith.andi %parallel_loop3A_225, %parallel_loop3A_227 : vector<16xi32>
        %parallel_loop3A_229 = arith.constant 16 : i32
        %parallel_loop3A_230 = vector.broadcast %parallel_loop3A_229 : i32 to vector<16xi32>
        %parallel_loop3A_231 = arith.muli %parallel_loop3A_228, %parallel_loop3A_230 : vector<16xi32>
        %parallel_loop3A_232 = arith.addi %parallel_loop3A_231, %iota3A : vector<16xi32>
        %parallel_loop3A_233 = arith.constant 16 : i32
        %parallel_loop3A_234 = arith.muli %parallel_loop3A_221, %parallel_loop3A_233 : i32
        %parallel_loop3A_235 = arith.index_cast %parallel_loop3A_234 : i32 to index
        %parallel_loop3A_236 = tpu.vector_load %arg14[%parallel_loop3A_235] {strides = array<i32>} : memref<8192xi32, #tpu.memory_space<vmem>>, vector<16xi32>,
        tpu.vector_store %arg14[%parallel_loop3A_235], %parallel_loop3A_232 {strides = array<i32>} : memref<8192xi32, #tpu.memory_space<vmem>>, vector<16xi32>,
        tpu.vector_store_idx %arg10[%parallel_loop3A_232], %broadcast_in_dim3A_47 {add = true} : memref<4096xi32, #tpu.memory_space<vmem>>[vector<16xi32>], vector<16xi32>,
      } {sc.loop_unroll_factor = 4 : i64, sc.parallel_access}
      %parallel_loop3A_53 = arith.constant 0 : i32
      %parallel_loop3A_54 = arith.constant 256 : i32
      %parallel_loop3A_55 = arith.constant 1 : i32
      scf.for %parallel_loop3A_221 = %parallel_loop3A_53 to %parallel_loop3A_54 step %parallel_loop3A_55  : i32 {
        %parallel_loop3A_222 = arith.constant 16 : i32
        %parallel_loop3A_223 = arith.muli %parallel_loop3A_221, %parallel_loop3A_222 : i32
        %parallel_loop3A_224 = arith.index_cast %parallel_loop3A_223 : i32 to index
        %parallel_loop3A_225 = tpu.vector_load %arg10[%parallel_loop3A_224] {strides = array<i32>} : memref<4096xi32, #tpu.memory_space<vmem>>, vector<16xi32>,
        %parallel_loop3A_226 = arith.constant true
        %parallel_loop3A_227 = vector.broadcast %parallel_loop3A_226 : i1 to vector<16xi1>
        %parallel_loop3A_228 = tpu.scan <sum>, %parallel_loop3A_225 masked %parallel_loop3A_227 : vector<16xi32>, vector<16xi1> -> vector<16xi32>
        %parallel_loop3A_229 = arith.subi %parallel_loop3A_228, %parallel_loop3A_225 : vector<16xi32>
        %parallel_loop3A_230 = arith.index_cast %parallel_loop3A_223 : i32 to index
        %parallel_loop3A_231 = tpu.vector_load %arg10[%parallel_loop3A_230] {strides = array<i32>} : memref<4096xi32, #tpu.memory_space<vmem>>, vector<16xi32>,
        tpu.vector_store %arg10[%parallel_loop3A_230], %parallel_loop3A_229 {strides = array<i32>} : memref<4096xi32, #tpu.memory_space<vmem>>, vector<16xi32>,
        %parallel_loop3A_232 = arith.index_cast %parallel_loop3A_223 : i32 to index
        %parallel_loop3A_233 = tpu.vector_load %arg16[%parallel_loop3A_232] {strides = array<i32>} : memref<4096xi32, #tpu.memory_space<vmem>>, vector<16xi32>,
        tpu.vector_store %arg16[%parallel_loop3A_232], %parallel_loop3A_228 {strides = array<i32>} : memref<4096xi32, #tpu.memory_space<vmem>>, vector<16xi32>,
      } {sc.loop_unroll_factor = 4 : i64, sc.parallel_access}
      %scan3A_56 = arith.constant 0 : i32
      %scan3A_57 = arith.constant 0 : i32
      %scan3A_58 = arith.constant 16 : i32
      %scan3A_59 = arith.addi %scan3A_57, %scan3A_58 : i32
      %scan3A_60 = arith.constant 1 : i32
      %scan3A_61 = scf.for %scan3A_221 = %scan3A_57 to %scan3A_59 step %scan3A_60 iter_args(%scan3A_222 = %scan3A_56) -> (i32)  : i32 {
        %mul3A_223 = arith.constant 256 : i32
        %mul3A_224 = arith.muli %scan3A_221, %mul3A_223 : i32
        %mul3A_225 = arith.constant 16 : i32
        %mul3A_226 = vector.broadcast %mul3A_225 : i32 to vector<16xi32>
        %mul3A_227 = arith.muli %iota3A, %mul3A_226 : vector<16xi32>
        %add3A_228 = vector.broadcast %mul3A_224 : i32 to vector<16xi32>
        %add3A_229 = arith.addi %add3A_228, %mul3A_227 : vector<16xi32>
        %add3A_230 = arith.constant 15 : i32
        %add3A_231 = vector.broadcast %add3A_230 : i32 to vector<16xi32>
        %add3A_232 = arith.addi %add3A_229, %add3A_231 : vector<16xi32>
        %gather3A = tpu.vector_load_idx %arg16[%add3A_232] : memref<4096xi32, #tpu.memory_space<vmem>>[vector<16xi32>], vector<16xi32>,
        %broadcast_in_dim3A_233 = arith.constant true
        %broadcast_in_dim3A_234 = vector.broadcast %broadcast_in_dim3A_233 : i1 to vector<16xi1>
        %masked_cumsum3A = tpu.scan <sum>, %gather3A masked %broadcast_in_dim3A_234 : vector<16xi32>, vector<16xi1> -> vector<16xi32>
        %sub3A = arith.subi %masked_cumsum3A, %gather3A : vector<16xi32>
        %add3A_235 = vector.broadcast %scan3A_222 : i32 to vector<16xi32>
        %add3A_236 = arith.addi %sub3A, %add3A_235 : vector<16xi32>
        %mul3A_237 = arith.constant 16 : i32
        %mul3A_238 = arith.muli %scan3A_221, %mul3A_237 : i32
        %swap3A_239 = arith.index_cast %mul3A_238 : i32 to index
        %swap3A_240 = tpu.vector_load %arg17[%swap3A_239] {strides = array<i32>} : memref<256xi32, #tpu.memory_space<vmem>>, vector<16xi32>,
        tpu.vector_store %arg17[%swap3A_239], %add3A_236 {strides = array<i32>} : memref<256xi32, #tpu.memory_space<vmem>>, vector<16xi32>,
        %slice3A = vector.extract_strided_slice %masked_cumsum3A {offsets = [15], sizes = [1], strides = [1]} : vector<16xi32> to vector<1xi32>
        %squeeze3A = vector.extract %slice3A[0] : i32 from vector<1xi32>
        %add3A_241 = arith.addi %scan3A_222, %squeeze3A : i32
        scf.yield %add3A_241 : i32
      }
      %scan3A_62 = arith.constant 16 : i32
      %parallel_loop3A_63 = arith.constant 0 : i32
      %parallel_loop3A_64 = arith.constant 256 : i32
      %parallel_loop3A_65 = arith.constant 1 : i32
      scf.for %parallel_loop3A_221 = %parallel_loop3A_63 to %parallel_loop3A_64 step %parallel_loop3A_65  : i32 {
        %parallel_loop3A_222 = arith.constant 16 : i32
        %parallel_loop3A_223 = arith.muli %parallel_loop3A_221, %parallel_loop3A_222 : i32
        %parallel_loop3A_224 = vector.broadcast %parallel_loop3A_221 : i32 to vector<16xi32>
        %parallel_loop3A_225 = tpu.vector_load_idx %arg17[%parallel_loop3A_224] : memref<256xi32, #tpu.memory_space<vmem>>[vector<16xi32>], vector<16xi32>,
        %parallel_loop3A_226 = arith.index_cast %parallel_loop3A_223 : i32 to index
        %parallel_loop3A_227 = tpu.vector_load %arg10[%parallel_loop3A_226] {strides = array<i32>} : memref<4096xi32, #tpu.memory_space<vmem>>, vector<16xi32>,
        %parallel_loop3A_228 = arith.addi %parallel_loop3A_227, %parallel_loop3A_225 : vector<16xi32>
        %parallel_loop3A_229 = arith.index_cast %parallel_loop3A_223 : i32 to index
        %parallel_loop3A_230 = tpu.vector_load %arg10[%parallel_loop3A_229] {strides = array<i32>} : memref<4096xi32, #tpu.memory_space<vmem>>, vector<16xi32>,
        tpu.vector_store %arg10[%parallel_loop3A_229], %parallel_loop3A_228 {strides = array<i32>} : memref<4096xi32, #tpu.memory_space<vmem>>, vector<16xi32>,
      } {sc.loop_unroll_factor = 4 : i64, sc.parallel_access}
      %while3A = arith.constant 0 : i32
      %while3A_66 = arith.constant 0 : i32
      %while3A_67 = arith.subi %shift_right_logical3A_41, %while3A_66 : i32
      %while3A_68 = arith.addi %while3A_66, %while3A_67 : i32
      %while3A_69 = arith.constant 1 : i32
      %while3A_70 = arith.divsi %while3A_67, %while3A_69 : i32
      %while3A_71 = arith.muli %while3A_70, %while3A_69 : i32
      %while3A_72 = arith.addi %while3A_66, %while3A_71 : i32
      %while3A_73 = arith.constant 1 : i32
      scf.for %while3A_221 = %while3A_66 to %while3A_72 step %while3A_73  : i32 {
        %mul3A_222 = arith.constant 16 : i32
        %mul3A_223 = arith.muli %while3A_221, %mul3A_222 : i32
        %get3A_224 = arith.index_cast %mul3A_223 : i32 to index
        %get3A_225 = tpu.vector_load %arg14[%get3A_224] {strides = array<i32>} : memref<8192xi32, #tpu.memory_space<vmem>>, vector<16xi32>,
        %gather3A = tpu.vector_load_idx %arg10[%get3A_225] : memref<4096xi32, #tpu.memory_space<vmem>>[vector<16xi32>], vector<16xi32>,
        %add3A_226 = arith.constant 1 : i32
        %add3A_227 = vector.broadcast %add3A_226 : i32 to vector<16xi32>
        %add3A_228 = arith.addi %gather3A, %add3A_227 : vector<16xi32>
        tpu.vector_store_idx %arg10[%get3A_225], %add3A_228 : memref<4096xi32, #tpu.memory_space<vmem>>[vector<16xi32>], vector<16xi32>,
        %swap3A_229 = arith.index_cast %mul3A_223 : i32 to index
        %swap3A_230 = tpu.vector_load %arg15[%swap3A_229] {strides = array<i32>} : memref<8192xi32, #tpu.memory_space<vmem>>, vector<16xi32>,
        tpu.vector_store %arg15[%swap3A_229], %gather3A {strides = array<i32>} : memref<8192xi32, #tpu.memory_space<vmem>>, vector<16xi32>,
      }
      %while3A_74 = arith.constant 1 : i32
      scf.for %while3A_221 = %while3A_72 to %while3A_68 step %while3A_74  : i32 {
        %mul3A_222 = arith.constant 16 : i32
        %mul3A_223 = arith.muli %while3A_221, %mul3A_222 : i32
        %get3A_224 = arith.index_cast %mul3A_223 : i32 to index
        %get3A_225 = tpu.vector_load %arg14[%get3A_224] {strides = array<i32>} : memref<8192xi32, #tpu.memory_space<vmem>>, vector<16xi32>,
        %gather3A = tpu.vector_load_idx %arg10[%get3A_225] : memref<4096xi32, #tpu.memory_space<vmem>>[vector<16xi32>], vector<16xi32>,
        %add3A_226 = arith.constant 1 : i32
        %add3A_227 = vector.broadcast %add3A_226 : i32 to vector<16xi32>
        %add3A_228 = arith.addi %gather3A, %add3A_227 : vector<16xi32>
        tpu.vector_store_idx %arg10[%get3A_225], %add3A_228 : memref<4096xi32, #tpu.memory_space<vmem>>[vector<16xi32>], vector<16xi32>,
        %swap3A_229 = arith.index_cast %mul3A_223 : i32 to index
        %swap3A_230 = tpu.vector_load %arg15[%swap3A_229] {strides = array<i32>} : memref<8192xi32, #tpu.memory_space<vmem>>, vector<16xi32>,
        tpu.vector_store %arg15[%swap3A_229], %gather3A {strides = array<i32>} : memref<8192xi32, #tpu.memory_space<vmem>>, vector<16xi32>,
      }
      %parallel_loop3A_75 = arith.constant 0 : i32
      %parallel_loop3A_76 = arith.constant 1 : i32
      scf.for %parallel_loop3A_221 = %parallel_loop3A_75 to %shift_right_logical3A_41 step %parallel_loop3A_76  : i32 {
        %parallel_loop3A_222 = vector.broadcast %parallel_loop3A_221 : i32 to vector<16xi32>
        %parallel_loop3A_223 = arith.addi %mul3A_43, %parallel_loop3A_222 : vector<16xi32>
        %parallel_loop3A_224 = arith.constant 16 : i32
        %parallel_loop3A_225 = arith.muli %parallel_loop3A_221, %parallel_loop3A_224 : i32
        %parallel_loop3A_226 = arith.index_cast %parallel_loop3A_225 : i32 to index
        %parallel_loop3A_227 = tpu.vector_load %arg15[%parallel_loop3A_226] {strides = array<i32>} : memref<8192xi32, #tpu.memory_space<vmem>>, vector<16xi32>,
        %parallel_loop3A_228 = tpu.vector_load_idx %arg7[%parallel_loop3A_223] : memref<8208xi32, #tpu.memory_space<vmem>>[vector<16xi32>], vector<16xi32>,
        tpu.vector_store_idx %arg6[%parallel_loop3A_227], %parallel_loop3A_228 : memref<8192xi32, #tpu.memory_space<vmem>>[vector<16xi32>], vector<16xi32>,
        %parallel_loop3A_229 = tpu.vector_load_idx %arg9[%parallel_loop3A_223] : memref<8208xi32, #tpu.memory_space<vmem>>[vector<16xi32>], vector<16xi32>,
        tpu.vector_store_idx %arg8[%parallel_loop3A_227], %parallel_loop3A_229 : memref<8192xi32, #tpu.memory_space<vmem>>[vector<16xi32>], vector<16xi32>,
      } {sc.loop_unroll_factor = 4 : i64, sc.parallel_access}
      %mul3A_77 = vector.broadcast %shift_right_logical3A_41 : i32 to vector<16xi32>
      %mul3A_78 = arith.muli %iota3A, %mul3A_77 : vector<16xi32>
      %broadcast_in_dim3A_79 = arith.constant 8 : i32
      %broadcast_in_dim3A_80 = vector.broadcast %broadcast_in_dim3A_79 : i32 to vector<16xi32>
      %broadcast_in_dim3A_81 = arith.constant 1 : i32
      %broadcast_in_dim3A_82 = vector.broadcast %broadcast_in_dim3A_81 : i32 to vector<16xi32>
      %parallel_loop3A_83 = arith.constant 0 : i32
      %parallel_loop3A_84 = arith.constant 256 : i32
      %parallel_loop3A_85 = arith.constant 1 : i32
      scf.for %parallel_loop3A_221 = %parallel_loop3A_83 to %parallel_loop3A_84 step %parallel_loop3A_85  : i32 {
        %parallel_loop3A_222 = arith.constant 0 : i32
        %parallel_loop3A_223 = vector.broadcast %parallel_loop3A_222 : i32 to vector<16xi32>
        %parallel_loop3A_224 = arith.constant 16 : i32
        %parallel_loop3A_225 = arith.muli %parallel_loop3A_221, %parallel_loop3A_224 : i32
        %parallel_loop3A_226 = arith.index_cast %parallel_loop3A_225 : i32 to index
        %parallel_loop3A_227 = tpu.vector_load %arg10[%parallel_loop3A_226] {strides = array<i32>} : memref<4096xi32, #tpu.memory_space<vmem>>, vector<16xi32>,
        tpu.vector_store %arg10[%parallel_loop3A_226], %parallel_loop3A_223 {strides = array<i32>} : memref<4096xi32, #tpu.memory_space<vmem>>, vector<16xi32>,
      } {sc.loop_unroll_factor = 8 : i64, sc.parallel_access}
      %parallel_loop3A_86 = arith.constant 0 : i32
      %parallel_loop3A_87 = arith.constant 1 : i32
      scf.for %parallel_loop3A_221 = %parallel_loop3A_86 to %shift_right_logical3A_41 step %parallel_loop3A_87  : i32 {
        %parallel_loop3A_222 = vector.broadcast %parallel_loop3A_221 : i32 to vector<16xi32>
        %parallel_loop3A_223 = arith.addi %mul3A_78, %parallel_loop3A_222 : vector<16xi32>
        %parallel_loop3A_224 = tpu.vector_load_idx %arg6[%parallel_loop3A_223] : memref<8192xi32, #tpu.memory_space<vmem>>[vector<16xi32>], vector<16xi32>,
        %parallel_loop3A_225 = arith.shrui %parallel_loop3A_224, %broadcast_in_dim3A_80 : vector<16xi32>
        %parallel_loop3A_226 = arith.constant 255 : i32
        %parallel_loop3A_227 = vector.broadcast %parallel_loop3A_226 : i32 to vector<16xi32>
        %parallel_loop3A_228 = arith.andi %parallel_loop3A_225, %parallel_loop3A_227 : vector<16xi32>
        %parallel_loop3A_229 = arith.constant 16 : i32
        %parallel_loop3A_230 = vector.broadcast %parallel_loop3A_229 : i32 to vector<16xi32>
        %parallel_loop3A_231 = arith.muli %parallel_loop3A_228, %parallel_loop3A_230 : vector<16xi32>
        %parallel_loop3A_232 = arith.addi %parallel_loop3A_231, %iota3A : vector<16xi32>
        %parallel_loop3A_233 = arith.constant 16 : i32
        %parallel_loop3A_234 = arith.muli %parallel_loop3A_221, %parallel_loop3A_233 : i32
        %parallel_loop3A_235 = arith.index_cast %parallel_loop3A_234 : i32 to index
        %parallel_loop3A_236 = tpu.vector_load %arg14[%parallel_loop3A_235] {strides = array<i32>} : memref<8192xi32, #tpu.memory_space<vmem>>, vector<16xi32>,
        tpu.vector_store %arg14[%parallel_loop3A_235], %parallel_loop3A_232 {strides = array<i32>} : memref<8192xi32, #tpu.memory_space<vmem>>, vector<16xi32>,
        tpu.vector_store_idx %arg10[%parallel_loop3A_232], %broadcast_in_dim3A_82 {add = true} : memref<4096xi32, #tpu.memory_space<vmem>>[vector<16xi32>], vector<16xi32>,
      } {sc.loop_unroll_factor = 4 : i64, sc.parallel_access}
      %parallel_loop3A_88 = arith.constant 0 : i32
      %parallel_loop3A_89 = arith.constant 256 : i32
      %parallel_loop3A_90 = arith.constant 1 : i32
      scf.for %parallel_loop3A_221 = %parallel_loop3A_88 to %parallel_loop3A_89 step %parallel_loop3A_90  : i32 {
        %parallel_loop3A_222 = arith.constant 16 : i32
        %parallel_loop3A_223 = arith.muli %parallel_loop3A_221, %parallel_loop3A_222 : i32
        %parallel_loop3A_224 = arith.index_cast %parallel_loop3A_223 : i32 to index
        %parallel_loop3A_225 = tpu.vector_load %arg10[%parallel_loop3A_224] {strides = array<i32>} : memref<4096xi32, #tpu.memory_space<vmem>>, vector<16xi32>,
        %parallel_loop3A_226 = arith.constant true
        %parallel_loop3A_227 = vector.broadcast %parallel_loop3A_226 : i1 to vector<16xi1>
        %parallel_loop3A_228 = tpu.scan <sum>, %parallel_loop3A_225 masked %parallel_loop3A_227 : vector<16xi32>, vector<16xi1> -> vector<16xi32>
        %parallel_loop3A_229 = arith.subi %parallel_loop3A_228, %parallel_loop3A_225 : vector<16xi32>
        %parallel_loop3A_230 = arith.index_cast %parallel_loop3A_223 : i32 to index
        %parallel_loop3A_231 = tpu.vector_load %arg10[%parallel_loop3A_230] {strides = array<i32>} : memref<4096xi32, #tpu.memory_space<vmem>>, vector<16xi32>,
        tpu.vector_store %arg10[%parallel_loop3A_230], %parallel_loop3A_229 {strides = array<i32>} : memref<4096xi32, #tpu.memory_space<vmem>>, vector<16xi32>,
        %parallel_loop3A_232 = arith.index_cast %parallel_loop3A_223 : i32 to index
        %parallel_loop3A_233 = tpu.vector_load %arg16[%parallel_loop3A_232] {strides = array<i32>} : memref<4096xi32, #tpu.memory_space<vmem>>, vector<16xi32>,
        tpu.vector_store %arg16[%parallel_loop3A_232], %parallel_loop3A_228 {strides = array<i32>} : memref<4096xi32, #tpu.memory_space<vmem>>, vector<16xi32>,
      } {sc.loop_unroll_factor = 4 : i64, sc.parallel_access}
      %scan3A_91 = arith.constant 0 : i32
      %scan3A_92 = arith.constant 0 : i32
      %scan3A_93 = arith.constant 16 : i32
      %scan3A_94 = arith.addi %scan3A_92, %scan3A_93 : i32
      %scan3A_95 = arith.constant 1 : i32
      %scan3A_96 = scf.for %scan3A_221 = %scan3A_92 to %scan3A_94 step %scan3A_95 iter_args(%scan3A_222 = %scan3A_91) -> (i32)  : i32 {
        %mul3A_223 = arith.constant 256 : i32
        %mul3A_224 = arith.muli %scan3A_221, %mul3A_223 : i32
        %mul3A_225 = arith.constant 16 : i32
        %mul3A_226 = vector.broadcast %mul3A_225 : i32 to vector<16xi32>
        %mul3A_227 = arith.muli %iota3A, %mul3A_226 : vector<16xi32>
        %add3A_228 = vector.broadcast %mul3A_224 : i32 to vector<16xi32>
        %add3A_229 = arith.addi %add3A_228, %mul3A_227 : vector<16xi32>
        %add3A_230 = arith.constant 15 : i32
        %add3A_231 = vector.broadcast %add3A_230 : i32 to vector<16xi32>
        %add3A_232 = arith.addi %add3A_229, %add3A_231 : vector<16xi32>
        %gather3A = tpu.vector_load_idx %arg16[%add3A_232] : memref<4096xi32, #tpu.memory_space<vmem>>[vector<16xi32>], vector<16xi32>,
        %broadcast_in_dim3A_233 = arith.constant true
        %broadcast_in_dim3A_234 = vector.broadcast %broadcast_in_dim3A_233 : i1 to vector<16xi1>
        %masked_cumsum3A = tpu.scan <sum>, %gather3A masked %broadcast_in_dim3A_234 : vector<16xi32>, vector<16xi1> -> vector<16xi32>
        %sub3A = arith.subi %masked_cumsum3A, %gather3A : vector<16xi32>
        %add3A_235 = vector.broadcast %scan3A_222 : i32 to vector<16xi32>
        %add3A_236 = arith.addi %sub3A, %add3A_235 : vector<16xi32>
        %mul3A_237 = arith.constant 16 : i32
        %mul3A_238 = arith.muli %scan3A_221, %mul3A_237 : i32
        %swap3A_239 = arith.index_cast %mul3A_238 : i32 to index
        %swap3A_240 = tpu.vector_load %arg17[%swap3A_239] {strides = array<i32>} : memref<256xi32, #tpu.memory_space<vmem>>, vector<16xi32>,
        tpu.vector_store %arg17[%swap3A_239], %add3A_236 {strides = array<i32>} : memref<256xi32, #tpu.memory_space<vmem>>, vector<16xi32>,
        %slice3A = vector.extract_strided_slice %masked_cumsum3A {offsets = [15], sizes = [1], strides = [1]} : vector<16xi32> to vector<1xi32>
        %squeeze3A = vector.extract %slice3A[0] : i32 from vector<1xi32>
        %add3A_241 = arith.addi %scan3A_222, %squeeze3A : i32
        scf.yield %add3A_241 : i32
      }
      %scan3A_97 = arith.constant 16 : i32
      %parallel_loop3A_98 = arith.constant 0 : i32
      %parallel_loop3A_99 = arith.constant 256 : i32
      %parallel_loop3A_100 = arith.constant 1 : i32
      scf.for %parallel_loop3A_221 = %parallel_loop3A_98 to %parallel_loop3A_99 step %parallel_loop3A_100  : i32 {
        %parallel_loop3A_222 = arith.constant 16 : i32
        %parallel_loop3A_223 = arith.muli %parallel_loop3A_221, %parallel_loop3A_222 : i32
        %parallel_loop3A_224 = vector.broadcast %parallel_loop3A_221 : i32 to vector<16xi32>
        %parallel_loop3A_225 = tpu.vector_load_idx %arg17[%parallel_loop3A_224] : memref<256xi32, #tpu.memory_space<vmem>>[vector<16xi32>], vector<16xi32>,
        %parallel_loop3A_226 = arith.index_cast %parallel_loop3A_223 : i32 to index
        %parallel_loop3A_227 = tpu.vector_load %arg10[%parallel_loop3A_226] {strides = array<i32>} : memref<4096xi32, #tpu.memory_space<vmem>>, vector<16xi32>,
        %parallel_loop3A_228 = arith.addi %parallel_loop3A_227, %parallel_loop3A_225 : vector<16xi32>
        %parallel_loop3A_229 = arith.index_cast %parallel_loop3A_223 : i32 to index
        %parallel_loop3A_230 = tpu.vector_load %arg10[%parallel_loop3A_229] {strides = array<i32>} : memref<4096xi32, #tpu.memory_space<vmem>>, vector<16xi32>,
        tpu.vector_store %arg10[%parallel_loop3A_229], %parallel_loop3A_228 {strides = array<i32>} : memref<4096xi32, #tpu.memory_space<vmem>>, vector<16xi32>,
      } {sc.loop_unroll_factor = 4 : i64, sc.parallel_access}
      %while3A_101 = arith.constant 0 : i32
      %while3A_102 = arith.constant 0 : i32
      %while3A_103 = arith.subi %shift_right_logical3A_41, %while3A_102 : i32
      %while3A_104 = arith.addi %while3A_102, %while3A_103 : i32
      %while3A_105 = arith.constant 1 : i32
      %while3A_106 = arith.divsi %while3A_103, %while3A_105 : i32
      %while3A_107 = arith.muli %while3A_106, %while3A_105 : i32
      %while3A_108 = arith.addi %while3A_102, %while3A_107 : i32
      %while3A_109 = arith.constant 1 : i32
      scf.for %while3A_221 = %while3A_102 to %while3A_108 step %while3A_109  : i32 {
        %mul3A_222 = arith.constant 16 : i32
        %mul3A_223 = arith.muli %while3A_221, %mul3A_222 : i32
        %get3A_224 = arith.index_cast %mul3A_223 : i32 to index
        %get3A_225 = tpu.vector_load %arg14[%get3A_224] {strides = array<i32>} : memref<8192xi32, #tpu.memory_space<vmem>>, vector<16xi32>,
        %gather3A = tpu.vector_load_idx %arg10[%get3A_225] : memref<4096xi32, #tpu.memory_space<vmem>>[vector<16xi32>], vector<16xi32>,
        %add3A_226 = arith.constant 1 : i32
        %add3A_227 = vector.broadcast %add3A_226 : i32 to vector<16xi32>
        %add3A_228 = arith.addi %gather3A, %add3A_227 : vector<16xi32>
        tpu.vector_store_idx %arg10[%get3A_225], %add3A_228 : memref<4096xi32, #tpu.memory_space<vmem>>[vector<16xi32>], vector<16xi32>,
        %swap3A_229 = arith.index_cast %mul3A_223 : i32 to index
        %swap3A_230 = tpu.vector_load %arg15[%swap3A_229] {strides = array<i32>} : memref<8192xi32, #tpu.memory_space<vmem>>, vector<16xi32>,
        tpu.vector_store %arg15[%swap3A_229], %gather3A {strides = array<i32>} : memref<8192xi32, #tpu.memory_space<vmem>>, vector<16xi32>,
      }
      %while3A_110 = arith.constant 1 : i32
      scf.for %while3A_221 = %while3A_108 to %while3A_104 step %while3A_110  : i32 {
        %mul3A_222 = arith.constant 16 : i32
        %mul3A_223 = arith.muli %while3A_221, %mul3A_222 : i32
        %get3A_224 = arith.index_cast %mul3A_223 : i32 to index
        %get3A_225 = tpu.vector_load %arg14[%get3A_224] {strides = array<i32>} : memref<8192xi32, #tpu.memory_space<vmem>>, vector<16xi32>,
        %gather3A = tpu.vector_load_idx %arg10[%get3A_225] : memref<4096xi32, #tpu.memory_space<vmem>>[vector<16xi32>], vector<16xi32>,
        %add3A_226 = arith.constant 1 : i32
        %add3A_227 = vector.broadcast %add3A_226 : i32 to vector<16xi32>
        %add3A_228 = arith.addi %gather3A, %add3A_227 : vector<16xi32>
        tpu.vector_store_idx %arg10[%get3A_225], %add3A_228 : memref<4096xi32, #tpu.memory_space<vmem>>[vector<16xi32>], vector<16xi32>,
        %swap3A_229 = arith.index_cast %mul3A_223 : i32 to index
        %swap3A_230 = tpu.vector_load %arg15[%swap3A_229] {strides = array<i32>} : memref<8192xi32, #tpu.memory_space<vmem>>, vector<16xi32>,
        tpu.vector_store %arg15[%swap3A_229], %gather3A {strides = array<i32>} : memref<8192xi32, #tpu.memory_space<vmem>>, vector<16xi32>,
      }
      %parallel_loop3A_111 = arith.constant 0 : i32
      %parallel_loop3A_112 = arith.constant 1 : i32
      scf.for %parallel_loop3A_221 = %parallel_loop3A_111 to %shift_right_logical3A_41 step %parallel_loop3A_112  : i32 {
        %parallel_loop3A_222 = vector.broadcast %parallel_loop3A_221 : i32 to vector<16xi32>
        %parallel_loop3A_223 = arith.addi %mul3A_78, %parallel_loop3A_222 : vector<16xi32>
        %parallel_loop3A_224 = arith.constant 16 : i32
        %parallel_loop3A_225 = arith.muli %parallel_loop3A_221, %parallel_loop3A_224 : i32
        %parallel_loop3A_226 = arith.index_cast %parallel_loop3A_225 : i32 to index
        %parallel_loop3A_227 = tpu.vector_load %arg15[%parallel_loop3A_226] {strides = array<i32>} : memref<8192xi32, #tpu.memory_space<vmem>>, vector<16xi32>,
        %parallel_loop3A_228 = tpu.vector_load_idx %arg6[%parallel_loop3A_223] : memref<8192xi32, #tpu.memory_space<vmem>>[vector<16xi32>], vector<16xi32>,
        tpu.vector_store_idx %arg7[%parallel_loop3A_227], %parallel_loop3A_228 : memref<8208xi32, #tpu.memory_space<vmem>>[vector<16xi32>], vector<16xi32>,
        %parallel_loop3A_229 = tpu.vector_load_idx %arg8[%parallel_loop3A_223] : memref<8192xi32, #tpu.memory_space<vmem>>[vector<16xi32>], vector<16xi32>,
        tpu.vector_store_idx %arg9[%parallel_loop3A_227], %parallel_loop3A_229 : memref<8208xi32, #tpu.memory_space<vmem>>[vector<16xi32>], vector<16xi32>,
      } {sc.loop_unroll_factor = 4 : i64, sc.parallel_access}
      %mul3A_113 = vector.broadcast %shift_right_logical3A_41 : i32 to vector<16xi32>
      %mul3A_114 = arith.muli %iota3A, %mul3A_113 : vector<16xi32>
      %broadcast_in_dim3A_115 = arith.constant 16 : i32
      %broadcast_in_dim3A_116 = vector.broadcast %broadcast_in_dim3A_115 : i32 to vector<16xi32>
      %broadcast_in_dim3A_117 = arith.constant 1 : i32
      %broadcast_in_dim3A_118 = vector.broadcast %broadcast_in_dim3A_117 : i32 to vector<16xi32>
      %parallel_loop3A_119 = arith.constant 0 : i32
      %parallel_loop3A_120 = arith.constant 256 : i32
      %parallel_loop3A_121 = arith.constant 1 : i32
      scf.for %parallel_loop3A_221 = %parallel_loop3A_119 to %parallel_loop3A_120 step %parallel_loop3A_121  : i32 {
        %parallel_loop3A_222 = arith.constant 0 : i32
        %parallel_loop3A_223 = vector.broadcast %parallel_loop3A_222 : i32 to vector<16xi32>
        %parallel_loop3A_224 = arith.constant 16 : i32
        %parallel_loop3A_225 = arith.muli %parallel_loop3A_221, %parallel_loop3A_224 : i32
        %parallel_loop3A_226 = arith.index_cast %parallel_loop3A_225 : i32 to index
        %parallel_loop3A_227 = tpu.vector_load %arg10[%parallel_loop3A_226] {strides = array<i32>} : memref<4096xi32, #tpu.memory_space<vmem>>, vector<16xi32>,
        tpu.vector_store %arg10[%parallel_loop3A_226], %parallel_loop3A_223 {strides = array<i32>} : memref<4096xi32, #tpu.memory_space<vmem>>, vector<16xi32>,
      } {sc.loop_unroll_factor = 8 : i64, sc.parallel_access}
      %parallel_loop3A_122 = arith.constant 0 : i32
      %parallel_loop3A_123 = arith.constant 1 : i32
      scf.for %parallel_loop3A_221 = %parallel_loop3A_122 to %shift_right_logical3A_41 step %parallel_loop3A_123  : i32 {
        %parallel_loop3A_222 = vector.broadcast %parallel_loop3A_221 : i32 to vector<16xi32>
        %parallel_loop3A_223 = arith.addi %mul3A_114, %parallel_loop3A_222 : vector<16xi32>
        %parallel_loop3A_224 = tpu.vector_load_idx %arg7[%parallel_loop3A_223] : memref<8208xi32, #tpu.memory_space<vmem>>[vector<16xi32>], vector<16xi32>,
        %parallel_loop3A_225 = arith.shrui %parallel_loop3A_224, %broadcast_in_dim3A_116 : vector<16xi32>
        %parallel_loop3A_226 = arith.constant 255 : i32
        %parallel_loop3A_227 = vector.broadcast %parallel_loop3A_226 : i32 to vector<16xi32>
        %parallel_loop3A_228 = arith.andi %parallel_loop3A_225, %parallel_loop3A_227 : vector<16xi32>
        %parallel_loop3A_229 = arith.constant 16 : i32
        %parallel_loop3A_230 = vector.broadcast %parallel_loop3A_229 : i32 to vector<16xi32>
        %parallel_loop3A_231 = arith.muli %parallel_loop3A_228, %parallel_loop3A_230 : vector<16xi32>
        %parallel_loop3A_232 = arith.addi %parallel_loop3A_231, %iota3A : vector<16xi32>
        %parallel_loop3A_233 = arith.constant 16 : i32
        %parallel_loop3A_234 = arith.muli %parallel_loop3A_221, %parallel_loop3A_233 : i32
        %parallel_loop3A_235 = arith.index_cast %parallel_loop3A_234 : i32 to index
        %parallel_loop3A_236 = tpu.vector_load %arg14[%parallel_loop3A_235] {strides = array<i32>} : memref<8192xi32, #tpu.memory_space<vmem>>, vector<16xi32>,
        tpu.vector_store %arg14[%parallel_loop3A_235], %parallel_loop3A_232 {strides = array<i32>} : memref<8192xi32, #tpu.memory_space<vmem>>, vector<16xi32>,
        tpu.vector_store_idx %arg10[%parallel_loop3A_232], %broadcast_in_dim3A_118 {add = true} : memref<4096xi32, #tpu.memory_space<vmem>>[vector<16xi32>], vector<16xi32>,
      } {sc.loop_unroll_factor = 4 : i64, sc.parallel_access}
      %parallel_loop3A_124 = arith.constant 0 : i32
      %parallel_loop3A_125 = arith.constant 256 : i32
      %parallel_loop3A_126 = arith.constant 1 : i32
      scf.for %parallel_loop3A_221 = %parallel_loop3A_124 to %parallel_loop3A_125 step %parallel_loop3A_126  : i32 {
        %parallel_loop3A_222 = arith.constant 16 : i32
        %parallel_loop3A_223 = arith.muli %parallel_loop3A_221, %parallel_loop3A_222 : i32
        %parallel_loop3A_224 = arith.index_cast %parallel_loop3A_223 : i32 to index
        %parallel_loop3A_225 = tpu.vector_load %arg10[%parallel_loop3A_224] {strides = array<i32>} : memref<4096xi32, #tpu.memory_space<vmem>>, vector<16xi32>,
        %parallel_loop3A_226 = arith.constant true
        %parallel_loop3A_227 = vector.broadcast %parallel_loop3A_226 : i1 to vector<16xi1>
        %parallel_loop3A_228 = tpu.scan <sum>, %parallel_loop3A_225 masked %parallel_loop3A_227 : vector<16xi32>, vector<16xi1> -> vector<16xi32>
        %parallel_loop3A_229 = arith.subi %parallel_loop3A_228, %parallel_loop3A_225 : vector<16xi32>
        %parallel_loop3A_230 = arith.index_cast %parallel_loop3A_223 : i32 to index
        %parallel_loop3A_231 = tpu.vector_load %arg10[%parallel_loop3A_230] {strides = array<i32>} : memref<4096xi32, #tpu.memory_space<vmem>>, vector<16xi32>,
        tpu.vector_store %arg10[%parallel_loop3A_230], %parallel_loop3A_229 {strides = array<i32>} : memref<4096xi32, #tpu.memory_space<vmem>>, vector<16xi32>,
        %parallel_loop3A_232 = arith.index_cast %parallel_loop3A_223 : i32 to index
        %parallel_loop3A_233 = tpu.vector_load %arg16[%parallel_loop3A_232] {strides = array<i32>} : memref<4096xi32, #tpu.memory_space<vmem>>, vector<16xi32>,
        tpu.vector_store %arg16[%parallel_loop3A_232], %parallel_loop3A_228 {strides = array<i32>} : memref<4096xi32, #tpu.memory_space<vmem>>, vector<16xi32>,
      } {sc.loop_unroll_factor = 4 : i64, sc.parallel_access}
      %scan3A_127 = arith.constant 0 : i32
      %scan3A_128 = arith.constant 0 : i32
      %scan3A_129 = arith.constant 16 : i32
      %scan3A_130 = arith.addi %scan3A_128, %scan3A_129 : i32
      %scan3A_131 = arith.constant 1 : i32
      %scan3A_132 = scf.for %scan3A_221 = %scan3A_128 to %scan3A_130 step %scan3A_131 iter_args(%scan3A_222 = %scan3A_127) -> (i32)  : i32 {
        %mul3A_223 = arith.constant 256 : i32
        %mul3A_224 = arith.muli %scan3A_221, %mul3A_223 : i32
        %mul3A_225 = arith.constant 16 : i32
        %mul3A_226 = vector.broadcast %mul3A_225 : i32 to vector<16xi32>
        %mul3A_227 = arith.muli %iota3A, %mul3A_226 : vector<16xi32>
        %add3A_228 = vector.broadcast %mul3A_224 : i32 to vector<16xi32>
        %add3A_229 = arith.addi %add3A_228, %mul3A_227 : vector<16xi32>
        %add3A_230 = arith.constant 15 : i32
        %add3A_231 = vector.broadcast %add3A_230 : i32 to vector<16xi32>
        %add3A_232 = arith.addi %add3A_229, %add3A_231 : vector<16xi32>
        %gather3A = tpu.vector_load_idx %arg16[%add3A_232] : memref<4096xi32, #tpu.memory_space<vmem>>[vector<16xi32>], vector<16xi32>,
        %broadcast_in_dim3A_233 = arith.constant true
        %broadcast_in_dim3A_234 = vector.broadcast %broadcast_in_dim3A_233 : i1 to vector<16xi1>
        %masked_cumsum3A = tpu.scan <sum>, %gather3A masked %broadcast_in_dim3A_234 : vector<16xi32>, vector<16xi1> -> vector<16xi32>
        %sub3A = arith.subi %masked_cumsum3A, %gather3A : vector<16xi32>
        %add3A_235 = vector.broadcast %scan3A_222 : i32 to vector<16xi32>
        %add3A_236 = arith.addi %sub3A, %add3A_235 : vector<16xi32>
        %mul3A_237 = arith.constant 16 : i32
        %mul3A_238 = arith.muli %scan3A_221, %mul3A_237 : i32
        %swap3A_239 = arith.index_cast %mul3A_238 : i32 to index
        %swap3A_240 = tpu.vector_load %arg17[%swap3A_239] {strides = array<i32>} : memref<256xi32, #tpu.memory_space<vmem>>, vector<16xi32>,
        tpu.vector_store %arg17[%swap3A_239], %add3A_236 {strides = array<i32>} : memref<256xi32, #tpu.memory_space<vmem>>, vector<16xi32>,
        %slice3A = vector.extract_strided_slice %masked_cumsum3A {offsets = [15], sizes = [1], strides = [1]} : vector<16xi32> to vector<1xi32>
        %squeeze3A = vector.extract %slice3A[0] : i32 from vector<1xi32>
        %add3A_241 = arith.addi %scan3A_222, %squeeze3A : i32
        scf.yield %add3A_241 : i32
      }
      %scan3A_133 = arith.constant 16 : i32
      %parallel_loop3A_134 = arith.constant 0 : i32
      %parallel_loop3A_135 = arith.constant 256 : i32
      %parallel_loop3A_136 = arith.constant 1 : i32
      scf.for %parallel_loop3A_221 = %parallel_loop3A_134 to %parallel_loop3A_135 step %parallel_loop3A_136  : i32 {
        %parallel_loop3A_222 = arith.constant 16 : i32
        %parallel_loop3A_223 = arith.muli %parallel_loop3A_221, %parallel_loop3A_222 : i32
        %parallel_loop3A_224 = vector.broadcast %parallel_loop3A_221 : i32 to vector<16xi32>
        %parallel_loop3A_225 = tpu.vector_load_idx %arg17[%parallel_loop3A_224] : memref<256xi32, #tpu.memory_space<vmem>>[vector<16xi32>], vector<16xi32>,
        %parallel_loop3A_226 = arith.index_cast %parallel_loop3A_223 : i32 to index
        %parallel_loop3A_227 = tpu.vector_load %arg10[%parallel_loop3A_226] {strides = array<i32>} : memref<4096xi32, #tpu.memory_space<vmem>>, vector<16xi32>,
        %parallel_loop3A_228 = arith.addi %parallel_loop3A_227, %parallel_loop3A_225 : vector<16xi32>
        %parallel_loop3A_229 = arith.index_cast %parallel_loop3A_223 : i32 to index
        %parallel_loop3A_230 = tpu.vector_load %arg10[%parallel_loop3A_229] {strides = array<i32>} : memref<4096xi32, #tpu.memory_space<vmem>>, vector<16xi32>,
        tpu.vector_store %arg10[%parallel_loop3A_229], %parallel_loop3A_228 {strides = array<i32>} : memref<4096xi32, #tpu.memory_space<vmem>>, vector<16xi32>,
      } {sc.loop_unroll_factor = 4 : i64, sc.parallel_access}
      %while3A_137 = arith.constant 0 : i32
      %while3A_138 = arith.constant 0 : i32
      %while3A_139 = arith.subi %shift_right_logical3A_41, %while3A_138 : i32
      %while3A_140 = arith.addi %while3A_138, %while3A_139 : i32
      %while3A_141 = arith.constant 1 : i32
      %while3A_142 = arith.divsi %while3A_139, %while3A_141 : i32
      %while3A_143 = arith.muli %while3A_142, %while3A_141 : i32
      %while3A_144 = arith.addi %while3A_138, %while3A_143 : i32
      %while3A_145 = arith.constant 1 : i32
      scf.for %while3A_221 = %while3A_138 to %while3A_144 step %while3A_145  : i32 {
        %mul3A_222 = arith.constant 16 : i32
        %mul3A_223 = arith.muli %while3A_221, %mul3A_222 : i32
        %get3A_224 = arith.index_cast %mul3A_223 : i32 to index
        %get3A_225 = tpu.vector_load %arg14[%get3A_224] {strides = array<i32>} : memref<8192xi32, #tpu.memory_space<vmem>>, vector<16xi32>,
        %gather3A = tpu.vector_load_idx %arg10[%get3A_225] : memref<4096xi32, #tpu.memory_space<vmem>>[vector<16xi32>], vector<16xi32>,
        %add3A_226 = arith.constant 1 : i32
        %add3A_227 = vector.broadcast %add3A_226 : i32 to vector<16xi32>
        %add3A_228 = arith.addi %gather3A, %add3A_227 : vector<16xi32>
        tpu.vector_store_idx %arg10[%get3A_225], %add3A_228 : memref<4096xi32, #tpu.memory_space<vmem>>[vector<16xi32>], vector<16xi32>,
        %swap3A_229 = arith.index_cast %mul3A_223 : i32 to index
        %swap3A_230 = tpu.vector_load %arg15[%swap3A_229] {strides = array<i32>} : memref<8192xi32, #tpu.memory_space<vmem>>, vector<16xi32>,
        tpu.vector_store %arg15[%swap3A_229], %gather3A {strides = array<i32>} : memref<8192xi32, #tpu.memory_space<vmem>>, vector<16xi32>,
      }
      %while3A_146 = arith.constant 1 : i32
      scf.for %while3A_221 = %while3A_144 to %while3A_140 step %while3A_146  : i32 {
        %mul3A_222 = arith.constant 16 : i32
        %mul3A_223 = arith.muli %while3A_221, %mul3A_222 : i32
        %get3A_224 = arith.index_cast %mul3A_223 : i32 to index
        %get3A_225 = tpu.vector_load %arg14[%get3A_224] {strides = array<i32>} : memref<8192xi32, #tpu.memory_space<vmem>>, vector<16xi32>,
        %gather3A = tpu.vector_load_idx %arg10[%get3A_225] : memref<4096xi32, #tpu.memory_space<vmem>>[vector<16xi32>], vector<16xi32>,
        %add3A_226 = arith.constant 1 : i32
        %add3A_227 = vector.broadcast %add3A_226 : i32 to vector<16xi32>
        %add3A_228 = arith.addi %gather3A, %add3A_227 : vector<16xi32>
        tpu.vector_store_idx %arg10[%get3A_225], %add3A_228 : memref<4096xi32, #tpu.memory_space<vmem>>[vector<16xi32>], vector<16xi32>,
        %swap3A_229 = arith.index_cast %mul3A_223 : i32 to index
        %swap3A_230 = tpu.vector_load %arg15[%swap3A_229] {strides = array<i32>} : memref<8192xi32, #tpu.memory_space<vmem>>, vector<16xi32>,
        tpu.vector_store %arg15[%swap3A_229], %gather3A {strides = array<i32>} : memref<8192xi32, #tpu.memory_space<vmem>>, vector<16xi32>,
      }
      %parallel_loop3A_147 = arith.constant 0 : i32
      %parallel_loop3A_148 = arith.constant 1 : i32
      scf.for %parallel_loop3A_221 = %parallel_loop3A_147 to %shift_right_logical3A_41 step %parallel_loop3A_148  : i32 {
        %parallel_loop3A_222 = vector.broadcast %parallel_loop3A_221 : i32 to vector<16xi32>
        %parallel_loop3A_223 = arith.addi %mul3A_114, %parallel_loop3A_222 : vector<16xi32>
        %parallel_loop3A_224 = arith.constant 16 : i32
        %parallel_loop3A_225 = arith.muli %parallel_loop3A_221, %parallel_loop3A_224 : i32
        %parallel_loop3A_226 = arith.index_cast %parallel_loop3A_225 : i32 to index
        %parallel_loop3A_227 = tpu.vector_load %arg15[%parallel_loop3A_226] {strides = array<i32>} : memref<8192xi32, #tpu.memory_space<vmem>>, vector<16xi32>,
        %parallel_loop3A_228 = tpu.vector_load_idx %arg7[%parallel_loop3A_223] : memref<8208xi32, #tpu.memory_space<vmem>>[vector<16xi32>], vector<16xi32>,
        tpu.vector_store_idx %arg6[%parallel_loop3A_227], %parallel_loop3A_228 : memref<8192xi32, #tpu.memory_space<vmem>>[vector<16xi32>], vector<16xi32>,
        %parallel_loop3A_229 = tpu.vector_load_idx %arg9[%parallel_loop3A_223] : memref<8208xi32, #tpu.memory_space<vmem>>[vector<16xi32>], vector<16xi32>,
        tpu.vector_store_idx %arg8[%parallel_loop3A_227], %parallel_loop3A_229 : memref<8192xi32, #tpu.memory_space<vmem>>[vector<16xi32>], vector<16xi32>,
      } {sc.loop_unroll_factor = 4 : i64, sc.parallel_access}
      %mul3A_149 = vector.broadcast %shift_right_logical3A_41 : i32 to vector<16xi32>
      %mul3A_150 = arith.muli %iota3A, %mul3A_149 : vector<16xi32>
      %broadcast_in_dim3A_151 = arith.constant 24 : i32
      %broadcast_in_dim3A_152 = vector.broadcast %broadcast_in_dim3A_151 : i32 to vector<16xi32>
      %broadcast_in_dim3A_153 = arith.constant 1 : i32
      %broadcast_in_dim3A_154 = vector.broadcast %broadcast_in_dim3A_153 : i32 to vector<16xi32>
      %parallel_loop3A_155 = arith.constant 0 : i32
      %parallel_loop3A_156 = arith.constant 256 : i32
      %parallel_loop3A_157 = arith.constant 1 : i32
      scf.for %parallel_loop3A_221 = %parallel_loop3A_155 to %parallel_loop3A_156 step %parallel_loop3A_157  : i32 {
        %parallel_loop3A_222 = arith.constant 0 : i32
        %parallel_loop3A_223 = vector.broadcast %parallel_loop3A_222 : i32 to vector<16xi32>
        %parallel_loop3A_224 = arith.constant 16 : i32
        %parallel_loop3A_225 = arith.muli %parallel_loop3A_221, %parallel_loop3A_224 : i32
        %parallel_loop3A_226 = arith.index_cast %parallel_loop3A_225 : i32 to index
        %parallel_loop3A_227 = tpu.vector_load %arg10[%parallel_loop3A_226] {strides = array<i32>} : memref<4096xi32, #tpu.memory_space<vmem>>, vector<16xi32>,
        tpu.vector_store %arg10[%parallel_loop3A_226], %parallel_loop3A_223 {strides = array<i32>} : memref<4096xi32, #tpu.memory_space<vmem>>, vector<16xi32>,
      } {sc.loop_unroll_factor = 8 : i64, sc.parallel_access}
      %parallel_loop3A_158 = arith.constant 0 : i32
      %parallel_loop3A_159 = arith.constant 1 : i32
      scf.for %parallel_loop3A_221 = %parallel_loop3A_158 to %shift_right_logical3A_41 step %parallel_loop3A_159  : i32 {
        %parallel_loop3A_222 = vector.broadcast %parallel_loop3A_221 : i32 to vector<16xi32>
        %parallel_loop3A_223 = arith.addi %mul3A_150, %parallel_loop3A_222 : vector<16xi32>
        %parallel_loop3A_224 = tpu.vector_load_idx %arg6[%parallel_loop3A_223] : memref<8192xi32, #tpu.memory_space<vmem>>[vector<16xi32>], vector<16xi32>,
        %parallel_loop3A_225 = arith.shrui %parallel_loop3A_224, %broadcast_in_dim3A_152 : vector<16xi32>
        %parallel_loop3A_226 = arith.constant 255 : i32
        %parallel_loop3A_227 = vector.broadcast %parallel_loop3A_226 : i32 to vector<16xi32>
        %parallel_loop3A_228 = arith.andi %parallel_loop3A_225, %parallel_loop3A_227 : vector<16xi32>
        %parallel_loop3A_229 = arith.constant 16 : i32
        %parallel_loop3A_230 = vector.broadcast %parallel_loop3A_229 : i32 to vector<16xi32>
        %parallel_loop3A_231 = arith.muli %parallel_loop3A_228, %parallel_loop3A_230 : vector<16xi32>
        %parallel_loop3A_232 = arith.addi %parallel_loop3A_231, %iota3A : vector<16xi32>
        %parallel_loop3A_233 = arith.constant 16 : i32
        %parallel_loop3A_234 = arith.muli %parallel_loop3A_221, %parallel_loop3A_233 : i32
        %parallel_loop3A_235 = arith.index_cast %parallel_loop3A_234 : i32 to index
        %parallel_loop3A_236 = tpu.vector_load %arg14[%parallel_loop3A_235] {strides = array<i32>} : memref<8192xi32, #tpu.memory_space<vmem>>, vector<16xi32>,
        tpu.vector_store %arg14[%parallel_loop3A_235], %parallel_loop3A_232 {strides = array<i32>} : memref<8192xi32, #tpu.memory_space<vmem>>, vector<16xi32>,
        tpu.vector_store_idx %arg10[%parallel_loop3A_232], %broadcast_in_dim3A_154 {add = true} : memref<4096xi32, #tpu.memory_space<vmem>>[vector<16xi32>], vector<16xi32>,
      } {sc.loop_unroll_factor = 4 : i64, sc.parallel_access}
      %parallel_loop3A_160 = arith.constant 0 : i32
      %parallel_loop3A_161 = arith.constant 256 : i32
      %parallel_loop3A_162 = arith.constant 1 : i32
      scf.for %parallel_loop3A_221 = %parallel_loop3A_160 to %parallel_loop3A_161 step %parallel_loop3A_162  : i32 {
        %parallel_loop3A_222 = arith.constant 16 : i32
        %parallel_loop3A_223 = arith.muli %parallel_loop3A_221, %parallel_loop3A_222 : i32
        %parallel_loop3A_224 = arith.index_cast %parallel_loop3A_223 : i32 to index
        %parallel_loop3A_225 = tpu.vector_load %arg10[%parallel_loop3A_224] {strides = array<i32>} : memref<4096xi32, #tpu.memory_space<vmem>>, vector<16xi32>,
        %parallel_loop3A_226 = arith.constant true
        %parallel_loop3A_227 = vector.broadcast %parallel_loop3A_226 : i1 to vector<16xi1>
        %parallel_loop3A_228 = tpu.scan <sum>, %parallel_loop3A_225 masked %parallel_loop3A_227 : vector<16xi32>, vector<16xi1> -> vector<16xi32>
        %parallel_loop3A_229 = arith.subi %parallel_loop3A_228, %parallel_loop3A_225 : vector<16xi32>
        %parallel_loop3A_230 = arith.index_cast %parallel_loop3A_223 : i32 to index
        %parallel_loop3A_231 = tpu.vector_load %arg10[%parallel_loop3A_230] {strides = array<i32>} : memref<4096xi32, #tpu.memory_space<vmem>>, vector<16xi32>,
        tpu.vector_store %arg10[%parallel_loop3A_230], %parallel_loop3A_229 {strides = array<i32>} : memref<4096xi32, #tpu.memory_space<vmem>>, vector<16xi32>,
        %parallel_loop3A_232 = arith.index_cast %parallel_loop3A_223 : i32 to index
        %parallel_loop3A_233 = tpu.vector_load %arg16[%parallel_loop3A_232] {strides = array<i32>} : memref<4096xi32, #tpu.memory_space<vmem>>, vector<16xi32>,
        tpu.vector_store %arg16[%parallel_loop3A_232], %parallel_loop3A_228 {strides = array<i32>} : memref<4096xi32, #tpu.memory_space<vmem>>, vector<16xi32>,
      } {sc.loop_unroll_factor = 4 : i64, sc.parallel_access}
      %scan3A_163 = arith.constant 0 : i32
      %scan3A_164 = arith.constant 0 : i32
      %scan3A_165 = arith.constant 16 : i32
      %scan3A_166 = arith.addi %scan3A_164, %scan3A_165 : i32
      %scan3A_167 = arith.constant 1 : i32
      %scan3A_168 = scf.for %scan3A_221 = %scan3A_164 to %scan3A_166 step %scan3A_167 iter_args(%scan3A_222 = %scan3A_163) -> (i32)  : i32 {
        %mul3A_223 = arith.constant 256 : i32
        %mul3A_224 = arith.muli %scan3A_221, %mul3A_223 : i32
        %mul3A_225 = arith.constant 16 : i32
        %mul3A_226 = vector.broadcast %mul3A_225 : i32 to vector<16xi32>
        %mul3A_227 = arith.muli %iota3A, %mul3A_226 : vector<16xi32>
        %add3A_228 = vector.broadcast %mul3A_224 : i32 to vector<16xi32>
        %add3A_229 = arith.addi %add3A_228, %mul3A_227 : vector<16xi32>
        %add3A_230 = arith.constant 15 : i32
        %add3A_231 = vector.broadcast %add3A_230 : i32 to vector<16xi32>
        %add3A_232 = arith.addi %add3A_229, %add3A_231 : vector<16xi32>
        %gather3A = tpu.vector_load_idx %arg16[%add3A_232] : memref<4096xi32, #tpu.memory_space<vmem>>[vector<16xi32>], vector<16xi32>,
        %broadcast_in_dim3A_233 = arith.constant true
        %broadcast_in_dim3A_234 = vector.broadcast %broadcast_in_dim3A_233 : i1 to vector<16xi1>
        %masked_cumsum3A = tpu.scan <sum>, %gather3A masked %broadcast_in_dim3A_234 : vector<16xi32>, vector<16xi1> -> vector<16xi32>
        %sub3A = arith.subi %masked_cumsum3A, %gather3A : vector<16xi32>
        %add3A_235 = vector.broadcast %scan3A_222 : i32 to vector<16xi32>
        %add3A_236 = arith.addi %sub3A, %add3A_235 : vector<16xi32>
        %mul3A_237 = arith.constant 16 : i32
        %mul3A_238 = arith.muli %scan3A_221, %mul3A_237 : i32
        %swap3A_239 = arith.index_cast %mul3A_238 : i32 to index
        %swap3A_240 = tpu.vector_load %arg17[%swap3A_239] {strides = array<i32>} : memref<256xi32, #tpu.memory_space<vmem>>, vector<16xi32>,
        tpu.vector_store %arg17[%swap3A_239], %add3A_236 {strides = array<i32>} : memref<256xi32, #tpu.memory_space<vmem>>, vector<16xi32>,
        %slice3A = vector.extract_strided_slice %masked_cumsum3A {offsets = [15], sizes = [1], strides = [1]} : vector<16xi32> to vector<1xi32>
        %squeeze3A = vector.extract %slice3A[0] : i32 from vector<1xi32>
        %add3A_241 = arith.addi %scan3A_222, %squeeze3A : i32
        scf.yield %add3A_241 : i32
      }
      %scan3A_169 = arith.constant 16 : i32
      %parallel_loop3A_170 = arith.constant 0 : i32
      %parallel_loop3A_171 = arith.constant 256 : i32
      %parallel_loop3A_172 = arith.constant 1 : i32
      scf.for %parallel_loop3A_221 = %parallel_loop3A_170 to %parallel_loop3A_171 step %parallel_loop3A_172  : i32 {
        %parallel_loop3A_222 = arith.constant 16 : i32
        %parallel_loop3A_223 = arith.muli %parallel_loop3A_221, %parallel_loop3A_222 : i32
        %parallel_loop3A_224 = vector.broadcast %parallel_loop3A_221 : i32 to vector<16xi32>
        %parallel_loop3A_225 = tpu.vector_load_idx %arg17[%parallel_loop3A_224] : memref<256xi32, #tpu.memory_space<vmem>>[vector<16xi32>], vector<16xi32>,
        %parallel_loop3A_226 = arith.index_cast %parallel_loop3A_223 : i32 to index
        %parallel_loop3A_227 = tpu.vector_load %arg10[%parallel_loop3A_226] {strides = array<i32>} : memref<4096xi32, #tpu.memory_space<vmem>>, vector<16xi32>,
        %parallel_loop3A_228 = arith.addi %parallel_loop3A_227, %parallel_loop3A_225 : vector<16xi32>
        %parallel_loop3A_229 = arith.index_cast %parallel_loop3A_223 : i32 to index
        %parallel_loop3A_230 = tpu.vector_load %arg10[%parallel_loop3A_229] {strides = array<i32>} : memref<4096xi32, #tpu.memory_space<vmem>>, vector<16xi32>,
        tpu.vector_store %arg10[%parallel_loop3A_229], %parallel_loop3A_228 {strides = array<i32>} : memref<4096xi32, #tpu.memory_space<vmem>>, vector<16xi32>,
      } {sc.loop_unroll_factor = 4 : i64, sc.parallel_access}
      %while3A_173 = arith.constant 0 : i32
      %while3A_174 = arith.constant 0 : i32
      %while3A_175 = arith.subi %shift_right_logical3A_41, %while3A_174 : i32
      %while3A_176 = arith.addi %while3A_174, %while3A_175 : i32
      %while3A_177 = arith.constant 1 : i32
      %while3A_178 = arith.divsi %while3A_175, %while3A_177 : i32
      %while3A_179 = arith.muli %while3A_178, %while3A_177 : i32
      %while3A_180 = arith.addi %while3A_174, %while3A_179 : i32
      %while3A_181 = arith.constant 1 : i32
      scf.for %while3A_221 = %while3A_174 to %while3A_180 step %while3A_181  : i32 {
        %mul3A_222 = arith.constant 16 : i32
        %mul3A_223 = arith.muli %while3A_221, %mul3A_222 : i32
        %get3A_224 = arith.index_cast %mul3A_223 : i32 to index
        %get3A_225 = tpu.vector_load %arg14[%get3A_224] {strides = array<i32>} : memref<8192xi32, #tpu.memory_space<vmem>>, vector<16xi32>,
        %gather3A = tpu.vector_load_idx %arg10[%get3A_225] : memref<4096xi32, #tpu.memory_space<vmem>>[vector<16xi32>], vector<16xi32>,
        %add3A_226 = arith.constant 1 : i32
        %add3A_227 = vector.broadcast %add3A_226 : i32 to vector<16xi32>
        %add3A_228 = arith.addi %gather3A, %add3A_227 : vector<16xi32>
        tpu.vector_store_idx %arg10[%get3A_225], %add3A_228 : memref<4096xi32, #tpu.memory_space<vmem>>[vector<16xi32>], vector<16xi32>,
        %swap3A_229 = arith.index_cast %mul3A_223 : i32 to index
        %swap3A_230 = tpu.vector_load %arg15[%swap3A_229] {strides = array<i32>} : memref<8192xi32, #tpu.memory_space<vmem>>, vector<16xi32>,
        tpu.vector_store %arg15[%swap3A_229], %gather3A {strides = array<i32>} : memref<8192xi32, #tpu.memory_space<vmem>>, vector<16xi32>,
      }
      %while3A_182 = arith.constant 1 : i32
      scf.for %while3A_221 = %while3A_180 to %while3A_176 step %while3A_182  : i32 {
        %mul3A_222 = arith.constant 16 : i32
        %mul3A_223 = arith.muli %while3A_221, %mul3A_222 : i32
        %get3A_224 = arith.index_cast %mul3A_223 : i32 to index
        %get3A_225 = tpu.vector_load %arg14[%get3A_224] {strides = array<i32>} : memref<8192xi32, #tpu.memory_space<vmem>>, vector<16xi32>,
        %gather3A = tpu.vector_load_idx %arg10[%get3A_225] : memref<4096xi32, #tpu.memory_space<vmem>>[vector<16xi32>], vector<16xi32>,
        %add3A_226 = arith.constant 1 : i32
        %add3A_227 = vector.broadcast %add3A_226 : i32 to vector<16xi32>
        %add3A_228 = arith.addi %gather3A, %add3A_227 : vector<16xi32>
        tpu.vector_store_idx %arg10[%get3A_225], %add3A_228 : memref<4096xi32, #tpu.memory_space<vmem>>[vector<16xi32>], vector<16xi32>,
        %swap3A_229 = arith.index_cast %mul3A_223 : i32 to index
        %swap3A_230 = tpu.vector_load %arg15[%swap3A_229] {strides = array<i32>} : memref<8192xi32, #tpu.memory_space<vmem>>, vector<16xi32>,
        tpu.vector_store %arg15[%swap3A_229], %gather3A {strides = array<i32>} : memref<8192xi32, #tpu.memory_space<vmem>>, vector<16xi32>,
      }
      %parallel_loop3A_183 = arith.constant 0 : i32
      %parallel_loop3A_184 = arith.constant 1 : i32
      scf.for %parallel_loop3A_221 = %parallel_loop3A_183 to %shift_right_logical3A_41 step %parallel_loop3A_184  : i32 {
        %parallel_loop3A_222 = vector.broadcast %parallel_loop3A_221 : i32 to vector<16xi32>
        %parallel_loop3A_223 = arith.addi %mul3A_150, %parallel_loop3A_222 : vector<16xi32>
        %parallel_loop3A_224 = arith.constant 16 : i32
        %parallel_loop3A_225 = arith.muli %parallel_loop3A_221, %parallel_loop3A_224 : i32
        %parallel_loop3A_226 = arith.index_cast %parallel_loop3A_225 : i32 to index
        %parallel_loop3A_227 = tpu.vector_load %arg15[%parallel_loop3A_226] {strides = array<i32>} : memref<8192xi32, #tpu.memory_space<vmem>>, vector<16xi32>,
        %parallel_loop3A_228 = tpu.vector_load_idx %arg6[%parallel_loop3A_223] : memref<8192xi32, #tpu.memory_space<vmem>>[vector<16xi32>], vector<16xi32>,
        tpu.vector_store_idx %arg7[%parallel_loop3A_227], %parallel_loop3A_228 : memref<8208xi32, #tpu.memory_space<vmem>>[vector<16xi32>], vector<16xi32>,
        %parallel_loop3A_229 = tpu.vector_load_idx %arg8[%parallel_loop3A_223] : memref<8192xi32, #tpu.memory_space<vmem>>[vector<16xi32>], vector<16xi32>,
        tpu.vector_store_idx %arg9[%parallel_loop3A_227], %parallel_loop3A_229 : memref<8208xi32, #tpu.memory_space<vmem>>[vector<16xi32>], vector<16xi32>,
      } {sc.loop_unroll_factor = 4 : i64, sc.parallel_access}
      %get3A = arith.constant 0 : index
      %get3A_185 = tpu.vector_load %arg7[%get3A] {strides = array<i32>} : memref<8208xi32, #tpu.memory_space<vmem>>, vector<16xi32>,
      %lt3A_186 = arith.constant 0 : i32
      %lt3A_187 = vector.broadcast %lt3A_186 : i32 to vector<16xi32>
      %lt3A_188 = arith.cmpi slt, %get3A_185, %lt3A_187 : vector<16xi32>
      %not3A = arith.constant dense<-1> : vector<16xi32>
      %not3A_189 = arith.xori %get3A_185, %not3A : vector<16xi32>
      %and3A_190 = arith.constant 2147483647 : i32
      %and3A_191 = vector.broadcast %and3A_190 : i32 to vector<16xi32>
      %and3A_192 = arith.andi %not3A_189, %and3A_191 : vector<16xi32>
      %select_n3A = arith.select %lt3A_188, %get3A_185, %and3A_192 : vector<16xi1>, vector<16xi32>
      %bitcast_convert_type3A = tpu.bitcast %select_n3A : vector<16xi32> -> vector<16xf32>
      %reduce_max3A = arith.constant true
      %reduce_max3A_193 = vector.broadcast %reduce_max3A : i1 to vector<16xi1>
      %reduce_max3A_194 = tpu.scan <max>, %bitcast_convert_type3A masked %reduce_max3A_193 : vector<16xf32>, vector<16xi1> -> vector<16xf32>
      %reduce_max3A_195 = vector.extract %reduce_max3A_194[15] : f32 from vector<16xf32>
      %broadcast_in_dim3A_196 = arith.constant 0.000000e+00 : f32
      %broadcast_in_dim3A_197 = vector.broadcast %broadcast_in_dim3A_196 : f32 to vector<16xf32>
      %parallel_loop3A_198 = arith.constant 0 : i32
      %parallel_loop3A_199 = arith.constant 256 : i32
      %parallel_loop3A_200 = arith.constant 1 : i32
      %parallel_loop3A_201 = scf.for %parallel_loop3A_221 = %parallel_loop3A_198 to %parallel_loop3A_199 step %parallel_loop3A_200 iter_args(%parallel_loop3A_222 = %broadcast_in_dim3A_197) -> (vector<16xf32>)  : i32 {
        %parallel_loop3A_223 = arith.constant 16 : i32
        %parallel_loop3A_224 = arith.muli %parallel_loop3A_221, %parallel_loop3A_223 : i32
        %parallel_loop3A_225 = arith.index_cast %parallel_loop3A_224 : i32 to index
        %parallel_loop3A_226 = tpu.vector_load %arg7[%parallel_loop3A_225] {strides = array<i32>} : memref<8208xi32, #tpu.memory_space<vmem>>, vector<16xi32>,
        %parallel_loop3A_227 = arith.constant 0 : i32
        %parallel_loop3A_228 = vector.broadcast %parallel_loop3A_227 : i32 to vector<16xi32>
        %parallel_loop3A_229 = arith.cmpi slt, %parallel_loop3A_226, %parallel_loop3A_228 : vector<16xi32>
        %parallel_loop3A_230 = arith.constant dense<-1> : vector<16xi32>
        %parallel_loop3A_231 = arith.xori %parallel_loop3A_226, %parallel_loop3A_230 : vector<16xi32>
        %parallel_loop3A_232 = arith.constant 2147483647 : i32
        %parallel_loop3A_233 = vector.broadcast %parallel_loop3A_232 : i32 to vector<16xi32>
        %parallel_loop3A_234 = arith.andi %parallel_loop3A_231, %parallel_loop3A_233 : vector<16xi32>
        %parallel_loop3A_235 = arith.select %parallel_loop3A_229, %parallel_loop3A_226, %parallel_loop3A_234 : vector<16xi1>, vector<16xi32>
        %parallel_loop3A_236 = tpu.bitcast %parallel_loop3A_235 : vector<16xi32> -> vector<16xf32>
        %parallel_loop3A_237 = vector.broadcast %reduce_max3A_195 : f32 to vector<16xf32>
        %parallel_loop3A_238 = arith.subf %parallel_loop3A_236, %parallel_loop3A_237 : vector<16xf32>
        %parallel_loop3A_239 = math.exp %parallel_loop3A_238 : vector<16xf32>
        %parallel_loop3A_240 = arith.index_cast %parallel_loop3A_224 : i32 to index
        %parallel_loop3A_241 = tpu.vector_load %arg11[%parallel_loop3A_240] {strides = array<i32>} : memref<4096xf32, #tpu.memory_space<vmem>>, vector<16xf32>,
        tpu.vector_store %arg11[%parallel_loop3A_240], %parallel_loop3A_239 {strides = array<i32>} : memref<4096xf32, #tpu.memory_space<vmem>>, vector<16xf32>,
        %parallel_loop3A_242 = arith.addf %parallel_loop3A_222, %parallel_loop3A_239 : vector<16xf32>
        scf.yield %parallel_loop3A_242 : vector<16xf32>
      } {sc.loop_unroll_factor = 4 : i64, sc.parallel_access}
      %reduce_sum3A = arith.constant true
      %reduce_sum3A_202 = vector.broadcast %reduce_sum3A : i1 to vector<16xi1>
      %reduce_sum3A_203 = tpu.scan <sum>, %parallel_loop3A_201 masked %reduce_sum3A_202 : vector<16xf32>, vector<16xi1> -> vector<16xf32>
      %reduce_sum3A_204 = vector.extract %reduce_sum3A_203[15] : f32 from vector<16xf32>
      %broadcast_in_dim3A_205 = vector.broadcast %reduce_sum3A_204 : f32 to vector<16xf32>
      %broadcast_in_dim3A_206 = arith.constant 1.000000e+00 : f32
      %broadcast_in_dim3A_207 = vector.broadcast %broadcast_in_dim3A_206 : f32 to vector<16xf32>
      %div3A = arith.divf %broadcast_in_dim3A_207, %broadcast_in_dim3A_205 : vector<16xf32>
      %parallel_loop3A_208 = arith.constant 0 : i32
      %parallel_loop3A_209 = arith.constant 256 : i32
      %parallel_loop3A_210 = arith.constant 1 : i32
      scf.for %parallel_loop3A_221 = %parallel_loop3A_208 to %parallel_loop3A_209 step %parallel_loop3A_210  : i32 {
        %parallel_loop3A_222 = arith.constant 16 : i32
        %parallel_loop3A_223 = arith.muli %parallel_loop3A_221, %parallel_loop3A_222 : i32
        %parallel_loop3A_224 = arith.index_cast %parallel_loop3A_223 : i32 to index
        %parallel_loop3A_225 = tpu.vector_load %arg9[%parallel_loop3A_224] {strides = array<i32>} : memref<8208xi32, #tpu.memory_space<vmem>>, vector<16xi32>,
        tpu.vector_store_idx %arg12[%parallel_loop3A_225], %broadcast_in_dim3A_3 : memref<8192xi32, #tpu.memory_space<vmem>>[vector<16xi32>], vector<16xi32>,
      } {sc.loop_unroll_factor = 4 : i64, sc.parallel_access}
      %scan3A_211 = arith.constant 0 : i32
      %scan3A_212 = arith.constant 0 : i32
      %scan3A_213 = arith.constant 512 : i32
      %scan3A_214 = arith.addi %scan3A_212, %scan3A_213 : i32
      %scan3A_215 = arith.constant 1 : i32
      %scan3A_216 = scf.for %scan3A_221 = %scan3A_212 to %scan3A_214 step %scan3A_215 iter_args(%scan3A_222 = %scan3A_211) -> (i32)  : i32 {
        %mul3A_223 = arith.constant 16 : i32
        %mul3A_224 = arith.muli %scan3A_221, %mul3A_223 : i32
        %get3A_225 = arith.index_cast %mul3A_224 : i32 to index
        %get3A_226 = tpu.vector_load %arg12[%get3A_225] {strides = array<i32>} : memref<8192xi32, #tpu.memory_space<vmem>>, vector<16xi32>,
        %eq3A = arith.constant 1 : i32
        %eq3A_227 = vector.broadcast %eq3A : i32 to vector<16xi32>
        %eq3A_228 = arith.cmpi eq, %get3A_226, %eq3A_227 : vector<16xi32>
        %mul3A_229 = arith.constant 16 : i32
        %mul3A_230 = arith.muli %scan3A_221, %mul3A_229 : i32
        %add3A_231 = vector.broadcast %mul3A_230 : i32 to vector<16xi32>
        %add3A_232 = arith.addi %iota3A, %add3A_231 : vector<16xi32>
        %swap3A_233 = arith.index_cast %scan3A_222 : i32 to index
        %swap3A_234 = tpu.vector_load %arg8[%swap3A_233] masked %eq3A_228 {strides = array<i32>} : memref<8192xi32, #tpu.memory_space<vmem>>, vector<16xi32>, vector<16xi1>
        tpu.vector_store %arg8[%swap3A_233], %add3A_232 masked %eq3A_228 {strides = array<i32>} : memref<8192xi32, #tpu.memory_space<vmem>>, vector<16xi32>, vector<16xi1>
        %all_reduce_population_count3A = tpu.all_reduce %eq3A_228 {dim = 0 : i64, kind = #tpu.reduction_kind<sum>} : vector<16xi1> -> vector<16xi32>
        %slice3A = vector.extract_strided_slice %all_reduce_population_count3A {offsets = [0], sizes = [1], strides = [1]} : vector<16xi32> to vector<1xi32>
        %squeeze3A = vector.extract %slice3A[0] : i32 from vector<1xi32>
        %add3A_235 = arith.addi %scan3A_222, %squeeze3A : i32
        scf.yield %add3A_235 : i32
      }
      %scan3A_217 = arith.constant 512 : i32
      %parallel_loop3A_218 = arith.constant 0 : i32
      %parallel_loop3A_219 = arith.constant 256 : i32
      %parallel_loop3A_220 = arith.constant 1 : i32
      scf.for %parallel_loop3A_221 = %parallel_loop3A_218 to %parallel_loop3A_219 step %parallel_loop3A_220  : i32 {
        %parallel_loop3A_222 = arith.constant 16 : i32
        %parallel_loop3A_223 = arith.muli %parallel_loop3A_221, %parallel_loop3A_222 : i32
        %parallel_loop3A_224 = arith.index_cast %parallel_loop3A_223 : i32 to index
        %parallel_loop3A_225 = tpu.vector_load %arg8[%parallel_loop3A_224] {strides = array<i32>} : memref<8192xi32, #tpu.memory_space<vmem>>, vector<16xi32>,
        %parallel_loop3A_226 = arith.index_cast %parallel_loop3A_223 : i32 to index
        %parallel_loop3A_227 = tpu.vector_load %arg11[%parallel_loop3A_226] {strides = array<i32>} : memref<4096xf32, #tpu.memory_space<vmem>>, vector<16xf32>,
        %parallel_loop3A_228 = arith.mulf %parallel_loop3A_227, %div3A : vector<16xf32>
        tpu.vector_store_idx %arg13[%parallel_loop3A_225], %parallel_loop3A_228 : memref<8192xf32, #tpu.memory_space<vmem>>[vector<16xi32>], vector<16xf32>,
      } {sc.loop_unroll_factor = 4 : i64, sc.parallel_access}
      "tpu.region"() ({
        %run_scoped3A = tpu.sem_alloc : memref<!tpu.dma_semaphore, #tpu.memory_space<semaphore_mem>>
        %dma_start3A = arith.constant 0 : i32
        %dma_start3A_221 = tpu.memref_slice %arg3[%add3A, %dma_start3A] : memref<4x8192xi32, #tpu.memory_space<hbm>> -> memref<1x8192xi32, #tpu.memory_space<hbm>>
        %dma_start3A_222 = tpu.memref_squeeze %dma_start3A_221 : memref<1x8192xi32, #tpu.memory_space<hbm>> -> memref<8192xi32, #tpu.memory_space<hbm>>
        %dma_start3A_223 = arith.constant 0 : i32
        %dma_start3A_224 = tpu.memref_slice %arg3[%add3A, %dma_start3A_223] : memref<4x8192xi32, #tpu.memory_space<hbm>> -> memref<1x8192xi32, #tpu.memory_space<hbm>>
        %dma_start3A_225 = tpu.memref_squeeze %dma_start3A_224 : memref<1x8192xi32, #tpu.memory_space<hbm>> -> memref<8192xi32, #tpu.memory_space<hbm>>
        tpu.enqueue_dma source(%arg12 : memref<8192xi32, #tpu.memory_space<vmem>>) target(%dma_start3A_225 : memref<8192xi32, #tpu.memory_space<hbm>>) target_semaphore(%run_scoped3A : memref<!tpu.dma_semaphore, #tpu.memory_space<semaphore_mem>>)
        %dma_wait3A = arith.constant 0 : i32
        %dma_wait3A_226 = tpu.memref_slice %arg3[%add3A, %dma_wait3A] : memref<4x8192xi32, #tpu.memory_space<hbm>> -> memref<1x8192xi32, #tpu.memory_space<hbm>>
        %dma_wait3A_227 = tpu.memref_squeeze %dma_wait3A_226 : memref<1x8192xi32, #tpu.memory_space<hbm>> -> memref<8192xi32, #tpu.memory_space<hbm>>
        %dma_wait3A_228 = arith.constant 0 : i32
        %dma_wait3A_229 = tpu.memref_slice %arg3[%add3A, %dma_wait3A_228] : memref<4x8192xi32, #tpu.memory_space<hbm>> -> memref<1x8192xi32, #tpu.memory_space<hbm>>
        %dma_wait3A_230 = tpu.memref_squeeze %dma_wait3A_229 : memref<1x8192xi32, #tpu.memory_space<hbm>> -> memref<8192xi32, #tpu.memory_space<hbm>>
        tpu.wait_dma2 semaphore(%run_scoped3A : memref<!tpu.dma_semaphore, #tpu.memory_space<semaphore_mem>>) src(%arg12 : memref<8192xi32, #tpu.memory_space<vmem>>) dst(%dma_wait3A_230 : memref<8192xi32, #tpu.memory_space<hbm>>)
        tpu.yield
      }) : () -> ()
      "tpu.region"() ({
        %run_scoped3A = tpu.sem_alloc : memref<!tpu.dma_semaphore, #tpu.memory_space<semaphore_mem>>
        %dma_start3A = arith.constant 0 : i32
        %dma_start3A_221 = tpu.memref_slice %arg4[%add3A, %dma_start3A] : memref<4x8192xf32, #tpu.memory_space<hbm>> -> memref<1x8192xf32, #tpu.memory_space<hbm>>
        %dma_start3A_222 = tpu.memref_squeeze %dma_start3A_221 : memref<1x8192xf32, #tpu.memory_space<hbm>> -> memref<8192xf32, #tpu.memory_space<hbm>>
        %dma_start3A_223 = arith.constant 0 : i32
        %dma_start3A_224 = tpu.memref_slice %arg4[%add3A, %dma_start3A_223] : memref<4x8192xf32, #tpu.memory_space<hbm>> -> memref<1x8192xf32, #tpu.memory_space<hbm>>
        %dma_start3A_225 = tpu.memref_squeeze %dma_start3A_224 : memref<1x8192xf32, #tpu.memory_space<hbm>> -> memref<8192xf32, #tpu.memory_space<hbm>>
        tpu.enqueue_dma source(%arg13 : memref<8192xf32, #tpu.memory_space<vmem>>) target(%dma_start3A_225 : memref<8192xf32, #tpu.memory_space<hbm>>) target_semaphore(%run_scoped3A : memref<!tpu.dma_semaphore, #tpu.memory_space<semaphore_mem>>)
        %dma_wait3A = arith.constant 0 : i32
        %dma_wait3A_226 = tpu.memref_slice %arg4[%add3A, %dma_wait3A] : memref<4x8192xf32, #tpu.memory_space<hbm>> -> memref<1x8192xf32, #tpu.memory_space<hbm>>
        %dma_wait3A_227 = tpu.memref_squeeze %dma_wait3A_226 : memref<1x8192xf32, #tpu.memory_space<hbm>> -> memref<8192xf32, #tpu.memory_space<hbm>>
        %dma_wait3A_228 = arith.constant 0 : i32
        %dma_wait3A_229 = tpu.memref_slice %arg4[%add3A, %dma_wait3A_228] : memref<4x8192xf32, #tpu.memory_space<hbm>> -> memref<1x8192xf32, #tpu.memory_space<hbm>>
        %dma_wait3A_230 = tpu.memref_squeeze %dma_wait3A_229 : memref<1x8192xf32, #tpu.memory_space<hbm>> -> memref<8192xf32, #tpu.memory_space<hbm>>
        tpu.wait_dma2 semaphore(%run_scoped3A : memref<!tpu.dma_semaphore, #tpu.memory_space<semaphore_mem>>) src(%arg13 : memref<8192xf32, #tpu.memory_space<vmem>>) dst(%dma_wait3A_230 : memref<8192xf32, #tpu.memory_space<hbm>>)
        tpu.yield
      }) : () -> ()
    } else {
    }
    return
  }
}

module attributes {stable_mosaic.version = 14 : i64} {
  func.func @_scores_body(%arg0: i32, %arg1: memref<4x1024x768xf32, #tpu.memory_space<vmem>>, %arg2: memref<192x768xf32, #tpu.memory_space<vmem>>, %arg3: memref<1x192xf32, #tpu.memory_space<vmem>>, %arg4: memref<1x192xf32, #tpu.memory_space<vmem>>, %arg5: memref<1x1xf32, #tpu.memory_space<vmem>>, %arg6: memref<4x1024xf32, #tpu.memory_space<vmem>>) attributes {dimension_semantics = [#tpu.dimension_semantics<arbitrary>], iteration_bounds = array<i64: 8>, scalar_prefetch = 0 : i64, scratch_operands = 0 : i64, tpu.core_type = #tpu.core_type<tc>, window_params = [{transform_indices = @transform_0, window_bounds = array<i64: 4, 1024, 768>}, {pipeline_mode = #tpu.pipeline_mode<synchronous>, transform_indices = @transform_1, window_bounds = array<i64: 192, 768>}, {pipeline_mode = #tpu.pipeline_mode<synchronous>, transform_indices = @transform_2, window_bounds = array<i64: 1, 192>}, {pipeline_mode = #tpu.pipeline_mode<synchronous>, transform_indices = @transform_3, window_bounds = array<i64: 1, 192>}, {pipeline_mode = #tpu.pipeline_mode<synchronous>, transform_indices = @transform_4, window_bounds = array<i64: 1, 1>}, {transform_indices = @transform_5, window_bounds = array<i64: 4, 1024>}]} {
    %get3A = arith.constant 0 : index
    %get3A_0 = arith.constant 0 : index
    %get3A_1 = arith.constant 0 : index
    %get3A_2 = vector.load %arg1[%get3A, %get3A_0, %get3A_1] : memref<4x1024x768xf32, #tpu.memory_space<vmem>>, vector<4x1024x768xf32>
    %reshape3A = vector.shape_cast %get3A_2 : vector<4x1024x768xf32> to vector<4096x768xf32>
    %get3A_3 = arith.constant 0 : index
    %get3A_4 = arith.constant 0 : index
    %get3A_5 = vector.load %arg2[%get3A_3, %get3A_4] : memref<192x768xf32, #tpu.memory_space<vmem>>, vector<192x768xf32>
    %dot_general3A = arith.constant dense<0.000000e+00> : vector<4096x192xf32>
    %dot_general3A_6 = tpu.matmul %reshape3A, %get3A_5, %dot_general3A {dimension_numbers = #tpu.dot_dimension_numbers<[1], [1], [0], [0], [0, 0, 1, 0], [], []>, transpose_lhs_hint = false} : vector<4096x768xf32>, vector<192x768xf32>, vector<4096x192xf32> -> vector<4096x192xf32>
    %get3A_7 = arith.constant 0 : index
    %get3A_8 = arith.constant 0 : index
    %get3A_9 = vector.load %arg3[%get3A_7, %get3A_8] : memref<1x192xf32, #tpu.memory_space<vmem>>, vector<1x192xf32>
    %add3A = vector.broadcast %get3A_9 : vector<1x192xf32> to vector<4096x192xf32>
    %add3A_10 = arith.addf %dot_general3A_6, %add3A : vector<4096x192xf32>
    %max3A = arith.constant 0.000000e+00 : f32
    %max3A_11 = vector.broadcast %max3A : f32 to vector<4096x192xf32>
    %max3A_12 = arith.maximumf %add3A_10, %max3A_11 : vector<4096x192xf32>
    %convert_element_type3A = arith.truncf %max3A_12 : vector<4096x192xf32> to vector<4096x192xbf16>
    %get3A_13 = arith.constant 0 : index
    %get3A_14 = arith.constant 0 : index
    %get3A_15 = vector.load %arg4[%get3A_13, %get3A_14] : memref<1x192xf32, #tpu.memory_space<vmem>>, vector<1x192xf32>
    %reshape3A_16 = vector.shape_cast %get3A_15 : vector<1x192xf32> to vector<192x1xf32>
    %convert_element_type3A_17 = arith.truncf %reshape3A_16 : vector<192x1xf32> to vector<192x1xbf16>
    %dot_general3A_18 = arith.constant dense<0.000000e+00> : vector<4096x1xf32>
    %dot_general3A_19 = tpu.matmul %convert_element_type3A, %convert_element_type3A_17, %dot_general3A_18 {dimension_numbers = #tpu.dot_dimension_numbers<[1], [0], [0], [1], [0, 0, 1, 1], [], []>, transpose_lhs_hint = false} : vector<4096x192xbf16>, vector<192x1xbf16>, vector<4096x1xf32> -> vector<4096x1xf32>
    %reshape3A_20 = vector.shape_cast %dot_general3A_19 : vector<4096x1xf32> to vector<4x1024xf32>
    %get3A_21 = arith.constant 0 : index
    %get3A_22 = arith.constant 0 : index
    %get3A_23 = vector.load %arg5[%get3A_21, %get3A_22] : memref<1x1xf32, #tpu.memory_space<vmem>>, vector<1x1xf32>
    %get3A_24 = vector.extract %get3A_23[0, 0] : f32 from vector<1x1xf32>
    %add3A_25 = vector.broadcast %get3A_24 : f32 to vector<4x1024xf32>
    %add3A_26 = arith.addf %reshape3A_20, %add3A_25 : vector<4x1024xf32>
    %swap3A = arith.constant 0 : index
    %swap3A_27 = arith.constant 0 : index
    %swap3A_28 = vector.load %arg6[%swap3A, %swap3A_27] : memref<4x1024xf32, #tpu.memory_space<vmem>>, vector<4x1024xf32>
    tpu.vector_store %arg6[%swap3A, %swap3A_27], %add3A_26 {strides = array<i32>} : memref<4x1024xf32, #tpu.memory_space<vmem>>, vector<4x1024xf32>,
    return
  }
  func.func @transform_0(%arg0: i32) -> (i32, i32, i32) {
    %c0_i32 = arith.constant 0 : i32
    %c0_i32_0 = arith.constant 0 : i32
    %c0_i32_1 = arith.constant 0 : i32
    return %c0_i32, %arg0, %c0_i32_0 : i32, i32, i32
  }
  func.func @transform_1(%arg0: i32) -> (i32, i32) {
    %c0_i32 = arith.constant 0 : i32
    %c0_i32_0 = arith.constant 0 : i32
    %c0_i32_1 = arith.constant 0 : i32
    return %c0_i32, %c0_i32_0 : i32, i32
  }
  func.func @transform_2(%arg0: i32) -> (i32, i32) {
    %c0_i32 = arith.constant 0 : i32
    %c0_i32_0 = arith.constant 0 : i32
    %c0_i32_1 = arith.constant 0 : i32
    return %c0_i32, %c0_i32_0 : i32, i32
  }
  func.func @transform_3(%arg0: i32) -> (i32, i32) {
    %c0_i32 = arith.constant 0 : i32
    %c0_i32_0 = arith.constant 0 : i32
    %c0_i32_1 = arith.constant 0 : i32
    return %c0_i32, %c0_i32_0 : i32, i32
  }
  func.func @transform_4(%arg0: i32) -> (i32, i32) {
    %c0_i32 = arith.constant 0 : i32
    %c0_i32_0 = arith.constant 0 : i32
    %c0_i32_1 = arith.constant 0 : i32
    return %c0_i32, %c0_i32_0 : i32, i32
  }
  func.func @transform_5(%arg0: i32) -> (i32, i32) {
    %c0_i32 = arith.constant 0 : i32
    %c0_i32_0 = arith.constant 0 : i32
    return %c0_i32, %arg0 : i32, i32
  }
}

</mosaic_0001>

<sc_bundles>
// kernel: kernel.4.cloned.1.call-start
scs
__scs_entry_jumppad:
0x0: {  	(pc) =	sbr.rel $0x88, $3  }
0x1: {  	(tag) =	ssettag $0x0;
	lr =	simm.s32 $0x1  }
0x2: {  	[smem:$0x3F9C] =	sst lr;
	_ =	strace $0xD0000000  }
0x3: {  	_ = 	snop  }
0x4: {  	_ = 	snop  }
0x5: {  	_ = 	snop  }
0x6: {  	_ = 	snop  }
0x7: {  	_ = 	snop  }
__scs_overlays_trampoline_lowered:
0x8: {  	[smem:$0x3FAB] =	sst s0  }
0x9: {  	[smem:$0x3FAC] =	sst s1  }
0xa: {  	[smem:$0x3FAD] =	sst s2  }
0xb: {  	[smem:$0x3FAE] =	sst s3  }
0xc: {  	[smem:$0x3FAF] =	sst s4  }
0xd: {  	[smem:$0x3FB0] =	sst s5  }
0xe: {  	[smem:$0x3FB1] =	sst s6  }
0xf: {  	[smem:$0x3FB2] =	sst s7  }
0x10: {  	[smem:$0x3FB3] =	sst s8  }
0x11: {  	[smem:$0x3FB4] =	sst s9;
	s0 =	simm.s32 @!p0 $0x0  }
0x12: {  	s1 =	sld [smem:$0x3F9A];
	s0 =	simm.s32 @p0 $0x1  }
0x13: {  	[smem:$0x3FB5] =	sst s0;
	s0 =	simm.s32 @!p1 $0x0  }
0x14: {  	s2 =	sld [smem:$0x3F99];
	s0 =	simm.s32 @p1 $0x1  }
0x15: {  	[smem:$0x3FB6] =	sst s0;
	s0 =	simm.s32 @!p2 $0x0  }
0x16: {  	s3 =	sld [smem:$0x3FDB];
	s0 =	simm.s32 @p2 $0x1  }
0x17: {  	s4 =	simm.s32 $0x1BF5;
	[smem:$0x3FB8] =	sst s0  }
0x18: {  	s0 =	sld [smem:$0x3F9B];
	_ =	swait.ge [sflag:s4], $0x0  }
0x19: {  	s7 =	sld [smem:$0x3F9C]  }
0x1a: {  	s8 =	sadd.s32 $0xFFFFE003, lr  }
0x1b: {  	s9 =	sadd.s32 $0xFFFFFEF7, lr;
	s5 =	simm.s32 $0xFFFFFFFF;
	p2 =	slt.u32 s8, $0xFFFFF086  }
0x1c: {  	p1 =	slt.u32 s9, $0xF7A;
	s5 =	simm.s32 @!p2 $0x0  }
0x1d: {  	s5 =	simm.s32 @p1 $0x1;
	p0 =	seq.s32 s7, s2  }
0x1e: {  	s7 =	smul.u32 @!p0 $0xF7A, s2;
	p2 =	seq.s32 @!p0 s5, $0x0  }
0x1f: {  	s9 =	smul.u32 $0xF7A, s1;
	s8 =	simm.s32 @!p0 $0x1BF5;
	p2 =	por !p2, p0  }
0x20: {  	[sflag:s8] =	ssyncset.s32 @!p0 $0xFFFFF086;
	s6 =	sadd.s32 @!p0 s3, s7;
	s7 =	simm.s32 @!p0 $0x108  }
0x21: {  	s3 =	sadd.s32 s3, s9;
	s6 =	sadd.s32 @!p0 $0x88, s6;
	s7 =	simm.s32 @p2 $0x1082  }
0x22: {  	[simem:s7], [sflag:s8] =	dma.local @!p0 [hbm:s6], $0xF7A  }
0x23: {  	s9 =	sor.u32 $0xD0000000, s2;
	s6 =	simm.s32 $0x108;
	_ =	swait.ge @!p0 [sflag:s8], $0x0  }
0x24: {  	s3 =	sadd.s32 $0x88, s3;
	s6 =	simm.s32 @!p1 $0x1082;
	[sflag:s4] =	ssyncset.s32 $0xFFFFF086  }
0x25: {  	[simem:s6], [sflag:s4] =	dma.local [hbm:s3], $0xF7A  }
0x26: {  	[smem:$0x3F9C] =	sst s1;
	(tag) =	ssettag s2;
	_ =	strace s9  }
0x27: {  	s1 =	sld [smem:$0x3FAC]  }
0x28: {  	s2 =	sld [smem:$0x3FAD]  }
0x29: {  	s4 =	sld [smem:$0x3FAF]  }
0x2a: {  	p0 =	seq.s32 s5, $0x0;
	s5 =	sld [smem:$0x3FB0]  }
0x2b: {  	s6 =	sld [smem:$0x3FB1]  }
0x2c: {  	s7 =	sld [smem:$0x3FB2]  }
0x2d: {  	s3 =	simm.s32 $0x108;
	s8 =	sld [smem:$0x3FB3]  }
0x2e: {  	s3 =	simm.s32 @!p0 $0x1082;
	s9 =	sld [smem:$0x3FB4]  }
0x2f: {  	lr =	sadd.s32 s0, s3;
	s0 =	sld [smem:$0x3FAB]  }
0x30: {  	s3 =	sld [smem:$0x3FAE]  }
0x31: {  	[smem:$0x3FB7] =	sst s10  }
0x32: {  	s10 =	sld [smem:$0x3FB5];
	_ =	sdelay $0x3  }
0x33: {  	p0 =	seq.s32 s10, $0x1;
	s10 =	sld [smem:$0x3FB7];
	_ =	sdelay $0x3  }
0x34: {  	[smem:$0x3FB7] =	sst s10  }
0x35: {  	s10 =	sld [smem:$0x3FB6];
	_ =	sdelay $0x3  }
0x36: {  	p1 =	seq.s32 s10, $0x1;
	s10 =	sld [smem:$0x3FB7];
	_ =	sdelay $0x3  }
0x37: {  	[smem:$0x3FB7] =	sst s10  }
0x38: {  	s10 =	sld [smem:$0x3FB8]  }
0x39: {  	_ = 	snop;
	(pc) =	sbr.ind lr, $3  }
0x3a: {  	_ = 	snop  }
0x3b: {  	_ = 	snop  }
0x3c: {  	p2 =	seq.s32 s10, $0x1;
	s10 =	sld [smem:$0x3FB7]  }
0x3d: {  	_ =	shalt  }
0x3e: {  	_ =	shalt  }
0x3f: {  	_ =	shalt  }
0x40: {  	_ =	shalt  }
0x41: {  	_ =	shalt  }
0x42: {  	_ =	shalt  }
0x43: {  	_ =	shalt  }
0x44: {  	_ =	shalt  }
0x45: {  	_ =	shalt  }
0x46: {  	_ =	shalt  }
0x47: {  	_ =	shalt  }
0x48: {  	_ =	shalt  }
0x49: {  	_ =	shalt  }
0x4a: {  	_ =	shalt  }
0x4b: {  	_ =	shalt  }
0x4c: {  	_ =	shalt  }
0x4d: {  	_ =	shalt  }
0x4e: {  	_ =	shalt  }
0x4f: {  	_ =	shalt  }
0x50: {  	_ =	shalt  }
0x51: {  	_ =	shalt  }
0x52: {  	_ =	shalt  }
0x53: {  	_ =	shalt  }
0x54: {  	_ =	shalt  }
0x55: {  	_ =	shalt  }
0x56: {  	_ =	shalt  }
0x57: {  	_ =	shalt  }
0x58: {  	_ =	shalt  }
0x59: {  	_ =	shalt  }
0x5a: {  	_ =	shalt  }
0x5b: {  	_ =	shalt  }
0x5c: {  	_ =	shalt  }
0x5d: {  	_ =	shalt  }
0x5e: {  	_ =	shalt  }
0x5f: {  	_ =	shalt  }
0x60: {  	_ =	shalt  }
0x61: {  	_ =	shalt  }
0x62: {  	_ =	shalt  }
0x63: {  	_ =	shalt  }
0x64: {  	_ =	shalt  }
0x65: {  	_ =	shalt  }
0x66: {  	_ =	shalt  }
0x67: {  	_ =	shalt  }
0x68: {  	_ =	shalt  }
0x69: {  	_ =	shalt  }
0x6a: {  	_ =	shalt  }
0x6b: {  	_ =	shalt  }
0x6c: {  	_ =	shalt  }
0x6d: {  	_ =	shalt  }
0x6e: {  	_ =	shalt  }
0x6f: {  	_ =	shalt  }
0x70: {  	_ =	shalt  }
0x71: {  	_ =	shalt  }
0x72: {  	_ =	shalt  }
0x73: {  	_ =	shalt  }
0x74: {  	_ =	shalt  }
0x75: {  	_ =	shalt  }
0x76: {  	_ =	shalt  }
0x77: {  	_ =	shalt  }
0x78: {  	_ =	shalt  }
0x79: {  	_ =	shalt  }
0x7a: {  	_ =	shalt  }
0x7b: {  	_ =	shalt  }
0x7c: {  	_ =	shalt  }
0x7d: {  	_ =	shalt  }
0x7e: {  	_ =	shalt  }
0x7f: {  	_ =	shalt  }
0x80: {  	_ =	shalt  }
0x81: {  	_ =	shalt  }
0x82: {  	_ =	shalt  }
0x83: {  	_ =	shalt  }
0x84: {  	_ =	shalt  }
0x85: {  	_ =	shalt  }
0x86: {  	_ =	shalt  }
0x87: {  	_ =	shalt  }
.Lfunc_end0:
.L_simem_size_0:
called_computation_lowered:
.L_overlay_start_0:
0x88: {  	s2 =	sld [smem:$0x3FD9]  }
0x89: {  	s3 =	sld [smem:$0x3FFE];
	_ =	sdelay $0x1  }
0x8a: {  	s1 =	srdreg.scid  }
0x8b: {  	s0 =	sand.u32 $0x1, s1  }
0x8c: {  	s14 =	sshll.u32 s0, $0xA;
	s2 =	sadd.s32 s3, s2  }
0x8d: {  	s2 =	sadd.s32 s2, s14  }
0x8e: {  	[smem:$0x3FC3] =	sst s2  }
0x8f: {  	_ = 	snop  }
0x90: {  	s2 =	sld [smem:$0x3FD0];
	_ =	sdelay $0x2  }
0x91: {  	s15 =	simm.s32 $0xA;
	s4 =	simm.s32 $0x10  }
0x92: {  	[smem:s4], [sflag:s15] =	dma.local [hbm:s2], $0x1  }
0x93: {  	_ =	swait.eq [sflag:s15], $0x1  }
0x94: {  	[sflag:s15] =	ssyncset.done $0x0  }
0x95: {  	[sflag:s15] =	ssyncadd.s32 $0xFFFFFFFF  }
0x96: {  	s16 =	sld [smem:$0x11];
	(tm) =	ssettm $0x1  }
0x97: {  	s17 =	sld [smem:$0x3FFB];
	_ =	sdelay $0x3  }
0x98: {  	_ =	strace s17  }
0x99: {  	s3 =	sld [smem:$0x3FFC];
	_ =	sdelay $0x3  }
0x9a: {  	_ =	strace s3  }
0x9b: {  	s3 =	sld [smem:$0x3FFD];
	_ =	sdelay $0x3  }
0x9c: {  	_ =	strace s3  }
0x9d: {  	_ =	strace $0x8FFFFFFF  }
0x9e: {  	s18 =	sld [smem:$0x3FDB];
	_ =	sdelay $0x1  }
0x9f: {  	s19 =	simm.s32 $_scs_section_size  }
0xa0: {  	s5 =	simm.s32 $_size__tile_overlayer_lowered;
	s6 =	simm.s32 $_tile_overlayer_lowered  }
0xa1: {  	s22 =	simm.s32 $0x1BFF;
	s21 =	sshll.u32 s6, $0x1;
	s3 =	sadd.s32 s19, s18  }
0xa2: {  	s7 =	simm.s32 $0x0;
	s20 =	sshll.u32 s5, $0x1;
	s5 =	sadd.s32 s21, s3  }
0xa3: {  	[timem:s7], [sflag:s22] =	dma.local [hbm:s5], s20  }
0xa4: {  	_ =	swait.ge [sflag:s22], s20  }
0xa5: {  	s4 =	ssub.s32 $0x0, s20;
	[sflag:s22] =	ssyncset.done $0x0  }
0xa6: {  	[sflag:s22] =	ssyncadd.s32 s4;
	_ =	sdelay $0x1  }
0xa7: {  	s23 =	simm.s32 $0x1B8B  }
0xa8: {  	_ =	swait.ge [sflag:s23], $0x1  }
0xa9: {  	[sflag:s23] =	ssyncset.done $0x0  }
0xaa: {  	s25 =	simm.s32 $0x1B8E;
	s24 =	sld [smem:$0x3FFE];
	[sflag:s23] =	ssyncadd.s32 $0xFFFFFFFF  }
0xab: {  	s26 =	simm.s32 $execute0_lowered;
	[smem:$0x3FD2] =	sst s25  }
0xac: {  	s5 =	sshll.u32 s26, $0x1;
	_ =	strace $0x80000046;
	[dreg:$0x1] =	wrdreg $0xFFFFFFFF  }
0xad: {  	s28 =	simm.s32 $_size_execute0_lowered;
	s3 =	sadd.s32 s3, s5;
	[dreg:$0x0] =	wrdreg $0x0  }
0xae: {  	s5 =	sshll.u32 s28, $0x1;
	[dreg:$0x2] =	wrdreg s3  }
0xaf: {  	[dreg:$0x3] =	wrdreg s5  }
0xb0: {  	[dreg:$0x4] =	wrdreg $0xC0  }
0xb1: {  	_ =	task [dreg:s7], $0x5FFFF  }
0xb2: {  	[dreg:$0x1] =	wrdreg $0xFFFFFFFF  }
0xb3: {  	[dreg:$0x0] =	wrdreg $0x60  }
0xb4: {  	[dreg:$0x2] =	wrdreg s24  }
0xb5: {  	[dreg:$0x3] =	wrdreg s16  }
0xb6: {  	[dreg:$0x4] =	wrdreg $0x9  }
0xb7: {  	_ =	task.clear_ibuf [dreg:s7], $0x5FFFF;
	_ =	strace $0x90000046  }
0xb8: {  	s29 =	simm.s32 $0x9;
	_ =	strace $0x80000048  }
0xb9: {  	_ =	swait.ge [sflag:s29], $0x1  }
0xba: {  	[sflag:s29] =	ssyncadd.s32 $0xFFFFFFFF  }
0xbb: {  	_ =	strace $0x90000048  }
0xbc: {  	_ =	sfence  }
0xbd: {  	s30 =	sld [smem:$0x0];
	_ =	sdelay $0x2  }
0xbe: {  	s31 =	sshll.u32 s1, $0xD;
	s1 =	sshrl.u32 s1, $0x2  }
0xbf: {  	s3 =	sand.u32 $0x4000, s31;
	s1 =	sadd.s32 s1, s30  }
0xc0: {  	s0 =	sor.u32 s3, s0;
	s1 =	sshll.u32 s1, $0x11  }
0xc1: {  	s0 =	sor.u32 s1, s0  }
0xc2: {  	s0 =	sadd.s32 $0x8F2B, s0  }
0xc3: {  	[sflag:s0] =	ssyncadd.remote.s32 $0x1  }
0xc4: {  	_ =	sfence.sel $0xFFFF  }
0xc5: {  	[dreg:$0x0] =	wrdreg $0xFFFFFFFF;
	(pc) =	sbr.abs _section_cstart, $3  }
0xc6: {  	[dreg:$0x1] =	wrdreg $0xFFFFFFFF  }
0xc7: {  	_ =	task.clear_ibuf [dreg:s7], $0x2FFFF;
	_ =	strace $0x9FFFFFFF  }
0xc8: {  	(tm) =	ssettm $0x7FFFFFFF  }
0xc9: {  	_ =	shalt  }
tec
execute0_lowered:
.L_overlay_start_1:
0x0: {  	(tag) =	ssettag $0x1  }
0x1: {  	s1 =	stileid.u32  }
0x2: {  	p0 =	sgt.u32 s1, $0x1  }
.Ltmp0:
0x3: {  	_ = 	snop;
	(pc) =	sbr.rel @p0 .LBB2_214-.Ltmp0, $4  }
0x4: {  	s3 =	rddreg [dreg:$0x0]  }
0x5: {  	s4 =	rddreg [dreg:$0x1];
	s2 =	simm.s32 $0x0  }
0x6: {  	[smem:$0x7FF] =	sst s2  }
0x7: {  	s0 =	rddreg [dreg:$0x2];
	_ =	strace $0x80000047  }
0x8: {  	s5 =	srdreg.scid;
	s6 =	sshll.u32 s1, $0x5;
	s30 =	sadd.s32 $0x1000, s3  }
0x9: {  	s9 =	simm.s32 $0x1;
	s10 =	simm.s32 $0xA100;
	s11 =	simm.s32 $0x14100  }
0xa: {  	s12 =	simm.s32 $0x15100;
	s13 =	simm.s32 $0xE100;
	s14 =	simm.s32 $0xC100  }
0xb: {  	s15 =	simm.s32 $0x2000;
	s16 =	simm.s32 $0x4000;
	s5 =	sand.u32 $0x1, s5  }
0xc: {  	s17 =	simm.s32 $0x6080;
	s18 =	simm.s32 $0x8080;
	s7 =	sshll.u32 s5, $0x4  }
0xd: {  	v0 =	vlaneseq.u32;
	s19 =	simm.s32 $0x0;
	s5 =	ssub.s32 $0x2, s5;
	s6 =	sor.u32 s7, s6  }
0xe: {  	v3 =	vmul.u32 $0x10, v0;
	s8 =	sshrl.u32 s5, $0x1;
	s7 =	simm.s32 $0x80;
	s31 =	sadd.s32 s6, s3  }
0xf: {  	v1 =	vimm.s32 $0x0;
	v2 =	vimm.s32 $0x1;
	s4 =	sadd.s32 s4, s6;
	s8 =	ssub.s32 s5, s8;
	s5 =	sadd.s32 s30, s6  }
0x10: {  	v4 =	vimm.f32 $0.0e+00;
	v5 =	vimm.s32 $0xFFFFFFFF;
	v3 =	vor.u32 $0xF, v3;
	s3 =	sadd.s32 $0x2000, s31;
	s6 =	smax.u32 s8, $0x1;
	s8 =	simm.s32 $0x200  }
.LBB2_2:
0x11: {  	[tilespmem:s2], [sflag:$0x1] =	stream.strided.gather [hbm4b:s5+s7], $0x2000, s8, s7, $0x38;
	[tilespmem:$0x15200] =	vst v63  }
0x12: {  	_ =	swait.ge [sflag:s9], $0x2000  }
0x13: {  	[sflag:s9] =	ssyncset.done $0x0  }
0x14: {  	s21 =	simm.s32 $0xA140;
	[sflag:s9] =	ssyncadd.s32 $0xFFFFE000  }
0x15: {  	[tilespmem:s21+$0xFFFFFFC0] =	vst v1  }
0x16: {  	[tilespmem:s21+$0x30] =	vst v1  }
0x17: {  	[tilespmem:s21+$0x20] =	vst v1  }
0x18: {  	[tilespmem:s21+$0x10] =	vst v1  }
0x19: {  	[tilespmem:s21+$0x0] =	vst v1  }
0x1a: {  	[tilespmem:s21+$0xFFFFFFF0] =	vst v1  }
0x1b: {  	s23 =	simm.s32 $0x0;
	s20 =	simm.s32 $0x2020;
	s22 =	simm.s32 $0x20;
	[tilespmem:s21+$0xFFFFFFE0] =	vst v1  }
.LBB2_3:
0x1c: {  	s23 =	sadd.s32 $0x8, s23;
	[tilespmem:s21+$0xFFFFFFD0] =	vst v1;
	s21 =	sadd.s32 $0x80, s21  }
0x1d: {  	[tilespmem:s21+$0xFFFFFFC0] =	vst v1;
	p0 =	slt.u32 s23, $0xF8  }
0x1e: {  	[tilespmem:s21+$0x30] =	vst v1  }
.Ltmp1:
0x1f: {  	[tilespmem:s21+$0x20] =	vst v1;
	(pc) =	sbr.rel @p0 .LBB2_3-.Ltmp1, $4  }
0x20: {  	[tilespmem:s21+$0x10] =	vst v1  }
0x21: {  	[tilespmem:s21+$0x0] =	vst v1  }
0x22: {  	[tilespmem:s21+$0xFFFFFFF0] =	vst v1  }
0x23: {  	[tilespmem:s21+$0xFFFFFFE0] =	vst v1  }
0x24: {  	[tilespmem:s21+$0xFFFFFFD0] =	vst v1  }
0x25: {  	v6 =	vld [tilespmem:s22+$0xFFFFFFF0]  }
0x26: {  	v7 =	vld [tilespmem:s22+$0xFFFFFFE0]  }
0x27: {  	s30 =	simm.s32 $0x60;
	v8 =	vld [tilespmem:s22+$0x10]  }
0x28: {  	v12 =	vld [tilespmem:s30+$0xFFFFFFF0]  }
0x29: {  	v9 =	vld [tilespmem:s22+$0x0]  }
0x2a: {  	v20 =	vld [tilespmem:s30+$0x10]  }
0x2b: {  	vm0 =	vlt.s32 v6, $0x0  }
0x2c: {  	v10 =	vandn.u32 $0x7FFFFFFF, v6;
	v11 =	vandn.u32 $0x7FFFFFFF, v7;
	vm1 =	vlt.s32 v7, $0x0  }
0x2d: {  	v15 =	vandn.u32 $0x7FFFFFFF, v8;
	vm2 =	vlt.s32 v12, $0x0;
	v16 =	vandn.u32 $0x7FFFFFFF, v12  }
0x2e: {  	v6 =	vsel vm0, v6, v10;
	v7 =	vsel vm1, v7, v11;
	vm0 =	vlt.s32 v9, $0x0  }
0x2f: {  	v10 =	vld [tilespmem:s30+$0xFFFFFFE0];
	vm1 =	vlt.s32 v8, $0x0;
	v16 =	vsel vm2, v12, v16;
	vm2 =	vlt.s32 v20, $0x0  }
0x30: {  	s21 =	simm.s32 $0x2060;
	v11 =	vshrl.u32 v6, $0x14;
	v13 =	vshrl.u32 v7, $0x14;
	v8 =	vsel vm1, v8, v15;
	[tilespmem:s20+$0xFFFFFFE0] =	vst v7  }
0x31: {  	v7 =	vshrl.u32 v16, $0x14;
	[tilespmem:s21+$0xFFFFFFF0] =	vst v16;
	v16 =	vandn.u32 $0x7FFFFFFF, v20;
	v11 =	vand.u32 $0xFF0, v11  }
0x32: {  	[tilespmem:s20+$0xFFFFFFF0] =	vst v6;
	v13 =	vand.u32 $0xFF0, v13;
	v17 =	vshrl.u32 v8, $0x14;
	v6 =	vand.u32 $0xFF0, v7  }
0x33: {  	s31 =	simm.s32 $0xA0;
	v19 =	vor.u32 v0, v11;
	v14 =	vor.u32 v0, v13;
	v13 =	vandn.u32 $0x7FFFFFFF, v9;
	v11 =	vld [tilespmem:s30+$0x0]  }
0x34: {  	v12 =	vsel vm0, v9, v13;
	v9 =	vld [tilespmem:s31+$0xFFFFFFF0];
	v15 =	vandn.u32 $0x7FFFFFFF, v10;
	vm0 =	vlt.s32 v10, $0x0  }
0x35: {  	v16 =	vsel vm2, v20, v16;
	v13 =	vld [tilespmem:s31+$0xFFFFFFE0];
	v7 =	vshrl.u32 v12, $0x14;
	v10 =	vsel vm0, v10, v15  }
0x36: {  	v6 =	vor.u32 v0, v6;
	[tilespmem:s20+$0x0] =	vst v12;
	v15 =	vand.u32 $0xFF0, v7;
	v7 =	vld [tilespmem:s31+$0x10];
	v12 =	vshrl.u32 v10, $0x14  }
0x37: {  	v18 =	vand.u32 $0xFF0, v17;
	[tilespmem:s21+$0xFFFFFFE0] =	vst v10;
	v10 =	vld [tilespmem:s31+$0x0];
	v15 =	vor.u32 v0, v15;
	v12 =	vand.u32 $0xFF0, v12  }
0x38: {  	vm0 =	vlt.s32 v11, $0x0;
	v17 =	vandn.u32 $0x7FFFFFFF, v11;
	[tilespmem:v14+s10+$0x0] =	vst.idx.add.s32.msk $0xffff, v2;
	v14 =	vor.u32 v0, v18  }
0x39: {  	s23 =	simm.s32 $0x8;
	s24 =	simm.s32 $0xE0;
	s22 =	simm.s32 $0x2060;
	[tilespmem:v19+s10+$0x0] =	vst.idx.add.s32.msk $0xffff, v2;
	v12 =	vor.u32 v0, v12;
	vm1 =	vlt.s32 v9, $0x0;
	v18 =	vandn.u32 $0x7FFFFFFF, v9  }
.LBB2_5:
0x3a: {  	s23 =	sadd.s32 $0x4, s23;
	v19 =	vandn.u32 $0x7FFFFFFF, v13;
	v18 =	vsel vm1, v9, v18;
	v9 =	vld [tilespmem:s24+$0xFFFFFFF0];
	v23 =	vsel vm0, v11, v17;
	s21 =	sadd.s32 $0x40, s21;
	[tilespmem:s20+$0x10] =	vst v8;
	v20 =	vmovc v12  }
0x3b: {  	vm0 =	vlt.s32 v13, $0x0;
	v17 =	vshrl.u32 v16, $0x14;
	v8 =	vmovc v16;
	s20 =	smov.u32 s22;
	v21 =	vld [tilespmem:s24+$0xFFFFFFE0];
	p0 =	slt.u32 s23, $0x1FC;
	v12 =	vshrl.u32 v18, $0x14;
	[tilespmem:s22+$0x0] =	vst v23;
	v22 =	vmovc v7;
	s22 =	smov.u32 s21  }
0x3c: {  	v13 =	vsel vm0, v13, v19;
	v7 =	vand.u32 $0xFF0, v12;
	v12 =	vshrl.u32 v23, $0x14;
	[tilespmem:v15+s10+$0x0] =	vst.idx.add.s32.msk $0xffff, v2;
	v11 =	vmovc v10  }
.Ltmp2:
0x3d: {  	v10 =	vshrl.u32 v13, $0x14;
	v19 =	vor.u32 v0, v7;
	v15 =	vand.u32 $0xFF0, v12;
	[tilespmem:v14+s10+$0x0] =	vst.idx.add.s32.msk $0xffff, v2;
	(pc) =	sbr.rel @p0 .LBB2_5-.Ltmp2, $4  }
0x3e: {  	v23 =	vand.u32 $0xFF0, v17;
	v12 =	vand.u32 $0xFF0, v10;
	vm0 =	vlt.s32 v11, $0x0;
	v7 =	vld [tilespmem:s24+$0x10];
	[tilespmem:s21+$0xFFFFFFE0] =	vst v13  }
0x3f: {  	vm2 =	vlt.s32 v22, $0x0;
	v12 =	vor.u32 v0, v12;
	v15 =	vor.u32 v0, v15;
	v10 =	vld [tilespmem:s24+$0x0];
	[tilespmem:s21+$0xFFFFFFF0] =	vst v18  }
0x40: {  	v16 =	vandn.u32 $0x7FFFFFFF, v22;
	v17 =	vandn.u32 $0x7FFFFFFF, v11;
	v14 =	vor.u32 v0, v23;
	[tilespmem:v20+s10+$0x0] =	vst.idx.add.s32.msk $0xffff, v2;
	v13 =	vmovc v21  }
0x41: {  	v16 =	vsel vm2, v22, v16;
	vm1 =	vlt.s32 v9, $0x0;
	v18 =	vandn.u32 $0x7FFFFFFF, v9;
	s24 =	sadd.s32 $0x40, s24;
	[tilespmem:v6+s10+$0x0] =	vst.idx.add.s32.msk $0xffff, v2;
	v6 =	vmovc v19  }
0x42: {  	_ =	sdelay $0x2  }
0x43: {  	[tilespmem:s20+$0x10] =	vst v8  }
0x44: {  	v11 =	vsel vm0, v11, v17;
	v8 =	vandn.u32 $0x7FFFFFFF, v13;
	v9 =	vsel vm1, v9, v18;
	[tilespmem:v15+s10+$0x0] =	vst.idx.add.s32.msk $0xffff, v2  }
0x45: {  	vm13 =	vlt.s32 v13, $0x0;
	v59 =	vshrl.u32 v16, $0x14;
	[tilespmem:v12+s10+$0x0] =	vst.idx.add.s32.msk $0xffff, v2;
	v58 =	vshrl.u32 v9, $0x14  }
0x46: {  	[tilespmem:s22+$0x0] =	vst v11;
	v8 =	vsel vm13, v13, v8;
	v11 =	vshrl.u32 v11, $0x14;
	v13 =	vand.u32 $0xFF0, v59  }
0x47: {  	[tilespmem:v6+s10+$0x0] =	vst.idx.add.s32.msk $0xffff, v2;
	vm15 =	vlt.s32 v7, $0x0;
	v63 =	vandn.u32 $0x7FFFFFFF, v7;
	v60 =	vshrl.u32 v8, $0x14  }
0x48: {  	s29 =	sadd.s32 $0x40, s21;
	[tilespmem:s22+$0x10] =	vst v16;
	v61 =	vand.u32 $0xFF0, v58;
	v11 =	vand.u32 $0xFF0, v11;
	vm14 =	vlt.s32 v10, $0x0  }
0x49: {  	[tilespmem:s29+$0xFFFFFFF0] =	vst v9;
	v62 =	vor.u32 v0, v13;
	v9 =	vor.u32 v0, v11;
	v11 =	vandn.u32 $0x7FFFFFFF, v10  }
0x4a: {  	[tilespmem:s29+$0xFFFFFFE0] =	vst v8;
	v7 =	vsel vm15, v7, v63;
	v8 =	vand.u32 $0xFF0, v60;
	v6 =	vsel vm14, v10, v11  }
0x4b: {  	v8 =	vor.u32 v0, v8;
	v11 =	vshrl.u32 v6, $0x14;
	[tilespmem:s29+$0x0] =	vst v6;
	v6 =	vshrl.u32 v7, $0x14  }
0x4c: {  	[tilespmem:v14+s10+$0x0] =	vst.idx.add.s32.msk $0xffff, v2;
	v10 =	vor.u32 v0, v61;
	v6 =	vand.u32 $0xFF0, v6  }
0x4d: {  	[tilespmem:s29+$0x10] =	vst v7;
	v11 =	vand.u32 $0xFF0, v11;
	v6 =	vor.u32 v0, v6  }
0x4e: {  	[tilespmem:v9+s10+$0x0] =	vst.idx.add.s32.msk $0xffff, v2;
	v9 =	vor.u32 v0, v11  }
0x4f: {  	[tilespmem:v62+s10+$0x0] =	vst.idx.add.s32.msk $0xffff, v2  }
0x50: {  	[tilespmem:v8+s10+$0x0] =	vst.idx.add.s32.msk $0xffff, v2  }
0x51: {  	[tilespmem:v10+s10+$0x0] =	vst.idx.add.s32.msk $0xffff, v2  }
0x52: {  	[tilespmem:v6+s10+$0x0] =	vst.idx.add.s32.msk $0xffff, v2  }
0x53: {  	s30 =	simm.s32 $0xA120;
	[tilespmem:v9+s10+$0x0] =	vst.idx.add.s32.msk $0xffff, v2  }
0x54: {  	v6 =	vld [tilespmem:s30+$0xFFFFFFE0]  }
0x55: {  	v7 =	vld [tilespmem:s30+$0x10]  }
0x56: {  	v8 =	vld [tilespmem:s30+$0x0]  }
0x57: {  	v9 =	vld [tilespmem:s30+$0xFFFFFFF0];
	_ =	sdelay $0x1  }
0x58: {  	s31 =	simm.s32 $0xA160;
	(xrf0) =	vadd.scan.msk.s32 $0xffff, v6  }
0x59: {  	v6 =	vld [tilespmem:s31+$0xFFFFFFE0];
	(xrf0) =	vadd.scan.msk.s32 $0xffff, v7  }
0x5a: {  	v7 =	vld [tilespmem:s31+$0x10];
	(xrf0) =	vadd.scan.msk.s32 $0xffff, v8  }
0x5b: {  	v8 =	vld [tilespmem:s31+$0x0];
	(xrf0) =	vadd.scan.msk.s32 $0xffff, v9  }
0x5c: {  	v9 =	vld [tilespmem:s31+$0xFFFFFFF0];
	_ =	sdelay $0x1  }
0x5d: {  	s20 =	simm.s32 $0x14120;
	s21 =	simm.s32 $0xA1A0;
	(xrf0) =	vadd.scan.msk.s32 $0xffff, v6;
	v10, _, _ =	vpop (xrf0)  }
0x5e: {  	v6 =	vld [tilespmem:s21+$0xFFFFFFE0];
	(xrf0) =	vadd.scan.msk.s32 $0xffff, v7;
	[tilespmem:s20+$0xFFFFFFE0] =	vst v10;
	v10, _, _ =	vpop (xrf0)  }
0x5f: {  	v7 =	vld [tilespmem:s21+$0x10];
	(xrf0) =	vadd.scan.msk.s32 $0xffff, v8;
	[tilespmem:s20+$0x10] =	vst v10;
	v10, _, _ =	vpop (xrf0)  }
0x60: {  	s22 =	simm.s32 $0x8;
	v8 =	vld [tilespmem:s21+$0x0];
	(xrf0) =	vadd.scan.msk.s32 $0xffff, v9;
	[tilespmem:s20+$0x0] =	vst v10;
	v9, _, _ =	vpop (xrf0)  }
.LBB2_7:
0x61: {  	s22 =	sadd.s32 $0x4, s22  }
0x62: {  	v10 =	vld [tilespmem:s21+$0xFFFFFFF0];
	[tilespmem:s20+$0xFFFFFFF0] =	vst v9;
	s20 =	sadd.s32 $0x40, s20;
	p0 =	slt.u32 s22, $0xFC  }
.Ltmp3:
0x63: {  	(pc) =	sbr.rel @p0 .LBB2_7-.Ltmp3, $4  }
0x64: {  	s21 =	sadd.s32 $0x40, s21;
	(xrf0) =	vadd.scan.msk.s32 $0xffff, v6;
	v9, _, _ =	vpop (xrf0)  }
0x65: {  	v6 =	vld [tilespmem:s21+$0xFFFFFFE0];
	(xrf0) =	vadd.scan.msk.s32 $0xffff, v7;
	[tilespmem:s20+$0xFFFFFFE0] =	vst v9;
	v9, _, _ =	vpop (xrf0)  }
0x66: {  	v7 =	vld [tilespmem:s21+$0x10];
	(xrf0) =	vadd.scan.msk.s32 $0xffff, v8;
	[tilespmem:s20+$0x10] =	vst v9;
	v9, _, _ =	vpop (xrf0)  }
0x67: {  	v8 =	vld [tilespmem:s21+$0x0];
	(xrf0) =	vadd.scan.msk.s32 $0xffff, v10;
	[tilespmem:s20+$0x0] =	vst v9;
	v9, _, _ =	vpop (xrf0)  }
0x68: {  	v10 =	vld [tilespmem:s21+$0xFFFFFFF0];
	_ =	sdelay $0x1  }
0x69: {  	(xrf0) =	vadd.scan.msk.s32 $0xffff, v6  }
0x6a: {  	(xrf0) =	vadd.scan.msk.s32 $0xffff, v7  }
0x6b: {  	[tilespmem:s20+$0xFFFFFFF0] =	vst v9;
	s29 =	sadd.s32 $0x40, s20;
	v6, _, _ =	vpop (xrf0);
	(xrf0) =	vadd.scan.msk.s32 $0xffff, v8  }
0x6c: {  	[tilespmem:s29+$0xFFFFFFE0] =	vst v6;
	v6, _, _ =	vpop (xrf0);
	(xrf0) =	vadd.scan.msk.s32 $0xffff, v10  }
0x6d: {  	v7, _, _ =	vpop (xrf0);
	[tilespmem:s29+$0x10] =	vst v6  }
0x6e: {  	s20 =	simm.s32 $0x0;
	[tilespmem:s29+$0x0] =	vst v7;
	v6, _, _ =	vpop (xrf0)  }
0x6f: {  	s21 =	sadd.s32 $0x40, s29;
	v7 =	vor.u32 s20, v3;
	[tilespmem:s29+$0xFFFFFFF0] =	vst v6;
	v6, _, _ =	vpop (xrf0)  }
0x70: {  	[tilespmem:s21+$0xFFFFFFE0] =	vst v6;
	v6, _, _ =	vpop (xrf0)  }
0x71: {  	[tilespmem:s21+$0x10] =	vst v6;
	v6, _, _ =	vpop (xrf0)  }
0x72: {  	[tilespmem:s21+$0x0] =	vst v6;
	v6, _, _ =	vpop (xrf0)  }
0x73: {  	[tilespmem:s21+$0xFFFFFFF0] =	vst v6  }
0x74: {  	v6 =	vld.idx.msk [tilespmem:v7+s11+$0x0], $0xffff;
	_ =	sdelay $0x4  }
0x75: {  	(xrf0) =	vadd.scan.msk.s32 $0xffff, v6;
	_ =	sdelay $0x5  }
0x76: {  	v7, _, _ =	vpop (xrf0)  }
0x77: {  	v7 =	vadd.s32 s20, v7  }
0x78: {  	(v2sf) =	vpush v7, $0xF;
	_ =	sdelay $0x1  }
0x79: {  	s30 =	simm.s32 $0x100  }
0x7a: {  	v8 =	vor.u32 s30, v3  }
0x7b: {  	v6 =	vsub.s32 v7, v6  }
0x7c: {  	vm0 =	vgt.s32 v7, $0xFFF;
	vm1 =	vlt.s32 v6, $0x1000  }
0x7d: {  	v6 =	vor.u32 s20, v0;
	vm0 =	vmand vm0, vm1  }
0x7e: {  	v6 =	vnsel vm0, $0x0, v6  }
0x7f: {  	v8 =	vld.idx.msk [tilespmem:v8+s11+$0x0], $0xffff;
	(xrf0) =	vadd.scan.msk.s32 $0xffff, v6;
	_ =	sdelay $0x4  }
0x80: {  	(xrf0) =	vadd.scan.msk.s32 $0xffff, v8  }
0x81: {  	v6, _, _ =	vpop (xrf0)  }
0x82: {  	s22 =	spop (v2sf);
	(v2sf) =	vpush v6, $0xF;
	_ =	sdelay $0x3  }
0x83: {  	s31 =	simm.s32 $0x200;
	v7, _, _ =	vpop (xrf0)  }
0x84: {  	v63 =	vor.u32 s31, v3;
	v7 =	vadd.s32 s22, v7  }
0x85: {  	v8 =	vsub.s32 v7, v8;
	(v2sf) =	vpush v7, $0xF  }
0x86: {  	s22 =	simm.s32 $0x10;
	vm14 =	vgt.s32 v7, $0xFFF;
	vm15 =	vlt.s32 v8, $0x1000  }
0x87: {  	v8 =	vor.u32 s22, v0;
	vm0 =	vmand vm14, vm15  }
0x88: {  	v8 =	vnsel vm0, $0x0, v8  }
0x89: {  	v6 =	vld.idx.msk [tilespmem:v63+s11+$0x0], $0xffff;
	(xrf0) =	vadd.scan.msk.s32 $0xffff, v8  }
0x8a: {  	s23 =	simm.s32 $0x300;
	s24 =	simm.s32 $0x500;
	s21 =	simm.s32 $0x400  }
.LBB2_9:
0x8b: {  	p0 =	sne.s32 s24, $0xF00;
	_ =	sdelay $0x2  }
0x8c: {  	(xrf0) =	vadd.scan.msk.s32 $0xffff, v6;
	s25 =	spop (v2sf)  }
0x8d: {  	v7, _, _ =	vpop (xrf0);
	s20 =	sadd.s32 s20, s25  }
0x8e: {  	(v2sf) =	vpush v7, $0xF;
	_ =	sdelay $0x3  }
0x8f: {  	v7 =	vor.u32 s23, v3;
	s23 =	smov.u32 s21;
	s21 =	smov.u32 s24;
	v8, _, _ =	vpop (xrf0);
	s25 =	spop (v2sf)  }
0x90: {  	v8 =	vadd.s32 s25, v8  }
0x91: {  	vm0 =	vgt.s32 v8, $0xFFF;
	v6 =	vsub.s32 v8, v6;
	(v2sf) =	vpush v8, $0xF  }
.Ltmp4:
0x92: {  	s22 =	sadd.s32 $0x10, s22;
	vm1 =	vlt.s32 v6, $0x1000;
	(pc) =	sbr.rel @p0 .LBB2_9-.Ltmp4, $4  }
0x93: {  	v8 =	vor.u32 s22, v0;
	vm0 =	vmand vm0, vm1  }
0x94: {  	v6 =	vld.idx.msk [tilespmem:v7+s11+$0x0], $0xffff;
	v7 =	vnsel vm0, $0x0, v8  }
0x95: {  	(xrf0) =	vadd.scan.msk.s32 $0xffff, v7  }
0x96: {  	s24 =	sadd.s32 $0x100, s24  }
0x97: {  	_ =	sdelay $0x2  }
0x98: {  	(xrf0) =	vadd.scan.msk.s32 $0xffff, v6;
	_ =	sdelay $0x4  }
0x99: {  	s24 =	spop (v2sf);
	v7, _, _ =	vpop (xrf0)  }
0x9a: {  	v8, _, _ =	vpop (xrf0);
	s25 =	spop (v2sf)  }
0x9b: {  	(v2sf) =	vpush v7, $0xF;
	v7 =	vor.u32 s23, v3;
	v8 =	vadd.s32 s25, v8  }
0x9c: {  	(v2sf) =	vpush v8, $0xF;
	_ =	sdelay $0x3  }
0x9d: {  	v6 =	vsub.s32 v8, v6;
	v7 =	vld.idx.msk [tilespmem:v7+s11+$0x0], $0xffff  }
0x9e: {  	s22 =	sadd.s32 $0x10, s22;
	vm0 =	vgt.s32 v8, $0xFFF;
	vm1 =	vlt.s32 v6, $0x1000  }
0x9f: {  	v6 =	vor.u32 s22, v0;
	vm0 =	vmand vm0, vm1  }
0xa0: {  	v6 =	vnsel vm0, $0x0, v6  }
0xa1: {  	(xrf0) =	vadd.scan.msk.s32 $0xffff, v6  }
0xa2: {  	(xrf0) =	vadd.scan.msk.s32 $0xffff, v7;
	_ =	sdelay $0x4  }
0xa3: {  	v6, _, _ =	vpop (xrf0);
	s23 =	spop (v2sf)  }
0xa4: {  	v8, _, _ =	vpop (xrf0);
	s29 =	spop (v2sf)  }
0xa5: {  	(v2sf) =	vpush v6, $0xF;
	v6 =	vor.u32 s21, v3;
	v8 =	vadd.s32 s29, v8  }
0xa6: {  	(v2sf) =	vpush v8, $0xF;
	_ =	sdelay $0x3  }
0xa7: {  	v7 =	vsub.s32 v8, v7;
	v6 =	vld.idx.msk [tilespmem:v6+s11+$0x0], $0xffff  }
0xa8: {  	s30 =	sadd.s32 $0x10, s22;
	vm11 =	vgt.s32 v8, $0xFFF;
	vm12 =	vlt.s32 v7, $0x1000  }
0xa9: {  	v7 =	vor.u32 s30, v0;
	vm0 =	vmand vm11, vm12  }
0xaa: {  	v7 =	vnsel vm0, $0x0, v7  }
0xab: {  	(xrf0) =	vadd.scan.msk.s32 $0xffff, v7  }
0xac: {  	(xrf0) =	vadd.scan.msk.s32 $0xffff, v6;
	_ =	sdelay $0x4  }
0xad: {  	v7, _, _ =	vpop (xrf0);
	s31 =	spop (v2sf)  }
0xae: {  	v8, _, _ =	vpop (xrf0);
	s26 =	spop (v2sf)  }
0xaf: {  	v8 =	vadd.s32 s26, v8  }
0xb0: {  	v6 =	vsub.s32 v8, v6  }
0xb1: {  	s21 =	sadd.s32 $0x10, s30;
	vm13 =	vgt.s32 v8, $0xFFF;
	vm14 =	vlt.s32 v6, $0x1000  }
0xb2: {  	v6 =	vor.u32 s21, v0;
	vm0 =	vmand vm13, vm14  }
0xb3: {  	v6 =	vnsel vm0, $0x0, v6  }
0xb4: {  	(xrf0) =	vadd.scan.msk.s32 $0xffff, v6;
	_ =	sdelay $0x4  }
0xb5: {  	(v2sf) =	vpush v7, $0xF  }
0xb6: {  	(v2sf) =	vpush v8, $0xF;
	v6, _, _ =	vpop (xrf0)  }
0xb7: {  	(v2sf) =	vpush v6, $0xF;
	_ =	sdelay $0xa  }
0xb8: {  	s28 =	simm.s32 $0x2000  }
0xb9: {  	s20 =	sadd.s32 s20, s24;
	v7 =	vld [tilespmem:s28+$0x0]  }
0xba: {  	s20 =	sadd.s32 s20, s23;
	s29 =	spop (v2sf)  }
0xbb: {  	s20 =	sadd.s32 s20, s31;
	s30 =	spop (v2sf)  }
0xbc: {  	s20 =	sadd.s32 s20, s29;
	s31 =	spop (v2sf)  }
0xbd: {  	s20 =	sadd.s32 s20, s31  }
0xbe: {  	v8 =	vshrl.u32 v7, $0x18;
	v6 =	vmov s20  }
0xbf: {  	s20 =	simm.s32 $0x0;
	vm15 =	vle.s32 v8, v6  }
0xc0: {  	[tilespmem:s20+$0x4000] =	vst.msk vm15, v7;
	v7 =	vor.u32 s20, v0  }
0xc1: {  	[tilespmem:s20+$0x8080] =	vst.msk vm15, v7;
	v7 =	vmpcnt.ones.xlane vm15;
	_ =	sdelay $0x1  }
0xc2: {  	(v2sf) =	vpush v7, $0x0;
	_ =	sdelay $0x3  }
0xc3: {  	s21 =	simm.s32 $0xC100  }
0xc4: {  	s22 =	simm.s32 $0xE100;
	[tilespmem:s21+$0x0] =	vst v1  }
0xc5: {  	s24 =	simm.s32 $0x2010;
	[tilespmem:s22+$0x0] =	vst v4  }
0xc6: {  	s25 =	simm.s32 $0x20;
	s23 =	simm.s32 $0x10;
	v7 =	vld [tilespmem:s24+$0x0]  }
.LBB2_11:
0xc7: {  	p0 =	sne.s32 s25, $0x1FF0;
	_ =	sdelay $0x3  }
0xc8: {  	v8 =	vshrl.u32 v7, $0x18  }
0xc9: {  	vm0 =	vle.s32 v8, v6  }
0xca: {  	v8 =	vmpcnt.ones.xlane vm0  }
0xcb: {  	s26 =	spop (v2sf)  }
0xcc: {  	(v2sf) =	vpush v8, $0x0;
	s20 =	sadd.s32 s20, s26  }
0xcd: {  	[tilespmem:s20+$0x4000] =	vst.msk vm0, v7;
	v7 =	vor.u32 s23, v0;
	s23 =	smov.u32 s25  }
0xce: {  	s21 =	sadd.s32 $0x10, s21;
	[tilespmem:s20+$0x8080] =	vst.msk vm0, v7  }
.Ltmp5:
0xcf: {  	s22 =	sadd.s32 $0x10, s22;
	[tilespmem:s21+$0x0] =	vst v1;
	(pc) =	sbr.rel @p0 .LBB2_11-.Ltmp5, $3  }
0xd0: {  	[tilespmem:s22+$0x0] =	vst v4;
	_ =	sdelay $0x1  }
0xd1: {  	s24 =	sadd.s32 $0x10, s24  }
0xd2: {  	s25 =	sadd.s32 $0x10, s25;
	v7 =	vld [tilespmem:s24+$0x0]  }
0xd3: {  	_ =	sdelay $0x3  }
0xd4: {  	v8 =	vshrl.u32 v7, $0x18  }
0xd5: {  	vm0 =	vle.s32 v8, v6  }
0xd6: {  	v6 =	vmpcnt.ones.xlane vm0;
	_ =	sdelay $0x1  }
0xd7: {  	(v2sf) =	vpush v6, $0x0;
	_ =	sdelay $0xa  }
0xd8: {  	s24 =	spop (v2sf)  }
0xd9: {  	s20 =	sadd.s32 s20, s24  }
0xda: {  	v6 =	vor.u32 s23, v0;
	[tilespmem:s20+$0x4000] =	vst.msk vm0, v7  }
0xdb: {  	s21 =	sadd.s32 $0x10, s21;
	[tilespmem:s20+$0x8080] =	vst.msk vm0, v6  }
0xdc: {  	s30 =	sadd.s32 $0x10, s22;
	[tilespmem:s21+$0x0] =	vst v1;
	s31 =	spop (v2sf)  }
0xdd: {  	[tilespmem:s30+$0x0] =	vst v4;
	s20 =	sadd.s32 s20, s31  }
0xde: {  	[tilespmem:s20+$0x4000] =	vst v5  }
0xdf: {  	s23 =	simm.s32 $0xA140;
	[tilespmem:s20+$0x8080] =	vst v1  }
0xe0: {  	[tilespmem:s23+$0xFFFFFFC0] =	vst v1  }
0xe1: {  	[tilespmem:s23+$0x30] =	vst v1  }
0xe2: {  	[tilespmem:s23+$0x20] =	vst v1  }
0xe3: {  	[tilespmem:s23+$0x10] =	vst v1  }
0xe4: {  	[tilespmem:s23+$0x0] =	vst v1  }
0xe5: {  	[tilespmem:s23+$0xFFFFFFF0] =	vst v1  }
0xe6: {  	s21 =	simm.s32 $0x0;
	[tilespmem:s23+$0xFFFFFFE0] =	vst v1  }
.LBB2_13:
0xe7: {  	s21 =	sadd.s32 $0x8, s21;
	[tilespmem:s23+$0xFFFFFFD0] =	vst v1;
	s23 =	sadd.s32 $0x80, s23  }
0xe8: {  	[tilespmem:s23+$0xFFFFFFC0] =	vst v1;
	p0 =	slt.u32 s21, $0xF8  }
0xe9: {  	[tilespmem:s23+$0x30] =	vst v1  }
.Ltmp6:
0xea: {  	[tilespmem:s23+$0x20] =	vst v1;
	(pc) =	sbr.rel @p0 .LBB2_13-.Ltmp6, $4  }
0xeb: {  	[tilespmem:s23+$0x10] =	vst v1  }
0xec: {  	[tilespmem:s23+$0x0] =	vst v1  }
0xed: {  	[tilespmem:s23+$0xFFFFFFF0] =	vst v1  }
0xee: {  	[tilespmem:s23+$0xFFFFFFE0] =	vst v1  }
0xef: {  	s22 =	sadd.s32 $0xF, s20  }
0xf0: {  	s20 =	sshrl.u32 s22, $0x4  }
0xf1: {  	s21 =	sand.u32 $0xFFFFFFC, s20  }
0xf2: {  	p0 =	seq.s32 s21, $0x0  }
.Ltmp7:
0xf3: {  	_ = 	snop;
	(pc) =	sbr.rel @p0 .LBB2_17-.Ltmp7, $3  }
0xf4: {  	_ =	sdelay $0x1  }
0xf5: {  	v6 =	vmul.u32 s20, v0  }
0xf6: {  	[tilespmem:s23+$0xFFFFFFD0] =	vst v1  }
0xf7: {  	s24 =	simm.s32 $0x3  }
0xf8: {  	s31 =	simm.s32 $0x1;
	v7 =	vadd.s32 s24, v6  }
0xf9: {  	p2 =	sgt.u32 s21, $0x4;
	v8 =	vadd.s32 s31, v6  }
.Ltmp8:
0xfa: {  	_ = 	snop;
	(pc) =	sbr.rel @!p2 .LBB2_16-.Ltmp8, $3  }
0xfb: {  	_ =	sdelay $0x1  }
0xfc: {  	s25 =	simm.s32 $0x0;
	s26 =	simm.s32 $0x2;
	v9 =	vld.idx.msk [tilespmem:v7+s16+$0x0], $0xffff  }
0xfd: {  	s23 =	simm.s32 $0x10120;
	p1 =	por $0x0, $0x0;
	s24 =	simm.s32 $0x4;
	v10 =	vadd.s32 s26, v6;
	v7 =	vadd.s32 s25, v6;
	v8 =	vld.idx.msk [tilespmem:v8+s16+$0x0], $0xffff  }
0xfe: {  	_ =	sdelay $0x3  }
0xff: {  	s25 =	simm.s32 $0x7;
	v13 =	vld.idx.msk [tilespmem:v10+s16+$0x0], $0xffff  }
0x100: {  	s30 =	simm.s32 $0x5;
	v14 =	vadd.s32 s25, v6;
	v9 =	vshll.u32 v9, $0x4  }
0x101: {  	v16 =	vld.idx.msk [tilespmem:v7+s16+$0x0], $0xffff;
	v7 =	vadd.s32 s24, v6;
	s31 =	simm.s32 $0x6;
	v17 =	vadd.s32 s30, v6;
	v11 =	vand.u32 $0xFF0, v9  }
0x102: {  	p2 =	sgt.u32 s21, $0x8;
	v10 =	vadd.s32 s31, v6;
	v8 =	vshll.u32 v8, $0x4;
	v12 =	vor.u32 v0, v11  }
.Ltmp9:
0x103: {  	v9 =	vand.u32 $0xF80, v9;
	v11 =	vand.u32 $0xFF0, v8;
	v15 =	vand.u32 $0x7F, v12;
	(pc) =	sbr.rel @!p2 .LBB2_23-.Ltmp9, $4  }
0x104: {  	v18 =	vshll.u32 v13, $0x4;
	v11 =	vor.u32 v0, v11;
	v15 =	vor.u32 v9, v15  }
0x105: {  	v8 =	vand.u32 $0xF80, v8;
	v19 =	vand.u32 $0xFF0, v18;
	v13 =	vand.u32 $0x7F, v11;
	v9 =	vld.idx.msk [tilespmem:v14+s16+$0x0], $0xffff  }
0x106: {  	v16 =	vshll.u32 v16, $0x4;
	v14 =	vor.u32 v8, v13;
	v13 =	vor.u32 v0, v19  }
0x107: {  	p1 =	por $0x1, $0x1;
	s24 =	simm.s32 $0x10120;
	s25 =	simm.s32 $0x8;
	v18 =	vand.u32 $0xF80, v18;
	v8 =	vld.idx.msk [tilespmem:v17+s16+$0x0], $0xffff;
	v17 =	vand.u32 $0xFF0, v16;
	v19 =	vand.u32 $0x7F, v13  }
.LBB2_24:
0x108: {  	s26 =	sadd.s32 $0x3, s25;
	v20 =	vld.idx.msk [tilespmem:v10+s16+$0x0], $0xffff;
	v17 =	vor.u32 v0, v17;
	v18 =	vor.u32 v18, v19;
	[tilespmem:s24+$0x10] =	vst v12;
	s28 =	smov.u32 s25;
	s25 =	sadd.s32 $0x4, s25  }
0x109: {  	v10 =	vand.u32 $0xF80, v16;
	v19 =	vadd.s32 s26, v6;
	p2 =	slt.u32 s25, s21;
	v12 =	vand.u32 $0x7F, v17;
	[tilespmem:v15+s10+$0x0] =	vst.idx.add.s32.msk $0xffff, v2  }
0x10a: {  	s26 =	sadd.s32 $0x1, s28;
	v9 =	vshll.u32 v9, $0x4;
	v16 =	vld.idx.msk [tilespmem:v7+s16+$0x0], $0xffff;
	v21 =	vor.u32 v10, v12;
	[tilespmem:s24+$0xFFFFFFF0] =	vst v11  }
0x10b: {  	v7 =	vadd.s32 s28, v6;
	v22 =	vadd.s32 s26, v6;
	s26 =	sadd.s32 $0x2, s28;
	v11 =	vand.u32 $0xFF0, v9;
	[tilespmem:v14+s10+$0x0] =	vst.idx.add.s32.msk $0xffff, v2  }
0x10c: {  	v10 =	vadd.s32 s26, v6;
	v8 =	vshll.u32 v8, $0x4;
	v12 =	vor.u32 v0, v11;
	[tilespmem:s24+$0x0] =	vst v13  }
.Ltmp10:
0x10d: {  	v11 =	vand.u32 $0xFF0, v8;
	v13 =	vand.u32 $0xF80, v9;
	v14 =	vand.u32 $0x7F, v12;
	[tilespmem:v18+s10+$0x0] =	vst.idx.add.s32.msk $0xffff, v2;
	(pc) =	sbr.rel @p2 .LBB2_24-.Ltmp10, $4  }
0x10e: {  	v11 =	vor.u32 v0, v11;
	v18 =	vshll.u32 v20, $0x4;
	v15 =	vor.u32 v13, v14;
	v9 =	vld.idx.msk [tilespmem:v19+s16+$0x0], $0xffff;
	[tilespmem:s24+$0xFFFFFFE0] =	vst v17  }
0x10f: {  	v13 =	vand.u32 $0xF80, v8;
	v14 =	vand.u32 $0x7F, v11;
	v17 =	vand.u32 $0xFF0, v18;
	[tilespmem:v21+s10+$0x0] =	vst.idx.add.s32.msk $0xffff, v2  }
0x110: {  	v16 =	vshll.u32 v16, $0x4;
	v14 =	vor.u32 v13, v14;
	v13 =	vor.u32 v0, v17;
	v8 =	vld.idx.msk [tilespmem:v22+s16+$0x0], $0xffff  }
0x111: {  	v18 =	vand.u32 $0xF80, v18;
	s24 =	sadd.s32 $0x40, s24;
	v17 =	vand.u32 $0xFF0, v16;
	v19 =	vand.u32 $0x7F, v13  }
.LBB2_25:
0x112: {  	_ =	sdelay $0x3  }
0x113: {  	v10 =	vld.idx.msk [tilespmem:v10+s16+$0x0], $0xffff  }
0x114: {  	[tilespmem:s24+$0x10] =	vst @p1 v12;
	v12 =	vor.u32 @p1 v0, v17;
	v7 =	vld.idx.msk [tilespmem:v7+s16+$0x0], $0xffff  }
0x115: {  	[tilespmem:v15+s10+$0x0] =	vst.idx.add.s32.msk @p1 $0xffff, v2;
	v9 =	vshll.u32 v9, $0x4;
	v15 =	vand.u32 @p1 $0xF80, v16;
	v16 =	vand.u32 @p1 $0x7F, v12  }
0x116: {  	v17 =	vor.u32 @p1 v18, v19;
	[tilespmem:s24+$0xFFFFFFF0] =	vst @p1 v11;
	v54 =	vand.u32 $0xFF0, v9;
	v15 =	vor.u32 @p1 v15, v16  }
0x117: {  	[tilespmem:s24+$0x0] =	vst @p1 v13;
	v9 =	vand.u32 $0xF80, v9;
	v8 =	vshll.u32 v8, $0x4;
	v55 =	vor.u32 v0, v54  }
0x118: {  	[tilespmem:s24+$0xFFFFFFE0] =	vst @p1 v12;
	s24 =	sadd.s32 @p1 $0x40, s24;
	v56 =	vand.u32 $0xFF0, v8;
	v57 =	vand.u32 $0x7F, v55;
	v8 =	vand.u32 $0xF80, v8  }
0x119: {  	[tilespmem:v14+s10+$0x0] =	vst.idx.add.s32.msk @p1 $0xffff, v2;
	s23 =	smov.u32 @p1 s24;
	v58 =	vor.u32 v0, v56;
	v10 =	vshll.u32 v10, $0x4;
	v9 =	vor.u32 v9, v57  }
0x11a: {  	[tilespmem:s23+$0x10] =	vst v55;
	v7 =	vshll.u32 v7, $0x4;
	v14 =	vand.u32 $0x7F, v58;
	v59 =	vand.u32 $0xFF0, v10  }
0x11b: {  	[tilespmem:v17+s10+$0x0] =	vst.idx.add.s32.msk @p1 $0xffff, v2;
	v61 =	vand.u32 $0xFF0, v7;
	v10 =	vand.u32 $0xF80, v10;
	v60 =	vor.u32 v0, v59  }
0x11c: {  	[tilespmem:s23+$0xFFFFFFF0] =	vst v58;
	v8 =	vor.u32 v8, v14;
	v14 =	vor.u32 v0, v61;
	v62 =	vand.u32 $0x7F, v60  }
0x11d: {  	v7 =	vand.u32 $0xF80, v7;
	[tilespmem:v15+s10+$0x0] =	vst.idx.add.s32.msk @p1 $0xffff, v2;
	v63 =	vand.u32 $0x7F, v14;
	v10 =	vor.u32 v10, v62  }
0x11e: {  	[tilespmem:s23+$0x0] =	vst v60;
	v7 =	vor.u32 v7, v63  }
0x11f: {  	[tilespmem:s23+$0xFFFFFFE0] =	vst v14  }
0x120: {  	[tilespmem:v9+s10+$0x0] =	vst.idx.add.s32.msk $0xffff, v2  }
0x121: {  	[tilespmem:v8+s10+$0x0] =	vst.idx.add.s32.msk $0xffff, v2  }
0x122: {  	[tilespmem:v10+s10+$0x0] =	vst.idx.add.s32.msk $0xffff, v2  }
0x123: {  	[tilespmem:v7+s10+$0x0] =	vst.idx.add.s32.msk $0xffff, v2  }
.LBB2_17:
0x124: {  	p1 =	sne.s32 s21, s20  }
.Ltmp11:
0x125: {  	_ = 	snop;
	(pc) =	sbr.rel @!p1 .LBB2_18-.Ltmp11, $1  }
0x126: {  	_ =	sdelay $0x3  }
0x127: {  	s23 =	sshll.u32 s22, $0x2  }
0x128: {  	s23 =	sshra.s32 s23, $0x2  }
0x129: {  	s23 =	sand.u32 $0xFFFFFFC0, s23  }
0x12a: {  	s24 =	smov.u32 s21;
	s23 =	sadd.s32 $0x10100, s23  }
.LBB2_27:
0x12b: {  	v7 =	vadd.s32 s24, v6;
	_ =	sdelay $0x4  }
0x12c: {  	v7 =	vld.idx.msk [tilespmem:v7+s16+$0x0], $0xffff;
	_ =	sdelay $0x4  }
0x12d: {  	v7 =	vshll.u32 v7, $0x4  }
0x12e: {  	v8 =	vand.u32 $0xFF0, v7  }
0x12f: {  	v8 =	vor.u32 v0, v8  }
0x130: {  	s24 =	sadd.s32 $0x1, s24;
	v7 =	vand.u32 $0xF80, v7;
	v9 =	vand.u32 $0x7F, v8  }
0x131: {  	p2 =	slt.u32 s24, s20;
	v7 =	vor.u32 v7, v9  }
.Ltmp12:
0x132: {  	_ = 	snop;
	(pc) =	sbr.rel @p2 .LBB2_27-.Ltmp12, $3  }
0x133: {  	_ =	sdelay $0x1  }
0x134: {  	[tilespmem:s23+$0x0] =	vst v8  }
0x135: {  	s23 =	sadd.s32 $0x10, s23;
	[tilespmem:v7+s10+$0x0] =	vst.idx.add.s32.msk $0xffff, v2  }
.LBB2_18:
0x136: {  	s24 =	simm.s32 $0xA120  }
0x137: {  	v10 =	vld [tilespmem:s24+$0x10]  }
0x138: {  	v11 =	vld [tilespmem:s24+$0xFFFFFFF0];
	_ =	sdelay $0x2  }
0x139: {  	v13 =	vld [tilespmem:s24+$0x0]  }
0x13a: {  	v15 =	vld [tilespmem:s24+$0xFFFFFFE0];
	(xrf0) =	vadd.scan.msk.s32 $0xffff, v10  }
0x13b: {  	(xrf0) =	vadd.scan.msk.s32 $0xffff, v11;
	_ =	sdelay $0x2  }
0x13c: {  	s25 =	simm.s32 $0xA160;
	(xrf0) =	vadd.scan.msk.s32 $0xffff, v13  }
0x13d: {  	v9 =	vld [tilespmem:s25+$0x10];
	(xrf0) =	vadd.scan.msk.s32 $0xffff, v15  }
0x13e: {  	v8 =	vld [tilespmem:s25+$0xFFFFFFF0];
	v14, _, _ =	vpop (xrf0)  }
0x13f: {  	v7 =	vld [tilespmem:s25+$0x0];
	v10 =	vsub.s32 v14, v10;
	v12, _, _ =	vpop (xrf0)  }
0x140: {  	v16 =	vsub.s32 v12, v11;
	v11 =	vld [tilespmem:s25+$0xFFFFFFE0];
	_ =	sdelay $0x1  }
0x141: {  	s23 =	simm.s32 $0x14120;
	(xrf0) =	vadd.scan.msk.s32 $0xffff, v9;
	[tilespmem:s24+$0x10] =	vst v10;
	v10, _, _ =	vpop (xrf0)  }
0x142: {  	(xrf0) =	vadd.scan.msk.s32 $0xffff, v8;
	[tilespmem:s23+$0x10] =	vst v14;
	v14, _, _ =	vpop (xrf0)  }
0x143: {  	s26 =	simm.s32 $0x4;
	s28 =	simm.s32 $0xA1A0;
	[tilespmem:s24+$0xFFFFFFF0] =	vst v16;
	(xrf0) =	vadd.scan.msk.s32 $0xffff, v7;
	v13 =	vsub.s32 v10, v13;
	v15 =	vsub.s32 v14, v15  }
.LBB2_19:
0x144: {  	v16 =	vld [tilespmem:s28+$0x10];
	(xrf0) =	vadd.scan.msk.s32 $0xffff, v11;
	[tilespmem:s24+$0xFFFFFFE0] =	vst v15;
	v15 =	vmov v11  }
0x145: {  	s26 =	sadd.s32 $0x4, s26;
	v17 =	vld [tilespmem:s28+$0xFFFFFFF0];
	[tilespmem:s23+$0xFFFFFFE0] =	vst v14  }
0x146: {  	p2 =	slt.u32 s26, $0xFC;
	v18 =	vld [tilespmem:s28+$0x0];
	[tilespmem:s23+$0xFFFFFFF0] =	vst v12  }
.Ltmp13:
0x147: {  	v11 =	vld [tilespmem:s28+$0xFFFFFFE0];
	v14, _, _ =	vpop (xrf0);
	[tilespmem:s24+$0x0] =	vst v13;
	s24 =	smov.u32 s25;
	s25 =	smov.u32 s28;
	(pc) =	sbr.rel @p2 .LBB2_19-.Ltmp13, $4  }
0x148: {  	v13 =	vsub.s32 v14, v9;
	v12, _, _ =	vpop (xrf0);
	[tilespmem:s23+$0x0] =	vst v10  }
0x149: {  	s23 =	sadd.s32 $0x40, s23;
	(xrf0) =	vadd.scan.msk.s32 $0xffff, v16;
	v19 =	vsub.s32 v12, v8;
	[tilespmem:s24+$0x10] =	vst v13;
	v10, _, _ =	vpop (xrf0);
	v9 =	vmov v16  }
0x14a: {  	(xrf0) =	vadd.scan.msk.s32 $0xffff, v17;
	v13 =	vsub.s32 v10, v7;
	[tilespmem:s23+$0x10] =	vst v14;
	v14, _, _ =	vpop (xrf0);
	v8 =	vmov v17  }
0x14b: {  	s28 =	sadd.s32 $0x40, s28;
	(xrf0) =	vadd.scan.msk.s32 $0xffff, v18;
	v15 =	vsub.s32 v14, v15;
	[tilespmem:s24+$0xFFFFFFF0] =	vst v19;
	v7 =	vmov v18  }
0x14c: {  	[tilespmem:s24+$0xFFFFFFE0] =	vst v15  }
0x14d: {  	[tilespmem:s23+$0xFFFFFFF0] =	vst v12  }
0x14e: {  	(xrf0) =	vadd.scan.msk.s32 $0xffff, v11;
	[tilespmem:s24+$0x0] =	vst v13  }
0x14f: {  	[tilespmem:s23+$0xFFFFFFE0] =	vst v14;
	v59, _, _ =	vpop (xrf0)  }
0x150: {  	[tilespmem:s23+$0x0] =	vst v10;
	v9 =	vsub.s32 v59, v9  }
0x151: {  	s26 =	sadd.s32 $0x40, s23;
	v60, _, _ =	vpop (xrf0);
	[tilespmem:s25+$0x10] =	vst v9  }
0x152: {  	v8 =	vsub.s32 v60, v8;
	[tilespmem:s26+$0x10] =	vst v59  }
0x153: {  	p4 =	por $0x0, $0x0;
	v61, _, _ =	vpop (xrf0);
	[tilespmem:s25+$0xFFFFFFF0] =	vst v8  }
.Ltmp14:
0x154: {  	v62, _, _ =	vpop (xrf0);
	v7 =	vsub.s32 v61, v7;
	[tilespmem:s26+$0xFFFFFFF0] =	vst v60;
	(pc) =	sbr.rel @p4 .LBB2_21-.Ltmp14, $4  }
0x155: {  	v63 =	vsub.s32 v62, v11;
	[tilespmem:s25+$0x0] =	vst v7  }
0x156: {  	[tilespmem:s25+$0xFFFFFFE0] =	vst v63  }
0x157: {  	s24 =	simm.s32 $0x0;
	p2 =	por $0x0, $0x0;
	[tilespmem:s26+$0x0] =	vst v61  }
0x158: {  	p3 =	por $0x0, $0x0;
	s23 =	simm.s32 $0x15100;
	v7 =	vor.u32 s24, v3;
	s25 =	simm.s32 $0x100;
	[tilespmem:s26+$0xFFFFFFE0] =	vst v62  }
0x159: {  	_ =	sdelay $0x3  }
0x15a: {  	v8 =	vld.idx.msk [tilespmem:v7+s11+$0x0], $0xffff;
	_ =	sdelay $0x4  }
0x15b: {  	(xrf0) =	vadd.scan.msk.s32 $0xffff, v8  }
0x15c: {  	p4 =	por $0x0, $0x0  }
.Ltmp15:
0x15d: {  	_ = 	snop;
	(pc) =	sbr.rel @p4 .LBB2_29-.Ltmp15, $2  }
0x15e: {  	_ =	sdelay $0x2  }
0x15f: {  	v7 =	vor.u32 s25, v3;
	s25 =	simm.s32 $0x200;
	p2 =	por $0x1, $0x1;
	v9, _, _ =	vpop (xrf0)  }
0x160: {  	(v2sf) =	vpush v9, $0xF;
	_ =	sdelay $0x1  }
0x161: {  	v8 =	vsub.s32 s24, v8  }
0x162: {  	v8 =	vadd.s32 v9, v8  }
0x163: {  	[tilespmem:s23+$0x0] =	vst v8  }
0x164: {  	v8 =	vld.idx.msk [tilespmem:v7+s11+$0x0], $0xffff;
	_ =	sdelay $0x4  }
0x165: {  	(xrf0) =	vadd.scan.msk.s32 $0xffff, v8  }
0x166: {  	p4 =	por $0x0, $0x0  }
.Ltmp16:
0x167: {  	_ = 	snop;
	(pc) =	sbr.rel @p4 .LBB2_31-.Ltmp16, $3  }
0x168: {  	_ =	sdelay $0x1  }
0x169: {  	s28 =	simm.s32 $0x300;
	s26 =	spop (v2sf)  }
0x16a: {  	p3 =	por $0x1, $0x1;
	v7 =	vor.u32 s25, v3;
	v9, _, _ =	vpop (xrf0);
	s25 =	sadd.s32 $0x0, s26;
	s26 =	simm.s32 $0x15100  }
.LBB2_32:
0x16b: {  	p4 =	seq.s32 s28, $0xF00;
	v8 =	vsub.s32 s25, v8;
	(v2sf) =	vpush v9, $0xF  }
0x16c: {  	s26 =	sadd.s32 $0x10, s26;
	v8 =	vadd.s32 v9, v8  }
0x16d: {  	[tilespmem:s26+$0x0] =	vst v8;
	_ =	sdelay $0x1  }
0x16e: {  	v8 =	vld.idx.msk [tilespmem:v7+s11+$0x0], $0xffff;
	_ =	sdelay $0x5  }
0x16f: {  	(xrf0) =	vadd.scan.msk.s32 $0xffff, v8;
	_ =	sdelay $0x1  }
.Ltmp17:
0x170: {  	(pc) =	sbr.rel @!p4 .LBB2_32-.Ltmp17, $3  }
0x171: {  	_ =	sdelay $0x1  }
0x172: {  	s29 =	spop (v2sf)  }
0x173: {  	v7 =	vor.u32 s28, v3;
	s28 =	sadd.s32 $0x100, s28;
	v9, _, _ =	vpop (xrf0);
	s25 =	sadd.s32 s25, s29  }
.LBB2_33:
0x174: {  	_ = 	snop  }
0x175: {  	v8 =	vsub.s32 @p2 s25, v8;
	s26 =	sadd.s32 @p3 $0x10, s26;
	s28 =	simm.s32 $0x15100  }
0x176: {  	v8 =	vadd.s32 @p2 v9, v8;
	s28 =	smov.u32 @p3 s26  }
0x177: {  	[tilespmem:s28+$0x0] =	vst @p2 v8  }
0x178: {  	v7 =	vld.idx.msk [tilespmem:v7+s11+$0x0], $0xffff;
	_ =	sdelay $0x4  }
0x179: {  	(v2sf) =	vpush @p2 v9, $0xF;
	(xrf0) =	vadd.scan.msk.s32 $0xffff, v7;
	_ =	sdelay $0x5  }
0x17a: {  	v8, _, _ =	vpop (xrf0)  }
0x17b: {  	(v2sf) =	vpush v8, $0xF;
	_ =	sdelay $0x7  }
0x17c: {  	s26 =	spop @p2 (v2sf)  }
0x17d: {  	s25 =	sadd.s32 @p2 s25, s26;
	s26 =	simm.s32 $0x0  }
0x17e: {  	p4 =	por $0x1, $0x1;
	s26 =	smov.u32 @p2 s25  }
.Ltmp18:
0x17f: {  	s25 =	sadd.s32 @p2 $0x10, s28;
	v7 =	vsub.s32 s26, v7;
	(pc) =	sbr.rel @!p4 .LBB2_34-.Ltmp18, $4  }
0x180: {  	s23 =	smov.u32 @p2 s25;
	v7 =	vadd.s32 v8, v7  }
0x181: {  	s30 =	simm.s32 $0x3;
	s31 =	simm.s32 $0x1;
	[tilespmem:s23+$0x0] =	vst v7;
	v7 =	vmov s24  }
0x182: {  	p3 =	por $0x0, $0x0;
	s25 =	simm.s32 $0x2;
	p2 =	por $0x0, $0x0;
	v7 =	vand.u32 $0xFFFFFFFC, v7  }
0x183: {  	v15 =	vmov s31;
	v8 =	vmov s30;
	s23 =	simm.s32 $0xA120;
	s24 =	simm.s32 $0x4;
	v7 =	vbroadcast v7, $0x0;
	s29 =	spop (v2sf)  }
0x184: {  	v9 =	vand.u32 $0xFFFFFFFD, v15  }
0x185: {  	v11 =	vbroadcast v9, $0x0;
	_ =	sdelay $0x4  }
0x186: {  	p4 =	por $0x1, $0x1  }
.Ltmp19:
0x187: {  	v9 =	vmov s25;
	v13 =	vld.idx.msk [tilespmem:v11+s12+$0x0], $0xffff;
	(pc) =	sbr.rel @!p4 .LBB2_39-.Ltmp19, $4  }
0x188: {  	v10 =	vand.u32 $0xFFFFFFFE, v9;
	v9 =	vld.idx.msk [tilespmem:v8+s12+$0x0], $0xffff  }
0x189: {  	v12 =	vmov s24;
	s31 =	simm.s32 $0x5  }
0x18a: {  	s30 =	simm.s32 $0x7;
	v12 =	vand.u32 $0xFFFFFFFC, v12;
	v15 =	vmov s31  }
0x18b: {  	s24 =	simm.s32 $0x8;
	p2 =	por $0x1, $0x1;
	v14 =	vld.idx.msk [tilespmem:v7+s12+$0x0], $0xffff;
	s25 =	simm.s32 $0x6;
	v8 =	vmov s30;
	v7 =	vbroadcast v12, $0x0;
	v10 =	vbroadcast v10, $0x0  }
0x18c: {  	_ =	sdelay $0x4  }
0x18d: {  	v11 =	vand.u32 $0xFFFFFFFD, v15;
	v15 =	vld.idx.msk [tilespmem:v10+s12+$0x0], $0xffff;
	v10 =	vmov s25  }
0x18e: {  	v19 =	vld [tilespmem:s23+$0x0];
	v16 =	vbroadcast v11, $0x0;
	v10 =	vand.u32 $0xFFFFFFFE, v10  }
0x18f: {  	v20 =	vld [tilespmem:s23+$0xFFFFFFE0];
	p4 =	por $0x1, $0x1;
	v10 =	vbroadcast v10, $0x0  }
.Ltmp20:
0x190: {  	v11 =	vld [tilespmem:s23+$0xFFFFFFF0];
	(pc) =	sbr.rel @!p4 .LBB2_41-.Ltmp20, $4  }
0x191: {  	v12 =	vld [tilespmem:s23+$0x10]  }
0x192: {  	v18 =	vmov s24;
	s31 =	simm.s32 $0xB;
	v17 =	vld.idx.msk [tilespmem:v8+s12+$0x0], $0xffff  }
0x193: {  	s26 =	simm.s32 $0x9;
	s28 =	simm.s32 $0xC;
	p3 =	por $0x1, $0x1;
	v21 =	vand.u32 $0xFFFFFFFC, v18;
	v8 =	vmov s31;
	v18 =	vld.idx.msk [tilespmem:v7+s12+$0x0], $0xffff;
	v22 =	vadd.s32 v15, v19  }
0x194: {  	s24 =	simm.s32 $0xA120;
	s25 =	simm.s32 $0xA;
	v7 =	vbroadcast v21, $0x0;
	v15 =	vmov s26;
	s26 =	simm.s32 $0xA120;
	v19 =	vld.idx.msk [tilespmem:v16+s12+$0x0], $0xffff;
	v16 =	vadd.s32 v14, v20;
	[tilespmem:s23+$0x0] =	vst v22  }
.LBB2_42:
0x195: {  	p4 =	slt.u32 s28, $0xFC;
	v14 =	vand.u32 $0xFFFFFFFD, v15;
	v15 =	vmov s25;
	v20 =	vld.idx.msk [tilespmem:v10+s12+$0x0], $0xffff;
	[tilespmem:s24+$0xFFFFFFE0] =	vst v16;
	v10 =	vadd.s32 v13, v11;
	s26 =	sadd.s32 $0x40, s26  }
0x196: {  	v14 =	vbroadcast v14, $0x0;
	v11 =	vand.u32 $0xFFFFFFFE, v15;
	v15 =	vld [tilespmem:s26+$0x0];
	[tilespmem:s24+$0xFFFFFFF0] =	vst v10;
	v12 =	vadd.s32 v9, v12  }
0x197: {  	v10 =	vbroadcast v11, $0x0;
	v16 =	vld [tilespmem:s26+$0xFFFFFFE0];
	[tilespmem:s24+$0x10] =	vst v12;
	s24 =	smov.u32 s26  }
.Ltmp21:
0x198: {  	v9 =	vmov v17;
	v11 =	vld [tilespmem:s26+$0xFFFFFFF0];
	(pc) =	sbr.rel @p4 .LBB2_42-.Ltmp21, $4  }
0x199: {  	v21 =	vmov v18;
	v12 =	vld [tilespmem:s26+$0x10]  }
0x19a: {  	s25 =	sadd.s32 $0x3, s28;
	v18 =	vmov s28;
	v13 =	vmov v19;
	v17 =	vld.idx.msk [tilespmem:v8+s12+$0x0], $0xffff  }
0x19b: {  	s29 =	sadd.s32 $0x1, s28;
	v19 =	vand.u32 $0xFFFFFFFC, v18;
	v8 =	vmov s25;
	v18 =	vld.idx.msk [tilespmem:v7+s12+$0x0], $0xffff;
	v20 =	vadd.s32 v20, v15  }
0x19c: {  	s25 =	sadd.s32 $0x2, s28;
	s28 =	sadd.s32 $0x4, s28;
	v7 =	vbroadcast v19, $0x0;
	v15 =	vmov s29;
	v19 =	vld.idx.msk [tilespmem:v14+s12+$0x0], $0xffff;
	v16 =	vadd.s32 v21, v16;
	[tilespmem:s26+$0x0] =	vst v20  }
0x19d: {  	_ =	sdelay $0x3  }
0x19e: {  	v20 =	vmovc v13;
	v21 =	vmovc v9;
	v9 =	vmov v17;
	v14 =	vmov v18;
	v13 =	vmov v19  }
.LBB2_44:
0x19f: {  	_ =	sdelay $0x3  }
0x1a0: {  	v10 =	vld.idx.msk @p2 [tilespmem:v10+s12+$0x0], $0xffff  }
0x1a1: {  	s26 =	sadd.s32 @p3 $0x40, s26;
	s28 =	simm.s32 $0xA120;
	v8 =	vld.idx.msk [tilespmem:v8+s12+$0x0], $0xffff  }
0x1a2: {  	v7 =	vld.idx.msk [tilespmem:v7+s12+$0x0], $0xffff;
	s28 =	smov.u32 @p3 s26  }
0x1a3: {  	v17 =	vmov s25;
	v15 =	vand.u32 $0xFFFFFFFD, v15;
	v18 =	vld @p2 [tilespmem:s28+$0x0]  }
0x1a4: {  	v15 =	vbroadcast v15, $0x0;
	v17 =	vand.u32 $0xFFFFFFFE, v17;
	v19 =	vld @p2 [tilespmem:s28+$0xFFFFFFE0]  }
0x1a5: {  	v17 =	vbroadcast v17, $0x0;
	v22 =	vld @p2 [tilespmem:s28+$0xFFFFFFF0];
	s25 =	sadd.s32 @p2 $0x40, s28  }
0x1a6: {  	v23 =	vld @p2 [tilespmem:s28+$0x10];
	s23 =	smov.u32 @p2 s25  }
0x1a7: {  	v11 =	vadd.s32 @p3 v20, v11;
	v59 =	vld [tilespmem:s23+$0x0]  }
0x1a8: {  	[tilespmem:s24+$0xFFFFFFF0] =	vst @p3 v11;
	v11 =	vadd.s32 @p3 v21, v12;
	v60 =	vld [tilespmem:s23+$0xFFFFFFE0]  }
0x1a9: {  	[tilespmem:s24+$0xFFFFFFE0] =	vst @p3 v16;
	v9 =	vpsel p2, v9, v0;
	v12 =	vmov @p2 v14;
	v61 =	vld [tilespmem:s23+$0xFFFFFFF0]  }
0x1aa: {  	[tilespmem:s24+$0x10] =	vst @p3 v11;
	s24 =	smov.u32 @p2 s28;
	v15 =	vld.idx.msk [tilespmem:v15+s12+$0x0], $0xffff;
	v10 =	vadd.s32 @p2 v10, v18;
	v12 =	vadd.s32 @p2 v12, v19  }
0x1ab: {  	s24 =	smov.u32 @p2 s24;
	v11 =	vmov @p2 v13;
	v18 =	vpsel p2, v23, v0;
	v58 =	vld.idx.msk [tilespmem:v17+s12+$0x0], $0xffff;
	[tilespmem:s28+$0x0] =	vst @p2 v10;
	v10 =	vpsel p2, v12, v0  }
0x1ac: {  	v62 =	vld [tilespmem:s23+$0x10];
	v11 =	vpsel p2, v11, v0;
	v12 =	vpsel p2, v22, v0;
	v9 =	vadd.s32 @p2 v9, v18;
	[tilespmem:s24+$0xFFFFFFE0] =	vst @p2 v10  }
0x1ad: {  	v10 =	vadd.s32 @p2 v11, v12;
	[tilespmem:s24+$0x10] =	vst @p2 v9  }
0x1ae: {  	v7 =	vadd.s32 v7, v60;
	[tilespmem:s24+$0xFFFFFFF0] =	vst @p2 v10  }
0x1af: {  	[tilespmem:s23+$0xFFFFFFE0] =	vst v7;
	v7 =	vadd.s32 v15, v61  }
0x1b0: {  	v63 =	vadd.s32 v58, v59;
	[tilespmem:s23+$0xFFFFFFF0] =	vst v7  }
0x1b1: {  	v7 =	vadd.s32 v8, v62;
	[tilespmem:s23+$0x0] =	vst v63  }
0x1b2: {  	[tilespmem:s23+$0x10] =	vst v7  }
0x1b3: {  	p2 =	seq.s32 s20, $0x0  }
.Ltmp22:
0x1b4: {  	_ = 	snop;
	(pc) =	sbr.rel @p2 .LBB2_52-.Ltmp22, $1  }
0x1b5: {  	_ =	sdelay $0x3  }
0x1b6: {  	p4 =	seq.s32 s20, $0x1  }
.Ltmp23:
0x1b7: {  	_ = 	snop;
	(pc) =	sbr.rel @p4 .LBB2_37-.Ltmp23, $3  }
0x1b8: {  	_ =	sdelay $0x1  }
0x1b9: {  	s24 =	simm.s32 $0x10100  }
0x1ba: {  	s23 =	simm.s32 $0x12100;
	p3 =	por $0x0, $0x0;
	v7 =	vld [tilespmem:s24+$0x0];
	s24 =	sadd.s32 $0xFFFFFFFF, s20  }
0x1bb: {  	_ =	sdelay $0x7  }
0x1bc: {  	v8 =	vld.idx.msk [tilespmem:v7+s10+$0x0], $0xffff;
	_ =	sdelay $0x3  }
0x1bd: {  	p4 =	seq.s32 s24, $0x1  }
.Ltmp24:
0x1be: {  	v9 =	vadd.s32 $0x1, v8;
	(pc) =	sbr.rel @p4 .LBB2_49-.Ltmp24, $4  }
0x1bf: {  	[tilespmem:v7+s10+$0x0] =	vst.idx.msk $0xffff, v9  }
0x1c0: {  	s25 =	simm.s32 $0x10110;
	[tilespmem:s23+$0x0] =	vst v8  }
0x1c1: {  	v7 =	vld [tilespmem:s25+$0x0]  }
0x1c2: {  	s26 =	sadd.s32 $0xFFFFFFFF, s24;
	p3 =	por $0x1, $0x1;
	s24 =	simm.s32 $0x12100  }
.LBB2_50:
0x1c3: {  	p4 =	seq.s32 s26, $0x1;
	_ =	sdelay $0x5  }
0x1c4: {  	v8 =	vld.idx.msk [tilespmem:v7+s10+$0x0], $0xffff;
	_ =	sdelay $0x5  }
.Ltmp25:
0x1c5: {  	v9 =	vadd.s32 $0x1, v8;
	(pc) =	sbr.rel @!p4 .LBB2_50-.Ltmp25, $4  }
0x1c6: {  	s24 =	sadd.s32 $0x10, s24;
	[tilespmem:v7+s10+$0x0] =	vst.idx.msk $0xffff, v9  }
0x1c7: {  	s25 =	sadd.s32 $0x10, s25;
	[tilespmem:s24+$0x0] =	vst v8  }
0x1c8: {  	v7 =	vld [tilespmem:s25+$0x0]  }
0x1c9: {  	s26 =	sadd.s32 $0xFFFFFFFF, s26  }
.LBB2_51:
0x1ca: {  	_ =	sdelay $0x6  }
0x1cb: {  	v8 =	vld.idx.msk [tilespmem:v7+s10+$0x0], $0xffff;
	_ =	sdelay $0x4  }
0x1cc: {  	s24 =	sadd.s32 @p3 $0x10, s24;
	v9 =	vadd.s32 $0x1, v8  }
0x1cd: {  	s23 =	smov.u32 @p3 s24;
	[tilespmem:v7+s10+$0x0] =	vst.idx.msk $0xffff, v9  }
0x1ce: {  	[tilespmem:s23+$0x0] =	vst v8  }
.Ltmp26:
0x1cf: {  	(pc) =	sbr.rel @p0 .LBB2_52-.Ltmp26, $1  }
0x1d0: {  	_ =	sdelay $0x3  }
0x1d1: {  	s24 =	simm.s32 $0x0  }
0x1d2: {  	s30 =	simm.s32 $0x1;
	v7 =	vadd.s32 s24, v6  }
0x1d3: {  	s31 =	simm.s32 $0x2;
	v23 =	vadd.s32 s30, v6  }
0x1d4: {  	s23 =	simm.s32 $0x12120;
	p5 =	sgt.u32 s21, $0x4;
	v24 =	vadd.s32 s31, v6  }
.Ltmp27:
0x1d5: {  	v9 =	vld [tilespmem:s23+$0x10];
	(pc) =	sbr.rel @!p5 .LBB2_47-.Ltmp27, $4  }
0x1d6: {  	v10 =	vld [tilespmem:s23+$0xFFFFFFE0]  }
0x1d7: {  	v15 =	vld.idx.msk [tilespmem:v7+s16+$0x0], $0xffff  }
0x1d8: {  	s25 =	simm.s32 $0x3;
	v11 =	vld.idx.msk [tilespmem:v23+s16+$0x0], $0xffff  }
0x1d9: {  	p3 =	por $0x0, $0x0;
	p4 =	por $0x0, $0x0;
	s24 =	simm.s32 $0x4;
	v12 =	vadd.s32 s25, v6;
	v13 =	vld.idx.msk [tilespmem:v24+s16+$0x0], $0xffff  }
0x1da: {  	_ =	sdelay $0x3  }
0x1db: {  	v17 =	vld.idx.msk [tilespmem:v12+s16+$0x0], $0xffff  }
0x1dc: {  	v29 =	vadd.s32 s24, v6;
	v27 =	vld [tilespmem:s23+$0xFFFFFFF0]  }
0x1dd: {  	s29 =	simm.s32 $0x5;
	v8 =	vld [tilespmem:s23+$0x0]  }
0x1de: {  	s23 =	simm.s32 $0x12160;
	v16 =	vadd.s32 s29, v6  }
0x1df: {  	s30 =	simm.s32 $0x6;
	v20 =	vld [tilespmem:s23+$0x10]  }
0x1e0: {  	p5 =	sgt.u32 s21, $0x8;
	v14 =	vadd.s32 s30, v6;
	v21 =	vld [tilespmem:s23+$0xFFFFFFE0]  }
.Ltmp28:
0x1e1: {  	[tilespmem:v10+s15+$0x0] =	vst.idx.msk $0xffff, v15;
	v30 =	vld.idx.msk [tilespmem:v29+s16+$0x0], $0xffff;
	(pc) =	sbr.rel @!p5 .LBB2_59-.Ltmp28, $4  }
0x1e2: {  	[tilespmem:v9+s15+$0x0] =	vst.idx.msk $0xffff, v17;
	v17 =	vld.idx.msk [tilespmem:v7+s18+$0x0], $0xffff  }
0x1e3: {  	v32 =	vld.idx.msk [tilespmem:v16+s16+$0x0], $0xffff  }
0x1e4: {  	s31 =	simm.s32 $0x7;
	v18 =	vld.idx.msk [tilespmem:v12+s18+$0x0], $0xffff;
	[tilespmem:v27+s15+$0x0] =	vst.idx.msk $0xffff, v11  }
0x1e5: {  	s24 =	simm.s32 $0x8;
	p3 =	por $0x1, $0x1;
	v31 =	vld.idx.msk [tilespmem:v14+s16+$0x0], $0xffff;
	v12 =	vadd.s32 s31, v6;
	[tilespmem:v8+s15+$0x0] =	vst.idx.msk $0xffff, v13  }
0x1e6: {  	_ =	sdelay $0x3  }
0x1e7: {  	s29 =	simm.s32 $0x9;
	v13 =	vld.idx.msk [tilespmem:v12+s16+$0x0], $0xffff  }
0x1e8: {  	v22 =	vld [tilespmem:s23+$0xFFFFFFF0];
	v25 =	vadd.s32 s29, v6  }
0x1e9: {  	v28 =	vld [tilespmem:s23+$0x0]  }
0x1ea: {  	v23 =	vld.idx.msk [tilespmem:v23+s18+$0x0], $0xffff  }
0x1eb: {  	s30 =	simm.s32 $0xA;
	v19 =	vld.idx.msk [tilespmem:v24+s18+$0x0], $0xffff;
	[tilespmem:v21+s15+$0x0] =	vst.idx.msk $0xffff, v30  }
0x1ec: {  	v26 =	vadd.s32 s30, v6;
	[tilespmem:v10+s17+$0x0] =	vst.idx.msk $0xffff, v17;
	v17 =	vld.idx.msk [tilespmem:v29+s18+$0x0], $0xffff  }
0x1ed: {  	v7 =	vadd.s32 s24, v6;
	s31 =	simm.s32 $0xB;
	p5 =	sgt.u32 s21, $0xC;
	[tilespmem:v20+s15+$0x0] =	vst.idx.msk $0xffff, v13;
	v11 =	vld.idx.msk [tilespmem:v25+s16+$0x0], $0xffff  }
.Ltmp29:
0x1ee: {  	s23 =	simm.s32 $0x121A0;
	[tilespmem:v9+s17+$0x0] =	vst.idx.msk $0xffff, v18;
	v18 =	vld.idx.msk [tilespmem:v12+s18+$0x0], $0xffff;
	v12 =	vadd.s32 s31, v6;
	(pc) =	sbr.rel @!p5 .LBB2_61-.Ltmp29, $4  }
0x1ef: {  	v10 =	vld [tilespmem:s23+$0xFFFFFFE0]  }
0x1f0: {  	v9 =	vld [tilespmem:s23+$0x10];
	[tilespmem:v27+s17+$0x0] =	vst.idx.msk $0xffff, v23  }
0x1f1: {  	v13 =	vld.idx.msk [tilespmem:v26+s16+$0x0], $0xffff;
	[tilespmem:v22+s15+$0x0] =	vst.idx.msk $0xffff, v32  }
0x1f2: {  	s24 =	simm.s32 $0xC;
	p4 =	por $0x1, $0x1;
	v15 =	vld.idx.msk [tilespmem:v7+s16+$0x0], $0xffff;
	[tilespmem:v28+s15+$0x0] =	vst.idx.msk $0xffff, v31  }
.LBB2_62:
0x1f3: {  	v23 =	vadd.s32 s24, v6;
	s25 =	sadd.s32 $0x1, s24;
	v24 =	vld.idx.msk [tilespmem:v12+s16+$0x0], $0xffff;
	[tilespmem:v8+s17+$0x0] =	vst.idx.msk $0xffff, v19;
	v8 =	vmov v28;
	v27 =	vmov v11  }
0x1f4: {  	v11 =	vadd.s32 s25, v6;
	v29 =	vld [tilespmem:s23+$0xFFFFFFF0];
	[tilespmem:v20+s17+$0x0] =	vst.idx.msk $0xffff, v18  }
0x1f5: {  	v28 =	vld [tilespmem:s23+$0x0];
	[tilespmem:v21+s17+$0x0] =	vst.idx.msk $0xffff, v17  }
0x1f6: {  	s25 =	sadd.s32 $0x2, s24;
	v31 =	vmovc v13;
	v30 =	vld.idx.msk [tilespmem:v16+s18+$0x0], $0xffff;
	v16 =	vmov v25;
	v25 =	vmov v11;
	v20 =	vmov v9  }
0x1f7: {  	v19 =	vld.idx.msk [tilespmem:v14+s18+$0x0], $0xffff;
	v14 =	vmov v26;
	v26 =	vadd.s32 s25, v6;
	v21 =	vmov v10  }
0x1f8: {  	s25 =	sadd.s32 $0x3, s24;
	s24 =	sadd.s32 $0x4, s24;
	v32 =	vld.idx.msk [tilespmem:v23+s16+$0x0], $0xffff  }
0x1f9: {  	p5 =	slt.u32 s24, s21;
	v11 =	vld.idx.msk [tilespmem:v11+s16+$0x0], $0xffff;
	[tilespmem:v9+s15+$0x0] =	vst.idx.msk $0xffff, v24  }
.Ltmp30:
0x1fa: {  	[tilespmem:v10+s15+$0x0] =	vst.idx.msk $0xffff, v15;
	v18 =	vld.idx.msk [tilespmem:v12+s18+$0x0], $0xffff;
	v12 =	vadd.s32 s25, v6;
	(pc) =	sbr.rel @p5 .LBB2_62-.Ltmp30, $4  }
0x1fb: {  	v17 =	vld.idx.msk [tilespmem:v7+s18+$0x0], $0xffff;
	v7 =	vmov v23  }
0x1fc: {  	s23 =	sadd.s32 $0x40, s23;
	v13 =	vld.idx.msk [tilespmem:v26+s16+$0x0], $0xffff;
	[tilespmem:v29+s15+$0x0] =	vst.idx.msk $0xffff, v27  }
0x1fd: {  	v9 =	vld [tilespmem:s23+$0x10];
	[tilespmem:v28+s15+$0x0] =	vst.idx.msk $0xffff, v31  }
0x1fe: {  	v15 =	vmov v32;
	v10 =	vld [tilespmem:s23+$0xFFFFFFE0];
	[tilespmem:v22+s17+$0x0] =	vst.idx.msk $0xffff, v30;
	v22 =	vmov v29  }
0x1ff: {  	v33 =	vmovc v8;
	v8 =	vmov v28;
	v28 =	vmov v20;
	v34 =	vmov v21  }
0x200: {  	v35 =	vmovc v16;
	v23 =	vmovc v25;
	v25 =	vmov v14;
	v24 =	vmov v26;
	v27 =	vmov v22  }
.LBB2_64:
0x201: {  	_ =	sdelay $0x1  }
0x202: {  	v16 =	vld [tilespmem:s23+$0xFFFFFFF0]  }
0x203: {  	v20 =	vld [tilespmem:s23+$0x0]  }
0x204: {  	v14 =	vld.idx.msk [tilespmem:v12+s16+$0x0], $0xffff  }
0x205: {  	[tilespmem:v28+s17+$0x0] =	vst.idx.msk @p3 $0xffff, v18  }
0x206: {  	v18 =	vld.idx.msk @p3 [tilespmem:v35+s18+$0x0], $0xffff;
	[tilespmem:v34+s17+$0x0] =	vst.idx.msk @p3 $0xffff, v17  }
0x207: {  	v17 =	vld.idx.msk @p3 [tilespmem:v25+s18+$0x0], $0xffff;
	[tilespmem:v10+s15+$0x0] =	vst.idx.msk $0xffff, v15  }
0x208: {  	[tilespmem:v33+s17+$0x0] =	vst.idx.msk @p4 $0xffff, v19;
	v7 =	vld.idx.msk [tilespmem:v7+s18+$0x0], $0xffff  }
0x209: {  	v8 =	vpsel p3, v8, v0;
	[tilespmem:v9+s15+$0x0] =	vst.idx.msk $0xffff, v14  }
0x20a: {  	v62 =	vld.idx.msk [tilespmem:v12+s18+$0x0], $0xffff;
	[tilespmem:v16+s15+$0x0] =	vst.idx.msk $0xffff, v11  }
0x20b: {  	[tilespmem:v20+s15+$0x0] =	vst.idx.msk $0xffff, v13;
	v11 =	vld.idx.msk [tilespmem:v23+s18+$0x0], $0xffff  }
0x20c: {  	[tilespmem:v27+s17+$0x0] =	vst.idx.msk @p3 $0xffff, v18;
	v63 =	vld.idx.msk [tilespmem:v24+s18+$0x0], $0xffff  }
0x20d: {  	v13 =	vpsel p3, v17, v0;
	[tilespmem:v10+s17+$0x0] =	vst.idx.msk $0xffff, v7  }
0x20e: {  	[tilespmem:v8+s17+$0x0] =	vst.idx.msk @p3 $0xffff, v13  }
0x20f: {  	[tilespmem:v9+s17+$0x0] =	vst.idx.msk $0xffff, v62  }
0x210: {  	[tilespmem:v16+s17+$0x0] =	vst.idx.msk $0xffff, v11  }
0x211: {  	[tilespmem:v20+s17+$0x0] =	vst.idx.msk $0xffff, v63  }
.LBB2_52:
.Ltmp31:
0x212: {  	(pc) =	sbr.rel @!p1 .LBB2_53-.Ltmp31, $1  }
0x213: {  	_ =	sdelay $0x3  }
0x214: {  	s23 =	sshll.u32 s22, $0x2  }
0x215: {  	s23 =	sshra.s32 s23, $0x2  }
0x216: {  	s23 =	sand.u32 $0xFFFFFFC0, s23  }
0x217: {  	s24 =	smov.u32 s21;
	s23 =	sadd.s32 $0x12100, s23  }
.LBB2_66:
0x218: {  	v7 =	vadd.s32 s24, v6;
	_ =	sdelay $0x1  }
0x219: {  	v8 =	vld [tilespmem:s23+$0x0];
	_ =	sdelay $0x2  }
0x21a: {  	v9 =	vld.idx.msk [tilespmem:v7+s16+$0x0], $0xffff;
	_ =	sdelay $0x4  }
0x21b: {  	s24 =	sadd.s32 $0x1, s24;
	[tilespmem:v8+s15+$0x0] =	vst.idx.msk $0xffff, v9  }
0x21c: {  	p3 =	slt.u32 s24, s20;
	v7 =	vld.idx.msk [tilespmem:v7+s18+$0x0], $0xffff  }
.Ltmp32:
0x21d: {  	_ = 	snop;
	(pc) =	sbr.rel @p3 .LBB2_66-.Ltmp32, $2  }
0x21e: {  	_ =	sdelay $0x2  }
0x21f: {  	s23 =	sadd.s32 $0x10, s23;
	[tilespmem:v8+s17+$0x0] =	vst.idx.msk $0xffff, v7  }
.LBB2_53:
0x220: {  	s23 =	simm.s32 $0xA140  }
0x221: {  	[tilespmem:s23+$0xFFFFFFC0] =	vst v1  }
0x222: {  	[tilespmem:s23+$0x30] =	vst v1  }
0x223: {  	[tilespmem:s23+$0x20] =	vst v1  }
0x224: {  	[tilespmem:s23+$0x10] =	vst v1  }
0x225: {  	[tilespmem:s23+$0x0] =	vst v1  }
0x226: {  	[tilespmem:s23+$0xFFFFFFF0] =	vst v1  }
0x227: {  	s24 =	simm.s32 $0x0;
	[tilespmem:s23+$0xFFFFFFE0] =	vst v1  }
.LBB2_54:
0x228: {  	s24 =	sadd.s32 $0x8, s24;
	[tilespmem:s23+$0xFFFFFFD0] =	vst v1;
	s23 =	sadd.s32 $0x80, s23  }
0x229: {  	[tilespmem:s23+$0xFFFFFFC0] =	vst v1;
	p3 =	slt.u32 s24, $0xF8  }
0x22a: {  	[tilespmem:s23+$0x30] =	vst v1  }
.Ltmp33:
0x22b: {  	[tilespmem:s23+$0x20] =	vst v1;
	(pc) =	sbr.rel @p3 .LBB2_54-.Ltmp33, $4  }
0x22c: {  	[tilespmem:s23+$0x10] =	vst v1  }
0x22d: {  	[tilespmem:s23+$0x0] =	vst v1  }
0x22e: {  	[tilespmem:s23+$0xFFFFFFF0] =	vst v1  }
0x22f: {  	[tilespmem:s23+$0xFFFFFFE0] =	vst v1  }
.Ltmp34:
0x230: {  	(pc) =	sbr.rel @p0 .LBB2_67-.Ltmp34, $2  }
0x231: {  	_ =	sdelay $0x2  }
0x232: {  	[tilespmem:s23+$0xFFFFFFD0] =	vst v1  }
0x233: {  	s24 =	simm.s32 $0x3  }
0x234: {  	s31 =	simm.s32 $0x1;
	v7 =	vadd.s32 s24, v6  }
0x235: {  	p4 =	sgt.u32 s21, $0x4;
	v8 =	vadd.s32 s31, v6  }
.Ltmp35:
0x236: {  	_ = 	snop;
	(pc) =	sbr.rel @!p4 .LBB2_57-.Ltmp35, $3  }
0x237: {  	_ =	sdelay $0x1  }
0x238: {  	s25 =	simm.s32 $0x0;
	s26 =	simm.s32 $0x2;
	v9 =	vld.idx.msk [tilespmem:v7+s15+$0x0], $0xffff  }
0x239: {  	s23 =	simm.s32 $0x10120;
	p3 =	por $0x0, $0x0;
	s24 =	simm.s32 $0x4;
	v10 =	vadd.s32 s26, v6;
	v7 =	vadd.s32 s25, v6;
	v8 =	vld.idx.msk [tilespmem:v8+s15+$0x0], $0xffff  }
0x23a: {  	_ =	sdelay $0x3  }
0x23b: {  	s25 =	simm.s32 $0x7;
	v13 =	vld.idx.msk [tilespmem:v10+s15+$0x0], $0xffff  }
0x23c: {  	s30 =	simm.s32 $0x5;
	v14 =	vadd.s32 s25, v6;
	v9 =	vshrl.u32 v9, $0x4  }
0x23d: {  	v16 =	vld.idx.msk [tilespmem:v7+s15+$0x0], $0xffff;
	v7 =	vadd.s32 s24, v6;
	s31 =	simm.s32 $0x6;
	v17 =	vadd.s32 s30, v6;
	v11 =	vand.u32 $0xFF0, v9  }
0x23e: {  	p4 =	sgt.u32 s21, $0x8;
	v10 =	vadd.s32 s31, v6;
	v8 =	vshrl.u32 v8, $0x4;
	v12 =	vor.u32 v0, v11  }
.Ltmp36:
0x23f: {  	v9 =	vand.u32 $0xF80, v9;
	v11 =	vand.u32 $0xFF0, v8;
	v15 =	vand.u32 $0x7F, v12;
	(pc) =	sbr.rel @!p4 .LBB2_73-.Ltmp36, $4  }
0x240: {  	v18 =	vshrl.u32 v13, $0x4;
	v11 =	vor.u32 v0, v11;
	v15 =	vor.u32 v9, v15  }
0x241: {  	v8 =	vand.u32 $0xF80, v8;
	v19 =	vand.u32 $0xFF0, v18;
	v13 =	vand.u32 $0x7F, v11;
	v9 =	vld.idx.msk [tilespmem:v14+s15+$0x0], $0xffff  }
0x242: {  	v16 =	vshrl.u32 v16, $0x4;
	v14 =	vor.u32 v8, v13;
	v13 =	vor.u32 v0, v19  }
0x243: {  	p3 =	por $0x1, $0x1;
	s24 =	simm.s32 $0x10120;
	s25 =	simm.s32 $0x8;
	v18 =	vand.u32 $0xF80, v18;
	v8 =	vld.idx.msk [tilespmem:v17+s15+$0x0], $0xffff;
	v17 =	vand.u32 $0xFF0, v16;
	v19 =	vand.u32 $0x7F, v13  }
.LBB2_74:
0x244: {  	s26 =	sadd.s32 $0x3, s25;
	v20 =	vld.idx.msk [tilespmem:v10+s15+$0x0], $0xffff;
	v17 =	vor.u32 v0, v17;
	v18 =	vor.u32 v18, v19;
	[tilespmem:s24+$0x10] =	vst v12;
	s28 =	smov.u32 s25;
	s25 =	sadd.s32 $0x4, s25  }
0x245: {  	v10 =	vand.u32 $0xF80, v16;
	v19 =	vadd.s32 s26, v6;
	p4 =	slt.u32 s25, s21;
	v12 =	vand.u32 $0x7F, v17;
	[tilespmem:v15+s10+$0x0] =	vst.idx.add.s32.msk $0xffff, v2  }
0x246: {  	s26 =	sadd.s32 $0x1, s28;
	v9 =	vshrl.u32 v9, $0x4;
	v16 =	vld.idx.msk [tilespmem:v7+s15+$0x0], $0xffff;
	v21 =	vor.u32 v10, v12;
	[tilespmem:s24+$0xFFFFFFF0] =	vst v11  }
0x247: {  	v7 =	vadd.s32 s28, v6;
	v22 =	vadd.s32 s26, v6;
	s26 =	sadd.s32 $0x2, s28;
	v11 =	vand.u32 $0xFF0, v9;
	[tilespmem:v14+s10+$0x0] =	vst.idx.add.s32.msk $0xffff, v2  }
0x248: {  	v10 =	vadd.s32 s26, v6;
	v8 =	vshrl.u32 v8, $0x4;
	v12 =	vor.u32 v0, v11;
	[tilespmem:s24+$0x0] =	vst v13  }
.Ltmp37:
0x249: {  	v11 =	vand.u32 $0xFF0, v8;
	v13 =	vand.u32 $0xF80, v9;
	v14 =	vand.u32 $0x7F, v12;
	[tilespmem:v18+s10+$0x0] =	vst.idx.add.s32.msk $0xffff, v2;
	(pc) =	sbr.rel @p4 .LBB2_74-.Ltmp37, $4  }
0x24a: {  	v11 =	vor.u32 v0, v11;
	v18 =	vshrl.u32 v20, $0x4;
	v15 =	vor.u32 v13, v14;
	v9 =	vld.idx.msk [tilespmem:v19+s15+$0x0], $0xffff;
	[tilespmem:s24+$0xFFFFFFE0] =	vst v17  }
0x24b: {  	v13 =	vand.u32 $0xF80, v8;
	v14 =	vand.u32 $0x7F, v11;
	v17 =	vand.u32 $0xFF0, v18;
	[tilespmem:v21+s10+$0x0] =	vst.idx.add.s32.msk $0xffff, v2  }
0x24c: {  	v16 =	vshrl.u32 v16, $0x4;
	v14 =	vor.u32 v13, v14;
	v13 =	vor.u32 v0, v17;
	v8 =	vld.idx.msk [tilespmem:v22+s15+$0x0], $0xffff  }
0x24d: {  	v18 =	vand.u32 $0xF80, v18;
	s24 =	sadd.s32 $0x40, s24;
	v17 =	vand.u32 $0xFF0, v16;
	v19 =	vand.u32 $0x7F, v13  }
.LBB2_75:
0x24e: {  	_ =	sdelay $0x3  }
0x24f: {  	v10 =	vld.idx.msk [tilespmem:v10+s15+$0x0], $0xffff  }
0x250: {  	[tilespmem:s24+$0x10] =	vst @p3 v12;
	v12 =	vor.u32 @p3 v0, v17;
	v7 =	vld.idx.msk [tilespmem:v7+s15+$0x0], $0xffff  }
0x251: {  	[tilespmem:v15+s10+$0x0] =	vst.idx.add.s32.msk @p3 $0xffff, v2;
	v9 =	vshrl.u32 v9, $0x4;
	v15 =	vand.u32 @p3 $0xF80, v16;
	v16 =	vand.u32 @p3 $0x7F, v12  }
0x252: {  	v17 =	vor.u32 @p3 v18, v19;
	[tilespmem:s24+$0xFFFFFFF0] =	vst @p3 v11;
	v54 =	vand.u32 $0xFF0, v9;
	v15 =	vor.u32 @p3 v15, v16  }
0x253: {  	[tilespmem:s24+$0x0] =	vst @p3 v13;
	v9 =	vand.u32 $0xF80, v9;
	v8 =	vshrl.u32 v8, $0x4;
	v55 =	vor.u32 v0, v54  }
0x254: {  	[tilespmem:s24+$0xFFFFFFE0] =	vst @p3 v12;
	s24 =	sadd.s32 @p3 $0x40, s24;
	v56 =	vand.u32 $0xFF0, v8;
	v57 =	vand.u32 $0x7F, v55;
	v8 =	vand.u32 $0xF80, v8  }
0x255: {  	[tilespmem:v14+s10+$0x0] =	vst.idx.add.s32.msk @p3 $0xffff, v2;
	s23 =	smov.u32 @p3 s24;
	v58 =	vor.u32 v0, v56;
	v10 =	vshrl.u32 v10, $0x4;
	v9 =	vor.u32 v9, v57  }
0x256: {  	[tilespmem:s23+$0x10] =	vst v55;
	v7 =	vshrl.u32 v7, $0x4;
	v14 =	vand.u32 $0x7F, v58;
	v59 =	vand.u32 $0xFF0, v10  }
0x257: {  	[tilespmem:v17+s10+$0x0] =	vst.idx.add.s32.msk @p3 $0xffff, v2;
	v61 =	vand.u32 $0xFF0, v7;
	v10 =	vand.u32 $0xF80, v10;
	v60 =	vor.u32 v0, v59  }
0x258: {  	[tilespmem:s23+$0xFFFFFFF0] =	vst v58;
	v8 =	vor.u32 v8, v14;
	v14 =	vor.u32 v0, v61;
	v62 =	vand.u32 $0x7F, v60  }
0x259: {  	v7 =	vand.u32 $0xF80, v7;
	[tilespmem:v15+s10+$0x0] =	vst.idx.add.s32.msk @p3 $0xffff, v2;
	v63 =	vand.u32 $0x7F, v14;
	v10 =	vor.u32 v10, v62  }
0x25a: {  	[tilespmem:s23+$0x0] =	vst v60;
	v7 =	vor.u32 v7, v63  }
0x25b: {  	[tilespmem:s23+$0xFFFFFFE0] =	vst v14  }
0x25c: {  	[tilespmem:v9+s10+$0x0] =	vst.idx.add.s32.msk $0xffff, v2  }
0x25d: {  	[tilespmem:v8+s10+$0x0] =	vst.idx.add.s32.msk $0xffff, v2  }
0x25e: {  	[tilespmem:v10+s10+$0x0] =	vst.idx.add.s32.msk $0xffff, v2  }
0x25f: {  	[tilespmem:v7+s10+$0x0] =	vst.idx.add.s32.msk $0xffff, v2  }
.LBB2_67:
.Ltmp38:
0x260: {  	(pc) =	sbr.rel @!p1 .LBB2_68-.Ltmp38, $1  }
0x261: {  	_ =	sdelay $0x3  }
0x262: {  	s23 =	sshll.u32 s22, $0x2  }
0x263: {  	s23 =	sshra.s32 s23, $0x2  }
0x264: {  	s23 =	sand.u32 $0xFFFFFFC0, s23  }
0x265: {  	s24 =	smov.u32 s21;
	s23 =	sadd.s32 $0x10100, s23  }
.LBB2_77:
0x266: {  	v7 =	vadd.s32 s24, v6;
	_ =	sdelay $0x4  }
0x267: {  	v7 =	vld.idx.msk [tilespmem:v7+s15+$0x0], $0xffff;
	_ =	sdelay $0x4  }
0x268: {  	v7 =	vshrl.u32 v7, $0x4  }
0x269: {  	v8 =	vand.u32 $0xFF0, v7  }
0x26a: {  	v8 =	vor.u32 v0, v8  }
0x26b: {  	s24 =	sadd.s32 $0x1, s24;
	v7 =	vand.u32 $0xF80, v7;
	v9 =	vand.u32 $0x7F, v8  }
0x26c: {  	p3 =	slt.u32 s24, s20;
	v7 =	vor.u32 v7, v9  }
.Ltmp39:
0x26d: {  	_ = 	snop;
	(pc) =	sbr.rel @p3 .LBB2_77-.Ltmp39, $3  }
0x26e: {  	_ =	sdelay $0x1  }
0x26f: {  	[tilespmem:s23+$0x0] =	vst v8  }
0x270: {  	s23 =	sadd.s32 $0x10, s23;
	[tilespmem:v7+s10+$0x0] =	vst.idx.add.s32.msk $0xffff, v2  }
.LBB2_68:
0x271: {  	s24 =	simm.s32 $0xA120  }
0x272: {  	v10 =	vld [tilespmem:s24+$0x10]  }
0x273: {  	v11 =	vld [tilespmem:s24+$0xFFFFFFF0];
	_ =	sdelay $0x2  }
0x274: {  	v13 =	vld [tilespmem:s24+$0x0]  }
0x275: {  	v15 =	vld [tilespmem:s24+$0xFFFFFFE0];
	(xrf0) =	vadd.scan.msk.s32 $0xffff, v10  }
0x276: {  	(xrf0) =	vadd.scan.msk.s32 $0xffff, v11;
	_ =	sdelay $0x2  }
0x277: {  	s25 =	simm.s32 $0xA160;
	(xrf0) =	vadd.scan.msk.s32 $0xffff, v13  }
0x278: {  	v9 =	vld [tilespmem:s25+$0x10];
	(xrf0) =	vadd.scan.msk.s32 $0xffff, v15  }
0x279: {  	v8 =	vld [tilespmem:s25+$0xFFFFFFF0];
	v14, _, _ =	vpop (xrf0)  }
0x27a: {  	v7 =	vld [tilespmem:s25+$0x0];
	v10 =	vsub.s32 v14, v10;
	v12, _, _ =	vpop (xrf0)  }
0x27b: {  	v16 =	vsub.s32 v12, v11;
	v11 =	vld [tilespmem:s25+$0xFFFFFFE0];
	_ =	sdelay $0x1  }
0x27c: {  	s23 =	simm.s32 $0x14120;
	(xrf0) =	vadd.scan.msk.s32 $0xffff, v9;
	[tilespmem:s24+$0x10] =	vst v10;
	v10, _, _ =	vpop (xrf0)  }
0x27d: {  	(xrf0) =	vadd.scan.msk.s32 $0xffff, v8;
	[tilespmem:s23+$0x10] =	vst v14;
	v14, _, _ =	vpop (xrf0)  }
0x27e: {  	s26 =	simm.s32 $0x4;
	s28 =	simm.s32 $0xA1A0;
	[tilespmem:s24+$0xFFFFFFF0] =	vst v16;
	(xrf0) =	vadd.scan.msk.s32 $0xffff, v7;
	v13 =	vsub.s32 v10, v13;
	v15 =	vsub.s32 v14, v15  }
.LBB2_69:
0x27f: {  	v16 =	vld [tilespmem:s28+$0x10];
	(xrf0) =	vadd.scan.msk.s32 $0xffff, v11;
	[tilespmem:s24+$0xFFFFFFE0] =	vst v15;
	v15 =	vmov v11  }
0x280: {  	s26 =	sadd.s32 $0x4, s26;
	v17 =	vld [tilespmem:s28+$0xFFFFFFF0];
	[tilespmem:s23+$0xFFFFFFE0] =	vst v14  }
0x281: {  	p3 =	slt.u32 s26, $0xFC;
	v18 =	vld [tilespmem:s28+$0x0];
	[tilespmem:s23+$0xFFFFFFF0] =	vst v12  }
.Ltmp40:
0x282: {  	v11 =	vld [tilespmem:s28+$0xFFFFFFE0];
	v14, _, _ =	vpop (xrf0);
	[tilespmem:s24+$0x0] =	vst v13;
	s24 =	smov.u32 s25;
	s25 =	smov.u32 s28;
	(pc) =	sbr.rel @p3 .LBB2_69-.Ltmp40, $4  }
0x283: {  	v13 =	vsub.s32 v14, v9;
	v12, _, _ =	vpop (xrf0);
	[tilespmem:s23+$0x0] =	vst v10  }
0x284: {  	s23 =	sadd.s32 $0x40, s23;
	(xrf0) =	vadd.scan.msk.s32 $0xffff, v16;
	v19 =	vsub.s32 v12, v8;
	[tilespmem:s24+$0x10] =	vst v13;
	v10, _, _ =	vpop (xrf0);
	v9 =	vmov v16  }
0x285: {  	(xrf0) =	vadd.scan.msk.s32 $0xffff, v17;
	v13 =	vsub.s32 v10, v7;
	[tilespmem:s23+$0x10] =	vst v14;
	v14, _, _ =	vpop (xrf0);
	v8 =	vmov v17  }
0x286: {  	s28 =	sadd.s32 $0x40, s28;
	(xrf0) =	vadd.scan.msk.s32 $0xffff, v18;
	v15 =	vsub.s32 v14, v15;
	[tilespmem:s24+$0xFFFFFFF0] =	vst v19;
	v7 =	vmov v18  }
0x287: {  	[tilespmem:s24+$0xFFFFFFE0] =	vst v15  }
0x288: {  	[tilespmem:s23+$0xFFFFFFF0] =	vst v12  }
0x289: {  	(xrf0) =	vadd.scan.msk.s32 $0xffff, v11;
	[tilespmem:s24+$0x0] =	vst v13  }
0x28a: {  	[tilespmem:s23+$0xFFFFFFE0] =	vst v14;
	v59, _, _ =	vpop (xrf0)  }
0x28b: {  	[tilespmem:s23+$0x0] =	vst v10;
	v9 =	vsub.s32 v59, v9  }
0x28c: {  	s26 =	sadd.s32 $0x40, s23;
	v60, _, _ =	vpop (xrf0);
	[tilespmem:s25+$0x10] =	vst v9  }
0x28d: {  	v8 =	vsub.s32 v60, v8;
	[tilespmem:s26+$0x10] =	vst v59  }
0x28e: {  	p5 =	por $0x0, $0x0;
	v61, _, _ =	vpop (xrf0);
	[tilespmem:s25+$0xFFFFFFF0] =	vst v8  }
.Ltmp41:
0x28f: {  	v62, _, _ =	vpop (xrf0);
	v7 =	vsub.s32 v61, v7;
	[tilespmem:s26+$0xFFFFFFF0] =	vst v60;
	(pc) =	sbr.rel @p5 .LBB2_71-.Ltmp41, $4  }
0x290: {  	v63 =	vsub.s32 v62, v11;
	[tilespmem:s25+$0x0] =	vst v7  }
0x291: {  	[tilespmem:s25+$0xFFFFFFE0] =	vst v63  }
0x292: {  	s24 =	simm.s32 $0x0;
	p3 =	por $0x0, $0x0;
	[tilespmem:s26+$0x0] =	vst v61  }
0x293: {  	p4 =	por $0x0, $0x0;
	s23 =	simm.s32 $0x15100;
	v7 =	vor.u32 s24, v3;
	s25 =	simm.s32 $0x100;
	[tilespmem:s26+$0xFFFFFFE0] =	vst v62  }
0x294: {  	_ =	sdelay $0x3  }
0x295: {  	v8 =	vld.idx.msk [tilespmem:v7+s11+$0x0], $0xffff;
	_ =	sdelay $0x4  }
0x296: {  	(xrf0) =	vadd.scan.msk.s32 $0xffff, v8  }
0x297: {  	p5 =	por $0x0, $0x0  }
.Ltmp42:
0x298: {  	_ = 	snop;
	(pc) =	sbr.rel @p5 .LBB2_79-.Ltmp42, $2  }
0x299: {  	_ =	sdelay $0x2  }
0x29a: {  	v7 =	vor.u32 s25, v3;
	s25 =	simm.s32 $0x200;
	p3 =	por $0x1, $0x1;
	v9, _, _ =	vpop (xrf0)  }
0x29b: {  	(v2sf) =	vpush v9, $0xF;
	_ =	sdelay $0x1  }
0x29c: {  	v8 =	vsub.s32 s24, v8  }
0x29d: {  	v8 =	vadd.s32 v9, v8  }
0x29e: {  	[tilespmem:s23+$0x0] =	vst v8  }
0x29f: {  	v8 =	vld.idx.msk [tilespmem:v7+s11+$0x0], $0xffff;
	_ =	sdelay $0x4  }
0x2a0: {  	(xrf0) =	vadd.scan.msk.s32 $0xffff, v8  }
0x2a1: {  	p5 =	por $0x0, $0x0  }
.Ltmp43:
0x2a2: {  	_ = 	snop;
	(pc) =	sbr.rel @p5 .LBB2_81-.Ltmp43, $3  }
0x2a3: {  	_ =	sdelay $0x1  }
0x2a4: {  	s28 =	simm.s32 $0x300;
	s26 =	spop (v2sf)  }
0x2a5: {  	p4 =	por $0x1, $0x1;
	v7 =	vor.u32 s25, v3;
	v9, _, _ =	vpop (xrf0);
	s25 =	sadd.s32 $0x0, s26;
	s26 =	simm.s32 $0x15100  }
.LBB2_82:
0x2a6: {  	p5 =	seq.s32 s28, $0xF00;
	v8 =	vsub.s32 s25, v8;
	(v2sf) =	vpush v9, $0xF  }
0x2a7: {  	s26 =	sadd.s32 $0x10, s26;
	v8 =	vadd.s32 v9, v8  }
0x2a8: {  	[tilespmem:s26+$0x0] =	vst v8;
	_ =	sdelay $0x1  }
0x2a9: {  	v8 =	vld.idx.msk [tilespmem:v7+s11+$0x0], $0xffff;
	_ =	sdelay $0x5  }
0x2aa: {  	(xrf0) =	vadd.scan.msk.s32 $0xffff, v8;
	_ =	sdelay $0x1  }
.Ltmp44:
0x2ab: {  	(pc) =	sbr.rel @!p5 .LBB2_82-.Ltmp44, $3  }
0x2ac: {  	_ =	sdelay $0x1  }
0x2ad: {  	s29 =	spop (v2sf)  }
0x2ae: {  	v7 =	vor.u32 s28, v3;
	s28 =	sadd.s32 $0x100, s28;
	v9, _, _ =	vpop (xrf0);
	s25 =	sadd.s32 s25, s29  }
.LBB2_83:
0x2af: {  	_ = 	snop  }
0x2b0: {  	v8 =	vsub.s32 @p3 s25, v8;
	s26 =	sadd.s32 @p4 $0x10, s26;
	s28 =	simm.s32 $0x15100  }
0x2b1: {  	v8 =	vadd.s32 @p3 v9, v8;
	s28 =	smov.u32 @p4 s26  }
0x2b2: {  	[tilespmem:s28+$0x0] =	vst @p3 v8  }
0x2b3: {  	v7 =	vld.idx.msk [tilespmem:v7+s11+$0x0], $0xffff;
	_ =	sdelay $0x4  }
0x2b4: {  	(v2sf) =	vpush @p3 v9, $0xF;
	(xrf0) =	vadd.scan.msk.s32 $0xffff, v7;
	_ =	sdelay $0x5  }
0x2b5: {  	v8, _, _ =	vpop (xrf0)  }
0x2b6: {  	(v2sf) =	vpush v8, $0xF;
	_ =	sdelay $0x7  }
0x2b7: {  	s26 =	spop @p3 (v2sf)  }
0x2b8: {  	s25 =	sadd.s32 @p3 s25, s26;
	s26 =	simm.s32 $0x0  }
0x2b9: {  	p5 =	por $0x1, $0x1;
	s26 =	smov.u32 @p3 s25  }
.Ltmp45:
0x2ba: {  	s25 =	sadd.s32 @p3 $0x10, s28;
	v7 =	vsub.s32 s26, v7;
	(pc) =	sbr.rel @!p5 .LBB2_84-.Ltmp45, $4  }
0x2bb: {  	s23 =	smov.u32 @p3 s25;
	v7 =	vadd.s32 v8, v7  }
0x2bc: {  	s30 =	simm.s32 $0x3;
	s31 =	simm.s32 $0x1;
	[tilespmem:s23+$0x0] =	vst v7;
	v7 =	vmov s24  }
0x2bd: {  	p4 =	por $0x0, $0x0;
	s25 =	simm.s32 $0x2;
	p3 =	por $0x0, $0x0;
	v7 =	vand.u32 $0xFFFFFFFC, v7  }
0x2be: {  	v15 =	vmov s31;
	v8 =	vmov s30;
	s23 =	simm.s32 $0xA120;
	s24 =	simm.s32 $0x4;
	v7 =	vbroadcast v7, $0x0;
	s29 =	spop (v2sf)  }
0x2bf: {  	v9 =	vand.u32 $0xFFFFFFFD, v15  }
0x2c0: {  	v11 =	vbroadcast v9, $0x0;
	_ =	sdelay $0x4  }
0x2c1: {  	p5 =	por $0x1, $0x1  }
.Ltmp46:
0x2c2: {  	v9 =	vmov s25;
	v13 =	vld.idx.msk [tilespmem:v11+s12+$0x0], $0xffff;
	(pc) =	sbr.rel @!p5 .LBB2_89-.Ltmp46, $4  }
0x2c3: {  	v10 =	vand.u32 $0xFFFFFFFE, v9;
	v9 =	vld.idx.msk [tilespmem:v8+s12+$0x0], $0xffff  }
0x2c4: {  	v12 =	vmov s24;
	s31 =	simm.s32 $0x5  }
0x2c5: {  	s30 =	simm.s32 $0x7;
	v12 =	vand.u32 $0xFFFFFFFC, v12;
	v15 =	vmov s31  }
0x2c6: {  	s24 =	simm.s32 $0x8;
	p3 =	por $0x1, $0x1;
	v14 =	vld.idx.msk [tilespmem:v7+s12+$0x0], $0xffff;
	s25 =	simm.s32 $0x6;
	v8 =	vmov s30;
	v7 =	vbroadcast v12, $0x0;
	v10 =	vbroadcast v10, $0x0  }
0x2c7: {  	_ =	sdelay $0x4  }
0x2c8: {  	v11 =	vand.u32 $0xFFFFFFFD, v15;
	v15 =	vld.idx.msk [tilespmem:v10+s12+$0x0], $0xffff;
	v10 =	vmov s25  }
0x2c9: {  	v19 =	vld [tilespmem:s23+$0x0];
	v16 =	vbroadcast v11, $0x0;
	v10 =	vand.u32 $0xFFFFFFFE, v10  }
0x2ca: {  	v20 =	vld [tilespmem:s23+$0xFFFFFFE0];
	p5 =	por $0x1, $0x1;
	v10 =	vbroadcast v10, $0x0  }
.Ltmp47:
0x2cb: {  	v11 =	vld [tilespmem:s23+$0xFFFFFFF0];
	(pc) =	sbr.rel @!p5 .LBB2_91-.Ltmp47, $4  }
0x2cc: {  	v12 =	vld [tilespmem:s23+$0x10]  }
0x2cd: {  	v18 =	vmov s24;
	s31 =	simm.s32 $0xB;
	v17 =	vld.idx.msk [tilespmem:v8+s12+$0x0], $0xffff  }
0x2ce: {  	s26 =	simm.s32 $0x9;
	s28 =	simm.s32 $0xC;
	p4 =	por $0x1, $0x1;
	v21 =	vand.u32 $0xFFFFFFFC, v18;
	v8 =	vmov s31;
	v18 =	vld.idx.msk [tilespmem:v7+s12+$0x0], $0xffff;
	v22 =	vadd.s32 v15, v19  }
0x2cf: {  	s24 =	simm.s32 $0xA120;
	s25 =	simm.s32 $0xA;
	v7 =	vbroadcast v21, $0x0;
	v15 =	vmov s26;
	s26 =	simm.s32 $0xA120;
	v19 =	vld.idx.msk [tilespmem:v16+s12+$0x0], $0xffff;
	v16 =	vadd.s32 v14, v20;
	[tilespmem:s23+$0x0] =	vst v22  }
.LBB2_92:
0x2d0: {  	p5 =	slt.u32 s28, $0xFC;
	v14 =	vand.u32 $0xFFFFFFFD, v15;
	v15 =	vmov s25;
	v20 =	vld.idx.msk [tilespmem:v10+s12+$0x0], $0xffff;
	[tilespmem:s24+$0xFFFFFFE0] =	vst v16;
	v10 =	vadd.s32 v13, v11;
	s26 =	sadd.s32 $0x40, s26  }
0x2d1: {  	v14 =	vbroadcast v14, $0x0;
	v11 =	vand.u32 $0xFFFFFFFE, v15;
	v15 =	vld [tilespmem:s26+$0x0];
	[tilespmem:s24+$0xFFFFFFF0] =	vst v10;
	v12 =	vadd.s32 v9, v12  }
0x2d2: {  	v10 =	vbroadcast v11, $0x0;
	v16 =	vld [tilespmem:s26+$0xFFFFFFE0];
	[tilespmem:s24+$0x10] =	vst v12;
	s24 =	smov.u32 s26  }
.Ltmp48:
0x2d3: {  	v9 =	vmov v17;
	v11 =	vld [tilespmem:s26+$0xFFFFFFF0];
	(pc) =	sbr.rel @p5 .LBB2_92-.Ltmp48, $4  }
0x2d4: {  	v21 =	vmov v18;
	v12 =	vld [tilespmem:s26+$0x10]  }
0x2d5: {  	s25 =	sadd.s32 $0x3, s28;
	v18 =	vmov s28;
	v13 =	vmov v19;
	v17 =	vld.idx.msk [tilespmem:v8+s12+$0x0], $0xffff  }
0x2d6: {  	s29 =	sadd.s32 $0x1, s28;
	v19 =	vand.u32 $0xFFFFFFFC, v18;
	v8 =	vmov s25;
	v18 =	vld.idx.msk [tilespmem:v7+s12+$0x0], $0xffff;
	v20 =	vadd.s32 v20, v15  }
0x2d7: {  	s25 =	sadd.s32 $0x2, s28;
	s28 =	sadd.s32 $0x4, s28;
	v7 =	vbroadcast v19, $0x0;
	v15 =	vmov s29;
	v19 =	vld.idx.msk [tilespmem:v14+s12+$0x0], $0xffff;
	v16 =	vadd.s32 v21, v16;
	[tilespmem:s26+$0x0] =	vst v20  }
0x2d8: {  	_ =	sdelay $0x3  }
0x2d9: {  	v20 =	vmovc v13;
	v21 =	vmovc v9;
	v9 =	vmov v17;
	v14 =	vmov v18;
	v13 =	vmov v19  }
.LBB2_94:
0x2da: {  	_ =	sdelay $0x3  }
0x2db: {  	v10 =	vld.idx.msk @p3 [tilespmem:v10+s12+$0x0], $0xffff  }
0x2dc: {  	s26 =	sadd.s32 @p4 $0x40, s26;
	s28 =	simm.s32 $0xA120;
	v8 =	vld.idx.msk [tilespmem:v8+s12+$0x0], $0xffff  }
0x2dd: {  	v7 =	vld.idx.msk [tilespmem:v7+s12+$0x0], $0xffff;
	s28 =	smov.u32 @p4 s26  }
0x2de: {  	v17 =	vmov s25;
	v15 =	vand.u32 $0xFFFFFFFD, v15;
	v18 =	vld @p3 [tilespmem:s28+$0x0]  }
0x2df: {  	v15 =	vbroadcast v15, $0x0;
	v17 =	vand.u32 $0xFFFFFFFE, v17;
	v19 =	vld @p3 [tilespmem:s28+$0xFFFFFFE0]  }
0x2e0: {  	v17 =	vbroadcast v17, $0x0;
	v22 =	vld @p3 [tilespmem:s28+$0xFFFFFFF0];
	s25 =	sadd.s32 @p3 $0x40, s28  }
0x2e1: {  	v23 =	vld @p3 [tilespmem:s28+$0x10];
	s23 =	smov.u32 @p3 s25  }
0x2e2: {  	v11 =	vadd.s32 @p4 v20, v11;
	v59 =	vld [tilespmem:s23+$0x0]  }
0x2e3: {  	[tilespmem:s24+$0xFFFFFFF0] =	vst @p4 v11;
	v11 =	vadd.s32 @p4 v21, v12;
	v60 =	vld [tilespmem:s23+$0xFFFFFFE0]  }
0x2e4: {  	[tilespmem:s24+$0xFFFFFFE0] =	vst @p4 v16;
	v9 =	vpsel p3, v9, v0;
	v12 =	vmov @p3 v14;
	v61 =	vld [tilespmem:s23+$0xFFFFFFF0]  }
0x2e5: {  	[tilespmem:s24+$0x10] =	vst @p4 v11;
	s24 =	smov.u32 @p3 s28;
	v15 =	vld.idx.msk [tilespmem:v15+s12+$0x0], $0xffff;
	v10 =	vadd.s32 @p3 v10, v18;
	v12 =	vadd.s32 @p3 v12, v19  }
0x2e6: {  	s24 =	smov.u32 @p3 s24;
	v11 =	vmov @p3 v13;
	v18 =	vpsel p3, v23, v0;
	v58 =	vld.idx.msk [tilespmem:v17+s12+$0x0], $0xffff;
	[tilespmem:s28+$0x0] =	vst @p3 v10;
	v10 =	vpsel p3, v12, v0  }
0x2e7: {  	v62 =	vld [tilespmem:s23+$0x10];
	v11 =	vpsel p3, v11, v0;
	v12 =	vpsel p3, v22, v0;
	v9 =	vadd.s32 @p3 v9, v18;
	[tilespmem:s24+$0xFFFFFFE0] =	vst @p3 v10  }
0x2e8: {  	v10 =	vadd.s32 @p3 v11, v12;
	[tilespmem:s24+$0x10] =	vst @p3 v9  }
0x2e9: {  	v7 =	vadd.s32 v7, v60;
	[tilespmem:s24+$0xFFFFFFF0] =	vst @p3 v10  }
0x2ea: {  	[tilespmem:s23+$0xFFFFFFE0] =	vst v7;
	v7 =	vadd.s32 v15, v61  }
0x2eb: {  	v63 =	vadd.s32 v58, v59;
	[tilespmem:s23+$0xFFFFFFF0] =	vst v7  }
0x2ec: {  	v7 =	vadd.s32 v8, v62;
	[tilespmem:s23+$0x0] =	vst v63  }
0x2ed: {  	[tilespmem:s23+$0x10] =	vst v7  }
.Ltmp49:
0x2ee: {  	(pc) =	sbr.rel @p2 .LBB2_102-.Ltmp49, $1  }
0x2ef: {  	_ =	sdelay $0x3  }
0x2f0: {  	p4 =	seq.s32 s20, $0x1  }
.Ltmp50:
0x2f1: {  	_ = 	snop;
	(pc) =	sbr.rel @p4 .LBB2_87-.Ltmp50, $3  }
0x2f2: {  	_ =	sdelay $0x1  }
0x2f3: {  	s24 =	simm.s32 $0x10100  }
0x2f4: {  	s23 =	simm.s32 $0x12100;
	p3 =	por $0x0, $0x0;
	v7 =	vld [tilespmem:s24+$0x0];
	s24 =	sadd.s32 $0xFFFFFFFF, s20  }
0x2f5: {  	_ =	sdelay $0x7  }
0x2f6: {  	v8 =	vld.idx.msk [tilespmem:v7+s10+$0x0], $0xffff;
	_ =	sdelay $0x3  }
0x2f7: {  	p4 =	seq.s32 s24, $0x1  }
.Ltmp51:
0x2f8: {  	v9 =	vadd.s32 $0x1, v8;
	(pc) =	sbr.rel @p4 .LBB2_99-.Ltmp51, $4  }
0x2f9: {  	[tilespmem:v7+s10+$0x0] =	vst.idx.msk $0xffff, v9  }
0x2fa: {  	s25 =	simm.s32 $0x10110;
	[tilespmem:s23+$0x0] =	vst v8  }
0x2fb: {  	v7 =	vld [tilespmem:s25+$0x0]  }
0x2fc: {  	s26 =	sadd.s32 $0xFFFFFFFF, s24;
	p3 =	por $0x1, $0x1;
	s24 =	simm.s32 $0x12100  }
.LBB2_100:
0x2fd: {  	p4 =	seq.s32 s26, $0x1;
	_ =	sdelay $0x5  }
0x2fe: {  	v8 =	vld.idx.msk [tilespmem:v7+s10+$0x0], $0xffff;
	_ =	sdelay $0x5  }
.Ltmp52:
0x2ff: {  	v9 =	vadd.s32 $0x1, v8;
	(pc) =	sbr.rel @!p4 .LBB2_100-.Ltmp52, $4  }
0x300: {  	s24 =	sadd.s32 $0x10, s24;
	[tilespmem:v7+s10+$0x0] =	vst.idx.msk $0xffff, v9  }
0x301: {  	s25 =	sadd.s32 $0x10, s25;
	[tilespmem:s24+$0x0] =	vst v8  }
0x302: {  	v7 =	vld [tilespmem:s25+$0x0]  }
0x303: {  	s26 =	sadd.s32 $0xFFFFFFFF, s26  }
.LBB2_101:
0x304: {  	_ =	sdelay $0x6  }
0x305: {  	v8 =	vld.idx.msk [tilespmem:v7+s10+$0x0], $0xffff;
	_ =	sdelay $0x4  }
0x306: {  	s24 =	sadd.s32 @p3 $0x10, s24;
	v9 =	vadd.s32 $0x1, v8  }
0x307: {  	s23 =	smov.u32 @p3 s24;
	[tilespmem:v7+s10+$0x0] =	vst.idx.msk $0xffff, v9  }
0x308: {  	[tilespmem:s23+$0x0] =	vst v8  }
.Ltmp53:
0x309: {  	(pc) =	sbr.rel @p0 .LBB2_102-.Ltmp53, $1  }
0x30a: {  	_ =	sdelay $0x3  }
0x30b: {  	s24 =	simm.s32 $0x0  }
0x30c: {  	s30 =	simm.s32 $0x1;
	v7 =	vadd.s32 s24, v6  }
0x30d: {  	s31 =	simm.s32 $0x2;
	v23 =	vadd.s32 s30, v6  }
0x30e: {  	s23 =	simm.s32 $0x12120;
	p5 =	sgt.u32 s21, $0x4;
	v24 =	vadd.s32 s31, v6  }
.Ltmp54:
0x30f: {  	v9 =	vld [tilespmem:s23+$0x10];
	(pc) =	sbr.rel @!p5 .LBB2_97-.Ltmp54, $4  }
0x310: {  	v10 =	vld [tilespmem:s23+$0xFFFFFFE0]  }
0x311: {  	v15 =	vld.idx.msk [tilespmem:v7+s15+$0x0], $0xffff  }
0x312: {  	s25 =	simm.s32 $0x3;
	v11 =	vld.idx.msk [tilespmem:v23+s15+$0x0], $0xffff  }
0x313: {  	p3 =	por $0x0, $0x0;
	p4 =	por $0x0, $0x0;
	s24 =	simm.s32 $0x4;
	v12 =	vadd.s32 s25, v6;
	v13 =	vld.idx.msk [tilespmem:v24+s15+$0x0], $0xffff  }
0x314: {  	_ =	sdelay $0x3  }
0x315: {  	v17 =	vld.idx.msk [tilespmem:v12+s15+$0x0], $0xffff  }
0x316: {  	v29 =	vadd.s32 s24, v6;
	v27 =	vld [tilespmem:s23+$0xFFFFFFF0]  }
0x317: {  	s29 =	simm.s32 $0x5;
	v8 =	vld [tilespmem:s23+$0x0]  }
0x318: {  	s23 =	simm.s32 $0x12160;
	v16 =	vadd.s32 s29, v6  }
0x319: {  	s30 =	simm.s32 $0x6;
	v20 =	vld [tilespmem:s23+$0x10]  }
0x31a: {  	p5 =	sgt.u32 s21, $0x8;
	v14 =	vadd.s32 s30, v6;
	v21 =	vld [tilespmem:s23+$0xFFFFFFE0]  }
.Ltmp55:
0x31b: {  	[tilespmem:v10+s16+$0x0] =	vst.idx.msk $0xffff, v15;
	v30 =	vld.idx.msk [tilespmem:v29+s15+$0x0], $0xffff;
	(pc) =	sbr.rel @!p5 .LBB2_109-.Ltmp55, $4  }
0x31c: {  	[tilespmem:v9+s16+$0x0] =	vst.idx.msk $0xffff, v17;
	v17 =	vld.idx.msk [tilespmem:v7+s17+$0x0], $0xffff  }
0x31d: {  	v32 =	vld.idx.msk [tilespmem:v16+s15+$0x0], $0xffff  }
0x31e: {  	s31 =	simm.s32 $0x7;
	v18 =	vld.idx.msk [tilespmem:v12+s17+$0x0], $0xffff;
	[tilespmem:v27+s16+$0x0] =	vst.idx.msk $0xffff, v11  }
0x31f: {  	s24 =	simm.s32 $0x8;
	p3 =	por $0x1, $0x1;
	v31 =	vld.idx.msk [tilespmem:v14+s15+$0x0], $0xffff;
	v12 =	vadd.s32 s31, v6;
	[tilespmem:v8+s16+$0x0] =	vst.idx.msk $0xffff, v13  }
0x320: {  	_ =	sdelay $0x3  }
0x321: {  	s29 =	simm.s32 $0x9;
	v13 =	vld.idx.msk [tilespmem:v12+s15+$0x0], $0xffff  }
0x322: {  	v22 =	vld [tilespmem:s23+$0xFFFFFFF0];
	v25 =	vadd.s32 s29, v6  }
0x323: {  	v28 =	vld [tilespmem:s23+$0x0]  }
0x324: {  	v23 =	vld.idx.msk [tilespmem:v23+s17+$0x0], $0xffff  }
0x325: {  	s30 =	simm.s32 $0xA;
	v19 =	vld.idx.msk [tilespmem:v24+s17+$0x0], $0xffff;
	[tilespmem:v21+s16+$0x0] =	vst.idx.msk $0xffff, v30  }
0x326: {  	v26 =	vadd.s32 s30, v6;
	[tilespmem:v10+s18+$0x0] =	vst.idx.msk $0xffff, v17;
	v17 =	vld.idx.msk [tilespmem:v29+s17+$0x0], $0xffff  }
0x327: {  	v7 =	vadd.s32 s24, v6;
	s31 =	simm.s32 $0xB;
	p5 =	sgt.u32 s21, $0xC;
	[tilespmem:v20+s16+$0x0] =	vst.idx.msk $0xffff, v13;
	v11 =	vld.idx.msk [tilespmem:v25+s15+$0x0], $0xffff  }
.Ltmp56:
0x328: {  	s23 =	simm.s32 $0x121A0;
	[tilespmem:v9+s18+$0x0] =	vst.idx.msk $0xffff, v18;
	v18 =	vld.idx.msk [tilespmem:v12+s17+$0x0], $0xffff;
	v12 =	vadd.s32 s31, v6;
	(pc) =	sbr.rel @!p5 .LBB2_111-.Ltmp56, $4  }
0x329: {  	v10 =	vld [tilespmem:s23+$0xFFFFFFE0]  }
0x32a: {  	v9 =	vld [tilespmem:s23+$0x10];
	[tilespmem:v27+s18+$0x0] =	vst.idx.msk $0xffff, v23  }
0x32b: {  	v13 =	vld.idx.msk [tilespmem:v26+s15+$0x0], $0xffff;
	[tilespmem:v22+s16+$0x0] =	vst.idx.msk $0xffff, v32  }
0x32c: {  	s24 =	simm.s32 $0xC;
	p4 =	por $0x1, $0x1;
	v15 =	vld.idx.msk [tilespmem:v7+s15+$0x0], $0xffff;
	[tilespmem:v28+s16+$0x0] =	vst.idx.msk $0xffff, v31  }
.LBB2_112:
0x32d: {  	v23 =	vadd.s32 s24, v6;
	s25 =	sadd.s32 $0x1, s24;
	v24 =	vld.idx.msk [tilespmem:v12+s15+$0x0], $0xffff;
	[tilespmem:v8+s18+$0x0] =	vst.idx.msk $0xffff, v19;
	v8 =	vmov v28;
	v27 =	vmov v11  }
0x32e: {  	v11 =	vadd.s32 s25, v6;
	v29 =	vld [tilespmem:s23+$0xFFFFFFF0];
	[tilespmem:v20+s18+$0x0] =	vst.idx.msk $0xffff, v18  }
0x32f: {  	v28 =	vld [tilespmem:s23+$0x0];
	[tilespmem:v21+s18+$0x0] =	vst.idx.msk $0xffff, v17  }
0x330: {  	s25 =	sadd.s32 $0x2, s24;
	v31 =	vmovc v13;
	v30 =	vld.idx.msk [tilespmem:v16+s17+$0x0], $0xffff;
	v16 =	vmov v25;
	v25 =	vmov v11;
	v20 =	vmov v9  }
0x331: {  	v19 =	vld.idx.msk [tilespmem:v14+s17+$0x0], $0xffff;
	v14 =	vmov v26;
	v26 =	vadd.s32 s25, v6;
	v21 =	vmov v10  }
0x332: {  	s25 =	sadd.s32 $0x3, s24;
	s24 =	sadd.s32 $0x4, s24;
	v32 =	vld.idx.msk [tilespmem:v23+s15+$0x0], $0xffff  }
0x333: {  	p5 =	slt.u32 s24, s21;
	v11 =	vld.idx.msk [tilespmem:v11+s15+$0x0], $0xffff;
	[tilespmem:v9+s16+$0x0] =	vst.idx.msk $0xffff, v24  }
.Ltmp57:
0x334: {  	[tilespmem:v10+s16+$0x0] =	vst.idx.msk $0xffff, v15;
	v18 =	vld.idx.msk [tilespmem:v12+s17+$0x0], $0xffff;
	v12 =	vadd.s32 s25, v6;
	(pc) =	sbr.rel @p5 .LBB2_112-.Ltmp57, $4  }
0x335: {  	v17 =	vld.idx.msk [tilespmem:v7+s17+$0x0], $0xffff;
	v7 =	vmov v23  }
0x336: {  	s23 =	sadd.s32 $0x40, s23;
	v13 =	vld.idx.msk [tilespmem:v26+s15+$0x0], $0xffff;
	[tilespmem:v29+s16+$0x0] =	vst.idx.msk $0xffff, v27  }
0x337: {  	v9 =	vld [tilespmem:s23+$0x10];
	[tilespmem:v28+s16+$0x0] =	vst.idx.msk $0xffff, v31  }
0x338: {  	v15 =	vmov v32;
	v10 =	vld [tilespmem:s23+$0xFFFFFFE0];
	[tilespmem:v22+s18+$0x0] =	vst.idx.msk $0xffff, v30;
	v22 =	vmov v29  }
0x339: {  	v33 =	vmovc v8;
	v8 =	vmov v28;
	v28 =	vmov v20;
	v34 =	vmov v21  }
0x33a: {  	v35 =	vmovc v16;
	v23 =	vmovc v25;
	v25 =	vmov v14;
	v24 =	vmov v26;
	v27 =	vmov v22  }
.LBB2_114:
0x33b: {  	_ =	sdelay $0x1  }
0x33c: {  	v16 =	vld [tilespmem:s23+$0xFFFFFFF0]  }
0x33d: {  	v20 =	vld [tilespmem:s23+$0x0]  }
0x33e: {  	v14 =	vld.idx.msk [tilespmem:v12+s15+$0x0], $0xffff  }
0x33f: {  	[tilespmem:v28+s18+$0x0] =	vst.idx.msk @p3 $0xffff, v18  }
0x340: {  	v18 =	vld.idx.msk @p3 [tilespmem:v35+s17+$0x0], $0xffff;
	[tilespmem:v34+s18+$0x0] =	vst.idx.msk @p3 $0xffff, v17  }
0x341: {  	v17 =	vld.idx.msk @p3 [tilespmem:v25+s17+$0x0], $0xffff;
	[tilespmem:v10+s16+$0x0] =	vst.idx.msk $0xffff, v15  }
0x342: {  	[tilespmem:v33+s18+$0x0] =	vst.idx.msk @p4 $0xffff, v19;
	v7 =	vld.idx.msk [tilespmem:v7+s17+$0x0], $0xffff  }
0x343: {  	v8 =	vpsel p3, v8, v0;
	[tilespmem:v9+s16+$0x0] =	vst.idx.msk $0xffff, v14  }
0x344: {  	v62 =	vld.idx.msk [tilespmem:v12+s17+$0x0], $0xffff;
	[tilespmem:v16+s16+$0x0] =	vst.idx.msk $0xffff, v11  }
0x345: {  	[tilespmem:v20+s16+$0x0] =	vst.idx.msk $0xffff, v13;
	v11 =	vld.idx.msk [tilespmem:v23+s17+$0x0], $0xffff  }
0x346: {  	[tilespmem:v27+s18+$0x0] =	vst.idx.msk @p3 $0xffff, v18;
	v63 =	vld.idx.msk [tilespmem:v24+s17+$0x0], $0xffff  }
0x347: {  	v13 =	vpsel p3, v17, v0;
	[tilespmem:v10+s18+$0x0] =	vst.idx.msk $0xffff, v7  }
0x348: {  	[tilespmem:v8+s18+$0x0] =	vst.idx.msk @p3 $0xffff, v13  }
0x349: {  	[tilespmem:v9+s18+$0x0] =	vst.idx.msk $0xffff, v62  }
0x34a: {  	[tilespmem:v16+s18+$0x0] =	vst.idx.msk $0xffff, v11  }
0x34b: {  	[tilespmem:v20+s18+$0x0] =	vst.idx.msk $0xffff, v63  }
.LBB2_102:
.Ltmp58:
0x34c: {  	(pc) =	sbr.rel @!p1 .LBB2_103-.Ltmp58, $1  }
0x34d: {  	_ =	sdelay $0x3  }
0x34e: {  	s23 =	sshll.u32 s22, $0x2  }
0x34f: {  	s23 =	sshra.s32 s23, $0x2  }
0x350: {  	s23 =	sand.u32 $0xFFFFFFC0, s23  }
0x351: {  	s24 =	smov.u32 s21;
	s23 =	sadd.s32 $0x12100, s23  }
.LBB2_116:
0x352: {  	v7 =	vadd.s32 s24, v6;
	_ =	sdelay $0x1  }
0x353: {  	v8 =	vld [tilespmem:s23+$0x0];
	_ =	sdelay $0x2  }
0x354: {  	v9 =	vld.idx.msk [tilespmem:v7+s15+$0x0], $0xffff;
	_ =	sdelay $0x4  }
0x355: {  	s24 =	sadd.s32 $0x1, s24;
	[tilespmem:v8+s16+$0x0] =	vst.idx.msk $0xffff, v9  }
0x356: {  	p3 =	slt.u32 s24, s20;
	v7 =	vld.idx.msk [tilespmem:v7+s17+$0x0], $0xffff  }
.Ltmp59:
0x357: {  	_ = 	snop;
	(pc) =	sbr.rel @p3 .LBB2_116-.Ltmp59, $2  }
0x358: {  	_ =	sdelay $0x2  }
0x359: {  	s23 =	sadd.s32 $0x10, s23;
	[tilespmem:v8+s18+$0x0] =	vst.idx.msk $0xffff, v7  }
.LBB2_103:
0x35a: {  	s23 =	simm.s32 $0xA140  }
0x35b: {  	[tilespmem:s23+$0xFFFFFFC0] =	vst v1  }
0x35c: {  	[tilespmem:s23+$0x30] =	vst v1  }
0x35d: {  	[tilespmem:s23+$0x20] =	vst v1  }
0x35e: {  	[tilespmem:s23+$0x10] =	vst v1  }
0x35f: {  	[tilespmem:s23+$0x0] =	vst v1  }
0x360: {  	[tilespmem:s23+$0xFFFFFFF0] =	vst v1  }
0x361: {  	s24 =	simm.s32 $0x0;
	[tilespmem:s23+$0xFFFFFFE0] =	vst v1  }
.LBB2_104:
0x362: {  	s24 =	sadd.s32 $0x8, s24;
	[tilespmem:s23+$0xFFFFFFD0] =	vst v1;
	s23 =	sadd.s32 $0x80, s23  }
0x363: {  	[tilespmem:s23+$0xFFFFFFC0] =	vst v1;
	p3 =	slt.u32 s24, $0xF8  }
0x364: {  	[tilespmem:s23+$0x30] =	vst v1  }
.Ltmp60:
0x365: {  	[tilespmem:s23+$0x20] =	vst v1;
	(pc) =	sbr.rel @p3 .LBB2_104-.Ltmp60, $4  }
0x366: {  	[tilespmem:s23+$0x10] =	vst v1  }
0x367: {  	[tilespmem:s23+$0x0] =	vst v1  }
0x368: {  	[tilespmem:s23+$0xFFFFFFF0] =	vst v1  }
0x369: {  	[tilespmem:s23+$0xFFFFFFE0] =	vst v1  }
.Ltmp61:
0x36a: {  	(pc) =	sbr.rel @p0 .LBB2_117-.Ltmp61, $2  }
0x36b: {  	_ =	sdelay $0x2  }
0x36c: {  	[tilespmem:s23+$0xFFFFFFD0] =	vst v1  }
0x36d: {  	s24 =	simm.s32 $0x3  }
0x36e: {  	s31 =	simm.s32 $0x1;
	v7 =	vadd.s32 s24, v6  }
0x36f: {  	p4 =	sgt.u32 s21, $0x4;
	v8 =	vadd.s32 s31, v6  }
.Ltmp62:
0x370: {  	_ = 	snop;
	(pc) =	sbr.rel @!p4 .LBB2_107-.Ltmp62, $3  }
0x371: {  	_ =	sdelay $0x1  }
0x372: {  	s25 =	simm.s32 $0x0;
	s26 =	simm.s32 $0x2;
	v9 =	vld.idx.msk [tilespmem:v7+s16+$0x0], $0xffff  }
0x373: {  	s23 =	simm.s32 $0x10120;
	p3 =	por $0x0, $0x0;
	s24 =	simm.s32 $0x4;
	v10 =	vadd.s32 s26, v6;
	v7 =	vadd.s32 s25, v6;
	v8 =	vld.idx.msk [tilespmem:v8+s16+$0x0], $0xffff  }
0x374: {  	_ =	sdelay $0x3  }
0x375: {  	s25 =	simm.s32 $0x7;
	v13 =	vld.idx.msk [tilespmem:v10+s16+$0x0], $0xffff  }
0x376: {  	s30 =	simm.s32 $0x5;
	v14 =	vadd.s32 s25, v6;
	v9 =	vshrl.u32 v9, $0xC  }
0x377: {  	v16 =	vld.idx.msk [tilespmem:v7+s16+$0x0], $0xffff;
	v7 =	vadd.s32 s24, v6;
	s31 =	simm.s32 $0x6;
	v17 =	vadd.s32 s30, v6;
	v11 =	vand.u32 $0xFF0, v9  }
0x378: {  	p4 =	sgt.u32 s21, $0x8;
	v10 =	vadd.s32 s31, v6;
	v8 =	vshrl.u32 v8, $0xC;
	v12 =	vor.u32 v0, v11  }
.Ltmp63:
0x379: {  	v9 =	vand.u32 $0xF80, v9;
	v11 =	vand.u32 $0xFF0, v8;
	v15 =	vand.u32 $0x7F, v12;
	(pc) =	sbr.rel @!p4 .LBB2_123-.Ltmp63, $4  }
0x37a: {  	v18 =	vshrl.u32 v13, $0xC;
	v11 =	vor.u32 v0, v11;
	v15 =	vor.u32 v9, v15  }
0x37b: {  	v8 =	vand.u32 $0xF80, v8;
	v19 =	vand.u32 $0xFF0, v18;
	v13 =	vand.u32 $0x7F, v11;
	v9 =	vld.idx.msk [tilespmem:v14+s16+$0x0], $0xffff  }
0x37c: {  	v16 =	vshrl.u32 v16, $0xC;
	v14 =	vor.u32 v8, v13;
	v13 =	vor.u32 v0, v19  }
0x37d: {  	p3 =	por $0x1, $0x1;
	s24 =	simm.s32 $0x10120;
	s25 =	simm.s32 $0x8;
	v18 =	vand.u32 $0xF80, v18;
	v8 =	vld.idx.msk [tilespmem:v17+s16+$0x0], $0xffff;
	v17 =	vand.u32 $0xFF0, v16;
	v19 =	vand.u32 $0x7F, v13  }
.LBB2_124:
0x37e: {  	s26 =	sadd.s32 $0x3, s25;
	v20 =	vld.idx.msk [tilespmem:v10+s16+$0x0], $0xffff;
	v17 =	vor.u32 v0, v17;
	v18 =	vor.u32 v18, v19;
	[tilespmem:s24+$0x10] =	vst v12;
	s28 =	smov.u32 s25;
	s25 =	sadd.s32 $0x4, s25  }
0x37f: {  	v10 =	vand.u32 $0xF80, v16;
	v19 =	vadd.s32 s26, v6;
	p4 =	slt.u32 s25, s21;
	v12 =	vand.u32 $0x7F, v17;
	[tilespmem:v15+s10+$0x0] =	vst.idx.add.s32.msk $0xffff, v2  }
0x380: {  	s26 =	sadd.s32 $0x1, s28;
	v9 =	vshrl.u32 v9, $0xC;
	v16 =	vld.idx.msk [tilespmem:v7+s16+$0x0], $0xffff;
	v21 =	vor.u32 v10, v12;
	[tilespmem:s24+$0xFFFFFFF0] =	vst v11  }
0x381: {  	v7 =	vadd.s32 s28, v6;
	v22 =	vadd.s32 s26, v6;
	s26 =	sadd.s32 $0x2, s28;
	v11 =	vand.u32 $0xFF0, v9;
	[tilespmem:v14+s10+$0x0] =	vst.idx.add.s32.msk $0xffff, v2  }
0x382: {  	v10 =	vadd.s32 s26, v6;
	v8 =	vshrl.u32 v8, $0xC;
	v12 =	vor.u32 v0, v11;
	[tilespmem:s24+$0x0] =	vst v13  }
.Ltmp64:
0x383: {  	v11 =	vand.u32 $0xFF0, v8;
	v13 =	vand.u32 $0xF80, v9;
	v14 =	vand.u32 $0x7F, v12;
	[tilespmem:v18+s10+$0x0] =	vst.idx.add.s32.msk $0xffff, v2;
	(pc) =	sbr.rel @p4 .LBB2_124-.Ltmp64, $4  }
0x384: {  	v11 =	vor.u32 v0, v11;
	v18 =	vshrl.u32 v20, $0xC;
	v15 =	vor.u32 v13, v14;
	v9 =	vld.idx.msk [tilespmem:v19+s16+$0x0], $0xffff;
	[tilespmem:s24+$0xFFFFFFE0] =	vst v17  }
0x385: {  	v13 =	vand.u32 $0xF80, v8;
	v14 =	vand.u32 $0x7F, v11;
	v17 =	vand.u32 $0xFF0, v18;
	[tilespmem:v21+s10+$0x0] =	vst.idx.add.s32.msk $0xffff, v2  }
0x386: {  	v16 =	vshrl.u32 v16, $0xC;
	v14 =	vor.u32 v13, v14;
	v13 =	vor.u32 v0, v17;
	v8 =	vld.idx.msk [tilespmem:v22+s16+$0x0], $0xffff  }
0x387: {  	v18 =	vand.u32 $0xF80, v18;
	s24 =	sadd.s32 $0x40, s24;
	v17 =	vand.u32 $0xFF0, v16;
	v19 =	vand.u32 $0x7F, v13  }
.LBB2_125:
0x388: {  	_ =	sdelay $0x3  }
0x389: {  	v10 =	vld.idx.msk [tilespmem:v10+s16+$0x0], $0xffff  }
0x38a: {  	[tilespmem:s24+$0x10] =	vst @p3 v12;
	v12 =	vor.u32 @p3 v0, v17;
	v7 =	vld.idx.msk [tilespmem:v7+s16+$0x0], $0xffff  }
0x38b: {  	[tilespmem:v15+s10+$0x0] =	vst.idx.add.s32.msk @p3 $0xffff, v2;
	v9 =	vshrl.u32 v9, $0xC;
	v15 =	vand.u32 @p3 $0xF80, v16;
	v16 =	vand.u32 @p3 $0x7F, v12  }
0x38c: {  	v17 =	vor.u32 @p3 v18, v19;
	[tilespmem:s24+$0xFFFFFFF0] =	vst @p3 v11;
	v54 =	vand.u32 $0xFF0, v9;
	v15 =	vor.u32 @p3 v15, v16  }
0x38d: {  	[tilespmem:s24+$0x0] =	vst @p3 v13;
	v9 =	vand.u32 $0xF80, v9;
	v8 =	vshrl.u32 v8, $0xC;
	v55 =	vor.u32 v0, v54  }
0x38e: {  	[tilespmem:s24+$0xFFFFFFE0] =	vst @p3 v12;
	s24 =	sadd.s32 @p3 $0x40, s24;
	v56 =	vand.u32 $0xFF0, v8;
	v57 =	vand.u32 $0x7F, v55;
	v8 =	vand.u32 $0xF80, v8  }
0x38f: {  	[tilespmem:v14+s10+$0x0] =	vst.idx.add.s32.msk @p3 $0xffff, v2;
	s23 =	smov.u32 @p3 s24;
	v58 =	vor.u32 v0, v56;
	v10 =	vshrl.u32 v10, $0xC;
	v9 =	vor.u32 v9, v57  }
0x390: {  	[tilespmem:s23+$0x10] =	vst v55;
	v7 =	vshrl.u32 v7, $0xC;
	v14 =	vand.u32 $0x7F, v58;
	v59 =	vand.u32 $0xFF0, v10  }
0x391: {  	[tilespmem:v17+s10+$0x0] =	vst.idx.add.s32.msk @p3 $0xffff, v2;
	v61 =	vand.u32 $0xFF0, v7;
	v10 =	vand.u32 $0xF80, v10;
	v60 =	vor.u32 v0, v59  }
0x392: {  	[tilespmem:s23+$0xFFFFFFF0] =	vst v58;
	v8 =	vor.u32 v8, v14;
	v14 =	vor.u32 v0, v61;
	v62 =	vand.u32 $0x7F, v60  }
0x393: {  	v7 =	vand.u32 $0xF80, v7;
	[tilespmem:v15+s10+$0x0] =	vst.idx.add.s32.msk @p3 $0xffff, v2;
	v63 =	vand.u32 $0x7F, v14;
	v10 =	vor.u32 v10, v62  }
0x394: {  	[tilespmem:s23+$0x0] =	vst v60;
	v7 =	vor.u32 v7, v63  }
0x395: {  	[tilespmem:s23+$0xFFFFFFE0] =	vst v14  }
0x396: {  	[tilespmem:v9+s10+$0x0] =	vst.idx.add.s32.msk $0xffff, v2  }
0x397: {  	[tilespmem:v8+s10+$0x0] =	vst.idx.add.s32.msk $0xffff, v2  }
0x398: {  	[tilespmem:v10+s10+$0x0] =	vst.idx.add.s32.msk $0xffff, v2  }
0x399: {  	[tilespmem:v7+s10+$0x0] =	vst.idx.add.s32.msk $0xffff, v2  }
.LBB2_117:
.Ltmp65:
0x39a: {  	(pc) =	sbr.rel @!p1 .LBB2_118-.Ltmp65, $1  }
0x39b: {  	_ =	sdelay $0x3  }
0x39c: {  	s23 =	sshll.u32 s22, $0x2  }
0x39d: {  	s23 =	sshra.s32 s23, $0x2  }
0x39e: {  	s23 =	sand.u32 $0xFFFFFFC0, s23  }
0x39f: {  	s24 =	smov.u32 s21;
	s23 =	sadd.s32 $0x10100, s23  }
.LBB2_127:
0x3a0: {  	v7 =	vadd.s32 s24, v6;
	_ =	sdelay $0x4  }
0x3a1: {  	v7 =	vld.idx.msk [tilespmem:v7+s16+$0x0], $0xffff;
	_ =	sdelay $0x4  }
0x3a2: {  	v7 =	vshrl.u32 v7, $0xC  }
0x3a3: {  	v8 =	vand.u32 $0xFF0, v7  }
0x3a4: {  	v8 =	vor.u32 v0, v8  }
0x3a5: {  	s24 =	sadd.s32 $0x1, s24;
	v7 =	vand.u32 $0xF80, v7;
	v9 =	vand.u32 $0x7F, v8  }
0x3a6: {  	p3 =	slt.u32 s24, s20;
	v7 =	vor.u32 v7, v9  }
.Ltmp66:
0x3a7: {  	_ = 	snop;
	(pc) =	sbr.rel @p3 .LBB2_127-.Ltmp66, $3  }
0x3a8: {  	_ =	sdelay $0x1  }
0x3a9: {  	[tilespmem:s23+$0x0] =	vst v8  }
0x3aa: {  	s23 =	sadd.s32 $0x10, s23;
	[tilespmem:v7+s10+$0x0] =	vst.idx.add.s32.msk $0xffff, v2  }
.LBB2_118:
0x3ab: {  	s24 =	simm.s32 $0xA120  }
0x3ac: {  	v10 =	vld [tilespmem:s24+$0x10]  }
0x3ad: {  	v11 =	vld [tilespmem:s24+$0xFFFFFFF0];
	_ =	sdelay $0x2  }
0x3ae: {  	v13 =	vld [tilespmem:s24+$0x0]  }
0x3af: {  	v15 =	vld [tilespmem:s24+$0xFFFFFFE0];
	(xrf0) =	vadd.scan.msk.s32 $0xffff, v10  }
0x3b0: {  	(xrf0) =	vadd.scan.msk.s32 $0xffff, v11;
	_ =	sdelay $0x2  }
0x3b1: {  	s25 =	simm.s32 $0xA160;
	(xrf0) =	vadd.scan.msk.s32 $0xffff, v13  }
0x3b2: {  	v9 =	vld [tilespmem:s25+$0x10];
	(xrf0) =	vadd.scan.msk.s32 $0xffff, v15  }
0x3b3: {  	v8 =	vld [tilespmem:s25+$0xFFFFFFF0];
	v14, _, _ =	vpop (xrf0)  }
0x3b4: {  	v7 =	vld [tilespmem:s25+$0x0];
	v10 =	vsub.s32 v14, v10;
	v12, _, _ =	vpop (xrf0)  }
0x3b5: {  	v16 =	vsub.s32 v12, v11;
	v11 =	vld [tilespmem:s25+$0xFFFFFFE0];
	_ =	sdelay $0x1  }
0x3b6: {  	s23 =	simm.s32 $0x14120;
	(xrf0) =	vadd.scan.msk.s32 $0xffff, v9;
	[tilespmem:s24+$0x10] =	vst v10;
	v10, _, _ =	vpop (xrf0)  }
0x3b7: {  	(xrf0) =	vadd.scan.msk.s32 $0xffff, v8;
	[tilespmem:s23+$0x10] =	vst v14;
	v14, _, _ =	vpop (xrf0)  }
0x3b8: {  	s26 =	simm.s32 $0x4;
	s28 =	simm.s32 $0xA1A0;
	[tilespmem:s24+$0xFFFFFFF0] =	vst v16;
	(xrf0) =	vadd.scan.msk.s32 $0xffff, v7;
	v13 =	vsub.s32 v10, v13;
	v15 =	vsub.s32 v14, v15  }
.LBB2_119:
0x3b9: {  	v16 =	vld [tilespmem:s28+$0x10];
	(xrf0) =	vadd.scan.msk.s32 $0xffff, v11;
	[tilespmem:s24+$0xFFFFFFE0] =	vst v15;
	v15 =	vmov v11  }
0x3ba: {  	s26 =	sadd.s32 $0x4, s26;
	v17 =	vld [tilespmem:s28+$0xFFFFFFF0];
	[tilespmem:s23+$0xFFFFFFE0] =	vst v14  }
0x3bb: {  	p3 =	slt.u32 s26, $0xFC;
	v18 =	vld [tilespmem:s28+$0x0];
	[tilespmem:s23+$0xFFFFFFF0] =	vst v12  }
.Ltmp67:
0x3bc: {  	v11 =	vld [tilespmem:s28+$0xFFFFFFE0];
	v14, _, _ =	vpop (xrf0);
	[tilespmem:s24+$0x0] =	vst v13;
	s24 =	smov.u32 s25;
	s25 =	smov.u32 s28;
	(pc) =	sbr.rel @p3 .LBB2_119-.Ltmp67, $4  }
0x3bd: {  	v13 =	vsub.s32 v14, v9;
	v12, _, _ =	vpop (xrf0);
	[tilespmem:s23+$0x0] =	vst v10  }
0x3be: {  	s23 =	sadd.s32 $0x40, s23;
	(xrf0) =	vadd.scan.msk.s32 $0xffff, v16;
	v19 =	vsub.s32 v12, v8;
	[tilespmem:s24+$0x10] =	vst v13;
	v10, _, _ =	vpop (xrf0);
	v9 =	vmov v16  }
0x3bf: {  	(xrf0) =	vadd.scan.msk.s32 $0xffff, v17;
	v13 =	vsub.s32 v10, v7;
	[tilespmem:s23+$0x10] =	vst v14;
	v14, _, _ =	vpop (xrf0);
	v8 =	vmov v17  }
0x3c0: {  	s28 =	sadd.s32 $0x40, s28;
	(xrf0) =	vadd.scan.msk.s32 $0xffff, v18;
	v15 =	vsub.s32 v14, v15;
	[tilespmem:s24+$0xFFFFFFF0] =	vst v19;
	v7 =	vmov v18  }
0x3c1: {  	[tilespmem:s24+$0xFFFFFFE0] =	vst v15  }
0x3c2: {  	[tilespmem:s23+$0xFFFFFFF0] =	vst v12  }
0x3c3: {  	(xrf0) =	vadd.scan.msk.s32 $0xffff, v11;
	[tilespmem:s24+$0x0] =	vst v13  }
0x3c4: {  	[tilespmem:s23+$0xFFFFFFE0] =	vst v14;
	v59, _, _ =	vpop (xrf0)  }
0x3c5: {  	[tilespmem:s23+$0x0] =	vst v10;
	v9 =	vsub.s32 v59, v9  }
0x3c6: {  	s26 =	sadd.s32 $0x40, s23;
	v60, _, _ =	vpop (xrf0);
	[tilespmem:s25+$0x10] =	vst v9  }
0x3c7: {  	v8 =	vsub.s32 v60, v8;
	[tilespmem:s26+$0x10] =	vst v59  }
0x3c8: {  	p5 =	por $0x0, $0x0;
	v61, _, _ =	vpop (xrf0);
	[tilespmem:s25+$0xFFFFFFF0] =	vst v8  }
.Ltmp68:
0x3c9: {  	v62, _, _ =	vpop (xrf0);
	v7 =	vsub.s32 v61, v7;
	[tilespmem:s26+$0xFFFFFFF0] =	vst v60;
	(pc) =	sbr.rel @p5 .LBB2_121-.Ltmp68, $4  }
0x3ca: {  	v63 =	vsub.s32 v62, v11;
	[tilespmem:s25+$0x0] =	vst v7  }
0x3cb: {  	[tilespmem:s25+$0xFFFFFFE0] =	vst v63  }
0x3cc: {  	s24 =	simm.s32 $0x0;
	p3 =	por $0x0, $0x0;
	[tilespmem:s26+$0x0] =	vst v61  }
0x3cd: {  	p4 =	por $0x0, $0x0;
	s23 =	simm.s32 $0x15100;
	v7 =	vor.u32 s24, v3;
	s25 =	simm.s32 $0x100;
	[tilespmem:s26+$0xFFFFFFE0] =	vst v62  }
0x3ce: {  	_ =	sdelay $0x3  }
0x3cf: {  	v8 =	vld.idx.msk [tilespmem:v7+s11+$0x0], $0xffff;
	_ =	sdelay $0x4  }
0x3d0: {  	(xrf0) =	vadd.scan.msk.s32 $0xffff, v8  }
0x3d1: {  	p5 =	por $0x0, $0x0  }
.Ltmp69:
0x3d2: {  	_ = 	snop;
	(pc) =	sbr.rel @p5 .LBB2_129-.Ltmp69, $2  }
0x3d3: {  	_ =	sdelay $0x2  }
0x3d4: {  	v7 =	vor.u32 s25, v3;
	s25 =	simm.s32 $0x200;
	p3 =	por $0x1, $0x1;
	v9, _, _ =	vpop (xrf0)  }
0x3d5: {  	(v2sf) =	vpush v9, $0xF;
	_ =	sdelay $0x1  }
0x3d6: {  	v8 =	vsub.s32 s24, v8  }
0x3d7: {  	v8 =	vadd.s32 v9, v8  }
0x3d8: {  	[tilespmem:s23+$0x0] =	vst v8  }
0x3d9: {  	v8 =	vld.idx.msk [tilespmem:v7+s11+$0x0], $0xffff;
	_ =	sdelay $0x4  }
0x3da: {  	(xrf0) =	vadd.scan.msk.s32 $0xffff, v8  }
0x3db: {  	p5 =	por $0x0, $0x0  }
.Ltmp70:
0x3dc: {  	_ = 	snop;
	(pc) =	sbr.rel @p5 .LBB2_131-.Ltmp70, $3  }
0x3dd: {  	_ =	sdelay $0x1  }
0x3de: {  	s28 =	simm.s32 $0x300;
	s26 =	spop (v2sf)  }
0x3df: {  	p4 =	por $0x1, $0x1;
	v7 =	vor.u32 s25, v3;
	v9, _, _ =	vpop (xrf0);
	s25 =	sadd.s32 $0x0, s26;
	s26 =	simm.s32 $0x15100  }
.LBB2_132:
0x3e0: {  	p5 =	seq.s32 s28, $0xF00;
	v8 =	vsub.s32 s25, v8;
	(v2sf) =	vpush v9, $0xF  }
0x3e1: {  	s26 =	sadd.s32 $0x10, s26;
	v8 =	vadd.s32 v9, v8  }
0x3e2: {  	[tilespmem:s26+$0x0] =	vst v8;
	_ =	sdelay $0x1  }
0x3e3: {  	v8 =	vld.idx.msk [tilespmem:v7+s11+$0x0], $0xffff;
	_ =	sdelay $0x5  }
0x3e4: {  	(xrf0) =	vadd.scan.msk.s32 $0xffff, v8;
	_ =	sdelay $0x1  }
.Ltmp71:
0x3e5: {  	(pc) =	sbr.rel @!p5 .LBB2_132-.Ltmp71, $3  }
0x3e6: {  	_ =	sdelay $0x1  }
0x3e7: {  	s29 =	spop (v2sf)  }
0x3e8: {  	v7 =	vor.u32 s28, v3;
	s28 =	sadd.s32 $0x100, s28;
	v9, _, _ =	vpop (xrf0);
	s25 =	sadd.s32 s25, s29  }
.LBB2_133:
0x3e9: {  	_ = 	snop  }
0x3ea: {  	v8 =	vsub.s32 @p3 s25, v8;
	s26 =	sadd.s32 @p4 $0x10, s26;
	s28 =	simm.s32 $0x15100  }
0x3eb: {  	v8 =	vadd.s32 @p3 v9, v8;
	s28 =	smov.u32 @p4 s26  }
0x3ec: {  	[tilespmem:s28+$0x0] =	vst @p3 v8  }
0x3ed: {  	v7 =	vld.idx.msk [tilespmem:v7+s11+$0x0], $0xffff;
	_ =	sdelay $0x4  }
0x3ee: {  	(v2sf) =	vpush @p3 v9, $0xF;
	(xrf0) =	vadd.scan.msk.s32 $0xffff, v7;
	_ =	sdelay $0x5  }
0x3ef: {  	v8, _, _ =	vpop (xrf0)  }
0x3f0: {  	(v2sf) =	vpush v8, $0xF;
	_ =	sdelay $0x7  }
0x3f1: {  	s26 =	spop @p3 (v2sf)  }
0x3f2: {  	s25 =	sadd.s32 @p3 s25, s26;
	s26 =	simm.s32 $0x0  }
0x3f3: {  	p5 =	por $0x1, $0x1;
	s26 =	smov.u32 @p3 s25  }
.Ltmp72:
0x3f4: {  	s25 =	sadd.s32 @p3 $0x10, s28;
	v7 =	vsub.s32 s26, v7;
	(pc) =	sbr.rel @!p5 .LBB2_134-.Ltmp72, $4  }
0x3f5: {  	s23 =	smov.u32 @p3 s25;
	v7 =	vadd.s32 v8, v7  }
0x3f6: {  	s30 =	simm.s32 $0x3;
	s31 =	simm.s32 $0x1;
	[tilespmem:s23+$0x0] =	vst v7;
	v7 =	vmov s24  }
0x3f7: {  	p4 =	por $0x0, $0x0;
	s25 =	simm.s32 $0x2;
	p3 =	por $0x0, $0x0;
	v7 =	vand.u32 $0xFFFFFFFC, v7  }
0x3f8: {  	v15 =	vmov s31;
	v8 =	vmov s30;
	s23 =	simm.s32 $0xA120;
	s24 =	simm.s32 $0x4;
	v7 =	vbroadcast v7, $0x0;
	s29 =	spop (v2sf)  }
0x3f9: {  	v9 =	vand.u32 $0xFFFFFFFD, v15  }
0x3fa: {  	v11 =	vbroadcast v9, $0x0;
	_ =	sdelay $0x4  }
0x3fb: {  	p5 =	por $0x1, $0x1  }
.Ltmp73:
0x3fc: {  	v9 =	vmov s25;
	v13 =	vld.idx.msk [tilespmem:v11+s12+$0x0], $0xffff;
	(pc) =	sbr.rel @!p5 .LBB2_139-.Ltmp73, $4  }
0x3fd: {  	v10 =	vand.u32 $0xFFFFFFFE, v9;
	v9 =	vld.idx.msk [tilespmem:v8+s12+$0x0], $0xffff  }
0x3fe: {  	v12 =	vmov s24;
	s31 =	simm.s32 $0x5  }
0x3ff: {  	s30 =	simm.s32 $0x7;
	v12 =	vand.u32 $0xFFFFFFFC, v12;
	v15 =	vmov s31  }
0x400: {  	s24 =	simm.s32 $0x8;
	p3 =	por $0x1, $0x1;
	v14 =	vld.idx.msk [tilespmem:v7+s12+$0x0], $0xffff;
	s25 =	simm.s32 $0x6;
	v8 =	vmov s30;
	v7 =	vbroadcast v12, $0x0;
	v10 =	vbroadcast v10, $0x0  }
0x401: {  	_ =	sdelay $0x4  }
0x402: {  	v11 =	vand.u32 $0xFFFFFFFD, v15;
	v15 =	vld.idx.msk [tilespmem:v10+s12+$0x0], $0xffff;
	v10 =	vmov s25  }
0x403: {  	v19 =	vld [tilespmem:s23+$0x0];
	v16 =	vbroadcast v11, $0x0;
	v10 =	vand.u32 $0xFFFFFFFE, v10  }
0x404: {  	v20 =	vld [tilespmem:s23+$0xFFFFFFE0];
	p5 =	por $0x1, $0x1;
	v10 =	vbroadcast v10, $0x0  }
.Ltmp74:
0x405: {  	v11 =	vld [tilespmem:s23+$0xFFFFFFF0];
	(pc) =	sbr.rel @!p5 .LBB2_141-.Ltmp74, $4  }
0x406: {  	v12 =	vld [tilespmem:s23+$0x10]  }
0x407: {  	v18 =	vmov s24;
	s31 =	simm.s32 $0xB;
	v17 =	vld.idx.msk [tilespmem:v8+s12+$0x0], $0xffff  }
0x408: {  	s26 =	simm.s32 $0x9;
	s28 =	simm.s32 $0xC;
	p4 =	por $0x1, $0x1;
	v21 =	vand.u32 $0xFFFFFFFC, v18;
	v8 =	vmov s31;
	v18 =	vld.idx.msk [tilespmem:v7+s12+$0x0], $0xffff;
	v22 =	vadd.s32 v15, v19  }
0x409: {  	s24 =	simm.s32 $0xA120;
	s25 =	simm.s32 $0xA;
	v7 =	vbroadcast v21, $0x0;
	v15 =	vmov s26;
	s26 =	simm.s32 $0xA120;
	v19 =	vld.idx.msk [tilespmem:v16+s12+$0x0], $0xffff;
	v16 =	vadd.s32 v14, v20;
	[tilespmem:s23+$0x0] =	vst v22  }
.LBB2_142:
0x40a: {  	p5 =	slt.u32 s28, $0xFC;
	v14 =	vand.u32 $0xFFFFFFFD, v15;
	v15 =	vmov s25;
	v20 =	vld.idx.msk [tilespmem:v10+s12+$0x0], $0xffff;
	[tilespmem:s24+$0xFFFFFFE0] =	vst v16;
	v10 =	vadd.s32 v13, v11;
	s26 =	sadd.s32 $0x40, s26  }
0x40b: {  	v14 =	vbroadcast v14, $0x0;
	v11 =	vand.u32 $0xFFFFFFFE, v15;
	v15 =	vld [tilespmem:s26+$0x0];
	[tilespmem:s24+$0xFFFFFFF0] =	vst v10;
	v12 =	vadd.s32 v9, v12  }
0x40c: {  	v10 =	vbroadcast v11, $0x0;
	v16 =	vld [tilespmem:s26+$0xFFFFFFE0];
	[tilespmem:s24+$0x10] =	vst v12;
	s24 =	smov.u32 s26  }
.Ltmp75:
0x40d: {  	v9 =	vmov v17;
	v11 =	vld [tilespmem:s26+$0xFFFFFFF0];
	(pc) =	sbr.rel @p5 .LBB2_142-.Ltmp75, $4  }
0x40e: {  	v21 =	vmov v18;
	v12 =	vld [tilespmem:s26+$0x10]  }
0x40f: {  	s25 =	sadd.s32 $0x3, s28;
	v18 =	vmov s28;
	v13 =	vmov v19;
	v17 =	vld.idx.msk [tilespmem:v8+s12+$0x0], $0xffff  }
0x410: {  	s29 =	sadd.s32 $0x1, s28;
	v19 =	vand.u32 $0xFFFFFFFC, v18;
	v8 =	vmov s25;
	v18 =	vld.idx.msk [tilespmem:v7+s12+$0x0], $0xffff;
	v20 =	vadd.s32 v20, v15  }
0x411: {  	s25 =	sadd.s32 $0x2, s28;
	s28 =	sadd.s32 $0x4, s28;
	v7 =	vbroadcast v19, $0x0;
	v15 =	vmov s29;
	v19 =	vld.idx.msk [tilespmem:v14+s12+$0x0], $0xffff;
	v16 =	vadd.s32 v21, v16;
	[tilespmem:s26+$0x0] =	vst v20  }
0x412: {  	_ =	sdelay $0x3  }
0x413: {  	v20 =	vmovc v13;
	v21 =	vmovc v9;
	v9 =	vmov v17;
	v14 =	vmov v18;
	v13 =	vmov v19  }
.LBB2_144:
0x414: {  	_ =	sdelay $0x3  }
0x415: {  	v10 =	vld.idx.msk @p3 [tilespmem:v10+s12+$0x0], $0xffff  }
0x416: {  	s26 =	sadd.s32 @p4 $0x40, s26;
	s28 =	simm.s32 $0xA120;
	v8 =	vld.idx.msk [tilespmem:v8+s12+$0x0], $0xffff  }
0x417: {  	v7 =	vld.idx.msk [tilespmem:v7+s12+$0x0], $0xffff;
	s28 =	smov.u32 @p4 s26  }
0x418: {  	v17 =	vmov s25;
	v15 =	vand.u32 $0xFFFFFFFD, v15;
	v18 =	vld @p3 [tilespmem:s28+$0x0]  }
0x419: {  	v15 =	vbroadcast v15, $0x0;
	v17 =	vand.u32 $0xFFFFFFFE, v17;
	v19 =	vld @p3 [tilespmem:s28+$0xFFFFFFE0]  }
0x41a: {  	v17 =	vbroadcast v17, $0x0;
	v22 =	vld @p3 [tilespmem:s28+$0xFFFFFFF0];
	s25 =	sadd.s32 @p3 $0x40, s28  }
0x41b: {  	v23 =	vld @p3 [tilespmem:s28+$0x10];
	s23 =	smov.u32 @p3 s25  }
0x41c: {  	v11 =	vadd.s32 @p4 v20, v11;
	v59 =	vld [tilespmem:s23+$0x0]  }
0x41d: {  	[tilespmem:s24+$0xFFFFFFF0] =	vst @p4 v11;
	v11 =	vadd.s32 @p4 v21, v12;
	v60 =	vld [tilespmem:s23+$0xFFFFFFE0]  }
0x41e: {  	[tilespmem:s24+$0xFFFFFFE0] =	vst @p4 v16;
	v9 =	vpsel p3, v9, v0;
	v12 =	vmov @p3 v14;
	v61 =	vld [tilespmem:s23+$0xFFFFFFF0]  }
0x41f: {  	[tilespmem:s24+$0x10] =	vst @p4 v11;
	s24 =	smov.u32 @p3 s28;
	v15 =	vld.idx.msk [tilespmem:v15+s12+$0x0], $0xffff;
	v10 =	vadd.s32 @p3 v10, v18;
	v12 =	vadd.s32 @p3 v12, v19  }
0x420: {  	s24 =	smov.u32 @p3 s24;
	v11 =	vmov @p3 v13;
	v18 =	vpsel p3, v23, v0;
	v58 =	vld.idx.msk [tilespmem:v17+s12+$0x0], $0xffff;
	[tilespmem:s28+$0x0] =	vst @p3 v10;
	v10 =	vpsel p3, v12, v0  }
0x421: {  	v62 =	vld [tilespmem:s23+$0x10];
	v11 =	vpsel p3, v11, v0;
	v12 =	vpsel p3, v22, v0;
	v9 =	vadd.s32 @p3 v9, v18;
	[tilespmem:s24+$0xFFFFFFE0] =	vst @p3 v10  }
0x422: {  	v10 =	vadd.s32 @p3 v11, v12;
	[tilespmem:s24+$0x10] =	vst @p3 v9  }
0x423: {  	v7 =	vadd.s32 v7, v60;
	[tilespmem:s24+$0xFFFFFFF0] =	vst @p3 v10  }
0x424: {  	[tilespmem:s23+$0xFFFFFFE0] =	vst v7;
	v7 =	vadd.s32 v15, v61  }
0x425: {  	v63 =	vadd.s32 v58, v59;
	[tilespmem:s23+$0xFFFFFFF0] =	vst v7  }
0x426: {  	v7 =	vadd.s32 v8, v62;
	[tilespmem:s23+$0x0] =	vst v63  }
0x427: {  	[tilespmem:s23+$0x10] =	vst v7  }
.Ltmp76:
0x428: {  	(pc) =	sbr.rel @p2 .LBB2_152-.Ltmp76, $1  }
0x429: {  	_ =	sdelay $0x3  }
0x42a: {  	p4 =	seq.s32 s20, $0x1  }
.Ltmp77:
0x42b: {  	_ = 	snop;
	(pc) =	sbr.rel @p4 .LBB2_137-.Ltmp77, $3  }
0x42c: {  	_ =	sdelay $0x1  }
0x42d: {  	s24 =	simm.s32 $0x10100  }
0x42e: {  	s23 =	simm.s32 $0x12100;
	p3 =	por $0x0, $0x0;
	v7 =	vld [tilespmem:s24+$0x0];
	s24 =	sadd.s32 $0xFFFFFFFF, s20  }
0x42f: {  	_ =	sdelay $0x7  }
0x430: {  	v8 =	vld.idx.msk [tilespmem:v7+s10+$0x0], $0xffff;
	_ =	sdelay $0x3  }
0x431: {  	p4 =	seq.s32 s24, $0x1  }
.Ltmp78:
0x432: {  	v9 =	vadd.s32 $0x1, v8;
	(pc) =	sbr.rel @p4 .LBB2_149-.Ltmp78, $4  }
0x433: {  	[tilespmem:v7+s10+$0x0] =	vst.idx.msk $0xffff, v9  }
0x434: {  	s25 =	simm.s32 $0x10110;
	[tilespmem:s23+$0x0] =	vst v8  }
0x435: {  	v7 =	vld [tilespmem:s25+$0x0]  }
0x436: {  	s26 =	sadd.s32 $0xFFFFFFFF, s24;
	p3 =	por $0x1, $0x1;
	s24 =	simm.s32 $0x12100  }
.LBB2_150:
0x437: {  	p4 =	seq.s32 s26, $0x1;
	_ =	sdelay $0x5  }
0x438: {  	v8 =	vld.idx.msk [tilespmem:v7+s10+$0x0], $0xffff;
	_ =	sdelay $0x5  }
.Ltmp79:
0x439: {  	v9 =	vadd.s32 $0x1, v8;
	(pc) =	sbr.rel @!p4 .LBB2_150-.Ltmp79, $4  }
0x43a: {  	s24 =	sadd.s32 $0x10, s24;
	[tilespmem:v7+s10+$0x0] =	vst.idx.msk $0xffff, v9  }
0x43b: {  	s25 =	sadd.s32 $0x10, s25;
	[tilespmem:s24+$0x0] =	vst v8  }
0x43c: {  	v7 =	vld [tilespmem:s25+$0x0]  }
0x43d: {  	s26 =	sadd.s32 $0xFFFFFFFF, s26  }
.LBB2_151:
0x43e: {  	_ =	sdelay $0x6  }
0x43f: {  	v8 =	vld.idx.msk [tilespmem:v7+s10+$0x0], $0xffff;
	_ =	sdelay $0x4  }
0x440: {  	s24 =	sadd.s32 @p3 $0x10, s24;
	v9 =	vadd.s32 $0x1, v8  }
0x441: {  	s23 =	smov.u32 @p3 s24;
	[tilespmem:v7+s10+$0x0] =	vst.idx.msk $0xffff, v9  }
0x442: {  	[tilespmem:s23+$0x0] =	vst v8  }
.Ltmp80:
0x443: {  	(pc) =	sbr.rel @p0 .LBB2_152-.Ltmp80, $1  }
0x444: {  	_ =	sdelay $0x3  }
0x445: {  	s24 =	simm.s32 $0x0  }
0x446: {  	s30 =	simm.s32 $0x1;
	v7 =	vadd.s32 s24, v6  }
0x447: {  	s31 =	simm.s32 $0x2;
	v23 =	vadd.s32 s30, v6  }
0x448: {  	s23 =	simm.s32 $0x12120;
	p5 =	sgt.u32 s21, $0x4;
	v24 =	vadd.s32 s31, v6  }
.Ltmp81:
0x449: {  	v9 =	vld [tilespmem:s23+$0x10];
	(pc) =	sbr.rel @!p5 .LBB2_147-.Ltmp81, $4  }
0x44a: {  	v10 =	vld [tilespmem:s23+$0xFFFFFFE0]  }
0x44b: {  	v15 =	vld.idx.msk [tilespmem:v7+s16+$0x0], $0xffff  }
0x44c: {  	s25 =	simm.s32 $0x3;
	v11 =	vld.idx.msk [tilespmem:v23+s16+$0x0], $0xffff  }
0x44d: {  	p3 =	por $0x0, $0x0;
	p4 =	por $0x0, $0x0;
	s24 =	simm.s32 $0x4;
	v12 =	vadd.s32 s25, v6;
	v13 =	vld.idx.msk [tilespmem:v24+s16+$0x0], $0xffff  }
0x44e: {  	_ =	sdelay $0x3  }
0x44f: {  	v17 =	vld.idx.msk [tilespmem:v12+s16+$0x0], $0xffff  }
0x450: {  	v29 =	vadd.s32 s24, v6;
	v27 =	vld [tilespmem:s23+$0xFFFFFFF0]  }
0x451: {  	s29 =	simm.s32 $0x5;
	v8 =	vld [tilespmem:s23+$0x0]  }
0x452: {  	s23 =	simm.s32 $0x12160;
	v16 =	vadd.s32 s29, v6  }
0x453: {  	s30 =	simm.s32 $0x6;
	v20 =	vld [tilespmem:s23+$0x10]  }
0x454: {  	p5 =	sgt.u32 s21, $0x8;
	v14 =	vadd.s32 s30, v6;
	v21 =	vld [tilespmem:s23+$0xFFFFFFE0]  }
.Ltmp82:
0x455: {  	[tilespmem:v10+s15+$0x0] =	vst.idx.msk $0xffff, v15;
	v30 =	vld.idx.msk [tilespmem:v29+s16+$0x0], $0xffff;
	(pc) =	sbr.rel @!p5 .LBB2_159-.Ltmp82, $4  }
0x456: {  	[tilespmem:v9+s15+$0x0] =	vst.idx.msk $0xffff, v17;
	v17 =	vld.idx.msk [tilespmem:v7+s18+$0x0], $0xffff  }
0x457: {  	v32 =	vld.idx.msk [tilespmem:v16+s16+$0x0], $0xffff  }
0x458: {  	s31 =	simm.s32 $0x7;
	v18 =	vld.idx.msk [tilespmem:v12+s18+$0x0], $0xffff;
	[tilespmem:v27+s15+$0x0] =	vst.idx.msk $0xffff, v11  }
0x459: {  	s24 =	simm.s32 $0x8;
	p3 =	por $0x1, $0x1;
	v31 =	vld.idx.msk [tilespmem:v14+s16+$0x0], $0xffff;
	v12 =	vadd.s32 s31, v6;
	[tilespmem:v8+s15+$0x0] =	vst.idx.msk $0xffff, v13  }
0x45a: {  	_ =	sdelay $0x3  }
0x45b: {  	s29 =	simm.s32 $0x9;
	v13 =	vld.idx.msk [tilespmem:v12+s16+$0x0], $0xffff  }
0x45c: {  	v22 =	vld [tilespmem:s23+$0xFFFFFFF0];
	v25 =	vadd.s32 s29, v6  }
0x45d: {  	v28 =	vld [tilespmem:s23+$0x0]  }
0x45e: {  	v23 =	vld.idx.msk [tilespmem:v23+s18+$0x0], $0xffff  }
0x45f: {  	s30 =	simm.s32 $0xA;
	v19 =	vld.idx.msk [tilespmem:v24+s18+$0x0], $0xffff;
	[tilespmem:v21+s15+$0x0] =	vst.idx.msk $0xffff, v30  }
0x460: {  	v26 =	vadd.s32 s30, v6;
	[tilespmem:v10+s17+$0x0] =	vst.idx.msk $0xffff, v17;
	v17 =	vld.idx.msk [tilespmem:v29+s18+$0x0], $0xffff  }
0x461: {  	v7 =	vadd.s32 s24, v6;
	s31 =	simm.s32 $0xB;
	p5 =	sgt.u32 s21, $0xC;
	[tilespmem:v20+s15+$0x0] =	vst.idx.msk $0xffff, v13;
	v11 =	vld.idx.msk [tilespmem:v25+s16+$0x0], $0xffff  }
.Ltmp83:
0x462: {  	s23 =	simm.s32 $0x121A0;
	[tilespmem:v9+s17+$0x0] =	vst.idx.msk $0xffff, v18;
	v18 =	vld.idx.msk [tilespmem:v12+s18+$0x0], $0xffff;
	v12 =	vadd.s32 s31, v6;
	(pc) =	sbr.rel @!p5 .LBB2_161-.Ltmp83, $4  }
0x463: {  	v10 =	vld [tilespmem:s23+$0xFFFFFFE0]  }
0x464: {  	v9 =	vld [tilespmem:s23+$0x10];
	[tilespmem:v27+s17+$0x0] =	vst.idx.msk $0xffff, v23  }
0x465: {  	v13 =	vld.idx.msk [tilespmem:v26+s16+$0x0], $0xffff;
	[tilespmem:v22+s15+$0x0] =	vst.idx.msk $0xffff, v32  }
0x466: {  	s24 =	simm.s32 $0xC;
	p4 =	por $0x1, $0x1;
	v15 =	vld.idx.msk [tilespmem:v7+s16+$0x0], $0xffff;
	[tilespmem:v28+s15+$0x0] =	vst.idx.msk $0xffff, v31  }
.LBB2_162:
0x467: {  	v23 =	vadd.s32 s24, v6;
	s25 =	sadd.s32 $0x1, s24;
	v24 =	vld.idx.msk [tilespmem:v12+s16+$0x0], $0xffff;
	[tilespmem:v8+s17+$0x0] =	vst.idx.msk $0xffff, v19;
	v8 =	vmov v28;
	v27 =	vmov v11  }
0x468: {  	v11 =	vadd.s32 s25, v6;
	v29 =	vld [tilespmem:s23+$0xFFFFFFF0];
	[tilespmem:v20+s17+$0x0] =	vst.idx.msk $0xffff, v18  }
0x469: {  	v28 =	vld [tilespmem:s23+$0x0];
	[tilespmem:v21+s17+$0x0] =	vst.idx.msk $0xffff, v17  }
0x46a: {  	s25 =	sadd.s32 $0x2, s24;
	v31 =	vmovc v13;
	v30 =	vld.idx.msk [tilespmem:v16+s18+$0x0], $0xffff;
	v16 =	vmov v25;
	v25 =	vmov v11;
	v20 =	vmov v9  }
0x46b: {  	v19 =	vld.idx.msk [tilespmem:v14+s18+$0x0], $0xffff;
	v14 =	vmov v26;
	v26 =	vadd.s32 s25, v6;
	v21 =	vmov v10  }
0x46c: {  	s25 =	sadd.s32 $0x3, s24;
	s24 =	sadd.s32 $0x4, s24;
	v32 =	vld.idx.msk [tilespmem:v23+s16+$0x0], $0xffff  }
0x46d: {  	p5 =	slt.u32 s24, s21;
	v11 =	vld.idx.msk [tilespmem:v11+s16+$0x0], $0xffff;
	[tilespmem:v9+s15+$0x0] =	vst.idx.msk $0xffff, v24  }
.Ltmp84:
0x46e: {  	[tilespmem:v10+s15+$0x0] =	vst.idx.msk $0xffff, v15;
	v18 =	vld.idx.msk [tilespmem:v12+s18+$0x0], $0xffff;
	v12 =	vadd.s32 s25, v6;
	(pc) =	sbr.rel @p5 .LBB2_162-.Ltmp84, $4  }
0x46f: {  	v17 =	vld.idx.msk [tilespmem:v7+s18+$0x0], $0xffff;
	v7 =	vmov v23  }
0x470: {  	s23 =	sadd.s32 $0x40, s23;
	v13 =	vld.idx.msk [tilespmem:v26+s16+$0x0], $0xffff;
	[tilespmem:v29+s15+$0x0] =	vst.idx.msk $0xffff, v27  }
0x471: {  	v9 =	vld [tilespmem:s23+$0x10];
	[tilespmem:v28+s15+$0x0] =	vst.idx.msk $0xffff, v31  }
0x472: {  	v15 =	vmov v32;
	v10 =	vld [tilespmem:s23+$0xFFFFFFE0];
	[tilespmem:v22+s17+$0x0] =	vst.idx.msk $0xffff, v30;
	v22 =	vmov v29  }
0x473: {  	v33 =	vmovc v8;
	v8 =	vmov v28;
	v28 =	vmov v20;
	v34 =	vmov v21  }
0x474: {  	v35 =	vmovc v16;
	v23 =	vmovc v25;
	v25 =	vmov v14;
	v24 =	vmov v26;
	v27 =	vmov v22  }
.LBB2_164:
0x475: {  	_ =	sdelay $0x1  }
0x476: {  	v16 =	vld [tilespmem:s23+$0xFFFFFFF0]  }
0x477: {  	v20 =	vld [tilespmem:s23+$0x0]  }
0x478: {  	v14 =	vld.idx.msk [tilespmem:v12+s16+$0x0], $0xffff  }
0x479: {  	[tilespmem:v28+s17+$0x0] =	vst.idx.msk @p3 $0xffff, v18  }
0x47a: {  	v18 =	vld.idx.msk @p3 [tilespmem:v35+s18+$0x0], $0xffff;
	[tilespmem:v34+s17+$0x0] =	vst.idx.msk @p3 $0xffff, v17  }
0x47b: {  	v17 =	vld.idx.msk @p3 [tilespmem:v25+s18+$0x0], $0xffff;
	[tilespmem:v10+s15+$0x0] =	vst.idx.msk $0xffff, v15  }
0x47c: {  	[tilespmem:v33+s17+$0x0] =	vst.idx.msk @p4 $0xffff, v19;
	v7 =	vld.idx.msk [tilespmem:v7+s18+$0x0], $0xffff  }
0x47d: {  	v8 =	vpsel p3, v8, v0;
	[tilespmem:v9+s15+$0x0] =	vst.idx.msk $0xffff, v14  }
0x47e: {  	v62 =	vld.idx.msk [tilespmem:v12+s18+$0x0], $0xffff;
	[tilespmem:v16+s15+$0x0] =	vst.idx.msk $0xffff, v11  }
0x47f: {  	[tilespmem:v20+s15+$0x0] =	vst.idx.msk $0xffff, v13;
	v11 =	vld.idx.msk [tilespmem:v23+s18+$0x0], $0xffff  }
0x480: {  	[tilespmem:v27+s17+$0x0] =	vst.idx.msk @p3 $0xffff, v18;
	v63 =	vld.idx.msk [tilespmem:v24+s18+$0x0], $0xffff  }
0x481: {  	v13 =	vpsel p3, v17, v0;
	[tilespmem:v10+s17+$0x0] =	vst.idx.msk $0xffff, v7  }
0x482: {  	[tilespmem:v8+s17+$0x0] =	vst.idx.msk @p3 $0xffff, v13  }
0x483: {  	[tilespmem:v9+s17+$0x0] =	vst.idx.msk $0xffff, v62  }
0x484: {  	[tilespmem:v16+s17+$0x0] =	vst.idx.msk $0xffff, v11  }
0x485: {  	[tilespmem:v20+s17+$0x0] =	vst.idx.msk $0xffff, v63  }
.LBB2_152:
.Ltmp85:
0x486: {  	(pc) =	sbr.rel @!p1 .LBB2_153-.Ltmp85, $1  }
0x487: {  	_ =	sdelay $0x3  }
0x488: {  	s23 =	sshll.u32 s22, $0x2  }
0x489: {  	s23 =	sshra.s32 s23, $0x2  }
0x48a: {  	s23 =	sand.u32 $0xFFFFFFC0, s23  }
0x48b: {  	s24 =	smov.u32 s21;
	s23 =	sadd.s32 $0x12100, s23  }
.LBB2_166:
0x48c: {  	v7 =	vadd.s32 s24, v6;
	_ =	sdelay $0x1  }
0x48d: {  	v8 =	vld [tilespmem:s23+$0x0];
	_ =	sdelay $0x2  }
0x48e: {  	v9 =	vld.idx.msk [tilespmem:v7+s16+$0x0], $0xffff;
	_ =	sdelay $0x4  }
0x48f: {  	s24 =	sadd.s32 $0x1, s24;
	[tilespmem:v8+s15+$0x0] =	vst.idx.msk $0xffff, v9  }
0x490: {  	p3 =	slt.u32 s24, s20;
	v7 =	vld.idx.msk [tilespmem:v7+s18+$0x0], $0xffff  }
.Ltmp86:
0x491: {  	_ = 	snop;
	(pc) =	sbr.rel @p3 .LBB2_166-.Ltmp86, $2  }
0x492: {  	_ =	sdelay $0x2  }
0x493: {  	s23 =	sadd.s32 $0x10, s23;
	[tilespmem:v8+s17+$0x0] =	vst.idx.msk $0xffff, v7  }
.LBB2_153:
0x494: {  	s23 =	simm.s32 $0xA140  }
0x495: {  	[tilespmem:s23+$0xFFFFFFC0] =	vst v1  }
0x496: {  	[tilespmem:s23+$0x30] =	vst v1  }
0x497: {  	[tilespmem:s23+$0x20] =	vst v1  }
0x498: {  	[tilespmem:s23+$0x10] =	vst v1  }
0x499: {  	[tilespmem:s23+$0x0] =	vst v1  }
0x49a: {  	[tilespmem:s23+$0xFFFFFFF0] =	vst v1  }
0x49b: {  	s24 =	simm.s32 $0x0;
	[tilespmem:s23+$0xFFFFFFE0] =	vst v1  }
.LBB2_154:
0x49c: {  	s24 =	sadd.s32 $0x8, s24;
	[tilespmem:s23+$0xFFFFFFD0] =	vst v1;
	s23 =	sadd.s32 $0x80, s23  }
0x49d: {  	[tilespmem:s23+$0xFFFFFFC0] =	vst v1;
	p3 =	slt.u32 s24, $0xF8  }
0x49e: {  	[tilespmem:s23+$0x30] =	vst v1  }
.Ltmp87:
0x49f: {  	[tilespmem:s23+$0x20] =	vst v1;
	(pc) =	sbr.rel @p3 .LBB2_154-.Ltmp87, $4  }
0x4a0: {  	[tilespmem:s23+$0x10] =	vst v1  }
0x4a1: {  	[tilespmem:s23+$0x0] =	vst v1  }
0x4a2: {  	[tilespmem:s23+$0xFFFFFFF0] =	vst v1  }
0x4a3: {  	[tilespmem:s23+$0xFFFFFFE0] =	vst v1  }
.Ltmp88:
0x4a4: {  	(pc) =	sbr.rel @p0 .LBB2_167-.Ltmp88, $2  }
0x4a5: {  	_ =	sdelay $0x2  }
0x4a6: {  	[tilespmem:s23+$0xFFFFFFD0] =	vst v1  }
0x4a7: {  	s24 =	simm.s32 $0x3  }
0x4a8: {  	s31 =	simm.s32 $0x1;
	v7 =	vadd.s32 s24, v6  }
0x4a9: {  	p4 =	sgt.u32 s21, $0x4;
	v8 =	vadd.s32 s31, v6  }
.Ltmp89:
0x4aa: {  	_ = 	snop;
	(pc) =	sbr.rel @!p4 .LBB2_157-.Ltmp89, $3  }
0x4ab: {  	_ =	sdelay $0x1  }
0x4ac: {  	s25 =	simm.s32 $0x0;
	s26 =	simm.s32 $0x2;
	v9 =	vld.idx.msk [tilespmem:v7+s15+$0x0], $0xffff  }
0x4ad: {  	s23 =	simm.s32 $0x10120;
	p3 =	por $0x0, $0x0;
	s24 =	simm.s32 $0x4;
	v10 =	vadd.s32 s26, v6;
	v7 =	vadd.s32 s25, v6;
	v8 =	vld.idx.msk [tilespmem:v8+s15+$0x0], $0xffff  }
0x4ae: {  	_ =	sdelay $0x3  }
0x4af: {  	s25 =	simm.s32 $0x7;
	v13 =	vld.idx.msk [tilespmem:v10+s15+$0x0], $0xffff  }
0x4b0: {  	s30 =	simm.s32 $0x5;
	v14 =	vadd.s32 s25, v6;
	v9 =	vshrl.u32 v9, $0x14  }
0x4b1: {  	v16 =	vld.idx.msk [tilespmem:v7+s15+$0x0], $0xffff;
	v7 =	vadd.s32 s24, v6;
	s31 =	simm.s32 $0x6;
	v17 =	vadd.s32 s30, v6;
	v11 =	vand.u32 $0xFF0, v9  }
0x4b2: {  	p4 =	sgt.u32 s21, $0x8;
	v10 =	vadd.s32 s31, v6;
	v8 =	vshrl.u32 v8, $0x14;
	v12 =	vor.u32 v0, v11  }
.Ltmp90:
0x4b3: {  	v9 =	vand.u32 $0xF80, v9;
	v11 =	vand.u32 $0xFF0, v8;
	v15 =	vand.u32 $0x7F, v12;
	(pc) =	sbr.rel @!p4 .LBB2_173-.Ltmp90, $4  }
0x4b4: {  	v19 =	vshrl.u32 v13, $0x14;
	v11 =	vor.u32 v0, v11;
	v15 =	vor.u32 v9, v15  }
0x4b5: {  	v8 =	vand.u32 $0xF80, v8;
	v18 =	vand.u32 $0xFF0, v19;
	v13 =	vand.u32 $0x7F, v11;
	v9 =	vld.idx.msk [tilespmem:v14+s15+$0x0], $0xffff  }
0x4b6: {  	v16 =	vshrl.u32 v16, $0x14;
	v14 =	vor.u32 v8, v13;
	v13 =	vor.u32 v0, v18  }
0x4b7: {  	p3 =	por $0x1, $0x1;
	s24 =	simm.s32 $0x10120;
	s25 =	simm.s32 $0x8;
	v19 =	vand.u32 $0xF80, v19;
	v8 =	vld.idx.msk [tilespmem:v17+s15+$0x0], $0xffff;
	v17 =	vand.u32 $0xFF0, v16;
	v18 =	vand.u32 $0x7F, v13  }
.LBB2_174:
0x4b8: {  	s26 =	sadd.s32 $0x3, s25;
	v20 =	vld.idx.msk [tilespmem:v10+s15+$0x0], $0xffff;
	v17 =	vor.u32 v0, v17;
	v18 =	vor.u32 v19, v18;
	[tilespmem:s24+$0x10] =	vst v12;
	s28 =	smov.u32 s25;
	s25 =	sadd.s32 $0x4, s25  }
0x4b9: {  	v12 =	vand.u32 $0xF80, v16;
	v19 =	vadd.s32 s26, v6;
	p4 =	slt.u32 s25, s21;
	v10 =	vand.u32 $0x7F, v17;
	[tilespmem:v15+s10+$0x0] =	vst.idx.add.s32.msk $0xffff, v2  }
0x4ba: {  	s26 =	sadd.s32 $0x1, s28;
	v9 =	vshrl.u32 v9, $0x14;
	v16 =	vld.idx.msk [tilespmem:v7+s15+$0x0], $0xffff;
	v21 =	vor.u32 v12, v10;
	[tilespmem:s24+$0xFFFFFFF0] =	vst v11  }
0x4bb: {  	v7 =	vadd.s32 s28, v6;
	v22 =	vadd.s32 s26, v6;
	s26 =	sadd.s32 $0x2, s28;
	v11 =	vand.u32 $0xFF0, v9;
	[tilespmem:v14+s10+$0x0] =	vst.idx.add.s32.msk $0xffff, v2  }
0x4bc: {  	v10 =	vadd.s32 s26, v6;
	v8 =	vshrl.u32 v8, $0x14;
	v12 =	vor.u32 v0, v11;
	[tilespmem:s24+$0x0] =	vst v13  }
.Ltmp91:
0x4bd: {  	v14 =	vand.u32 $0xF80, v9;
	v11 =	vand.u32 $0xFF0, v8;
	v13 =	vand.u32 $0x7F, v12;
	[tilespmem:v18+s10+$0x0] =	vst.idx.add.s32.msk $0xffff, v2;
	(pc) =	sbr.rel @p4 .LBB2_174-.Ltmp91, $4  }
0x4be: {  	v11 =	vor.u32 v0, v11;
	v15 =	vor.u32 v14, v13;
	v9 =	vld.idx.msk [tilespmem:v19+s15+$0x0], $0xffff;
	v19 =	vshrl.u32 v20, $0x14;
	[tilespmem:s24+$0xFFFFFFE0] =	vst v17  }
0x4bf: {  	v14 =	vand.u32 $0xF80, v8;
	v13 =	vand.u32 $0x7F, v11;
	v17 =	vand.u32 $0xFF0, v19;
	[tilespmem:v21+s10+$0x0] =	vst.idx.add.s32.msk $0xffff, v2  }
0x4c0: {  	v16 =	vshrl.u32 v16, $0x14;
	v14 =	vor.u32 v14, v13;
	v8 =	vld.idx.msk [tilespmem:v22+s15+$0x0], $0xffff;
	v13 =	vor.u32 v0, v17  }
0x4c1: {  	s24 =	sadd.s32 $0x40, s24;
	v19 =	vand.u32 $0xF80, v19;
	v17 =	vand.u32 $0xFF0, v16;
	v18 =	vand.u32 $0x7F, v13  }
.LBB2_175:
0x4c2: {  	_ =	sdelay $0x3  }
0x4c3: {  	v10 =	vld.idx.msk [tilespmem:v10+s15+$0x0], $0xffff  }
0x4c4: {  	[tilespmem:s24+$0x10] =	vst @p3 v12;
	v12 =	vor.u32 @p3 v0, v17;
	v7 =	vld.idx.msk [tilespmem:v7+s15+$0x0], $0xffff  }
0x4c5: {  	v16 =	vand.u32 @p3 $0xF80, v16;
	[tilespmem:v15+s10+$0x0] =	vst.idx.add.s32.msk @p3 $0xffff, v2;
	v9 =	vshrl.u32 v9, $0x14;
	v15 =	vand.u32 @p3 $0x7F, v12  }
0x4c6: {  	v17 =	vor.u32 @p3 v19, v18;
	[tilespmem:s24+$0xFFFFFFF0] =	vst @p3 v11;
	v54 =	vand.u32 $0xFF0, v9;
	v15 =	vor.u32 @p3 v16, v15  }
0x4c7: {  	[tilespmem:s24+$0x0] =	vst @p3 v13;
	v9 =	vand.u32 $0xF80, v9;
	v8 =	vshrl.u32 v8, $0x14;
	v55 =	vor.u32 v0, v54  }
0x4c8: {  	[tilespmem:s24+$0xFFFFFFE0] =	vst @p3 v12;
	s24 =	sadd.s32 @p3 $0x40, s24;
	v56 =	vand.u32 $0xFF0, v8;
	v57 =	vand.u32 $0x7F, v55;
	v8 =	vand.u32 $0xF80, v8  }
0x4c9: {  	[tilespmem:v14+s10+$0x0] =	vst.idx.add.s32.msk @p3 $0xffff, v2;
	s23 =	smov.u32 @p3 s24;
	v58 =	vor.u32 v0, v56;
	v10 =	vshrl.u32 v10, $0x14;
	v9 =	vor.u32 v9, v57  }
0x4ca: {  	[tilespmem:s23+$0x10] =	vst v55;
	v7 =	vshrl.u32 v7, $0x14;
	v14 =	vand.u32 $0x7F, v58;
	v59 =	vand.u32 $0xFF0, v10  }
0x4cb: {  	[tilespmem:v17+s10+$0x0] =	vst.idx.add.s32.msk @p3 $0xffff, v2;
	v61 =	vand.u32 $0xFF0, v7;
	v10 =	vand.u32 $0xF80, v10;
	v60 =	vor.u32 v0, v59  }
0x4cc: {  	[tilespmem:s23+$0xFFFFFFF0] =	vst v58;
	v8 =	vor.u32 v8, v14;
	v14 =	vor.u32 v0, v61;
	v62 =	vand.u32 $0x7F, v60  }
0x4cd: {  	v7 =	vand.u32 $0xF80, v7;
	[tilespmem:v15+s10+$0x0] =	vst.idx.add.s32.msk @p3 $0xffff, v2;
	v63 =	vand.u32 $0x7F, v14;
	v10 =	vor.u32 v10, v62  }
0x4ce: {  	[tilespmem:s23+$0x0] =	vst v60;
	v7 =	vor.u32 v7, v63  }
0x4cf: {  	[tilespmem:s23+$0xFFFFFFE0] =	vst v14  }
0x4d0: {  	[tilespmem:v9+s10+$0x0] =	vst.idx.add.s32.msk $0xffff, v2  }
0x4d1: {  	[tilespmem:v8+s10+$0x0] =	vst.idx.add.s32.msk $0xffff, v2  }
0x4d2: {  	[tilespmem:v10+s10+$0x0] =	vst.idx.add.s32.msk $0xffff, v2  }
0x4d3: {  	[tilespmem:v7+s10+$0x0] =	vst.idx.add.s32.msk $0xffff, v2  }
.LBB2_167:
.Ltmp92:
0x4d4: {  	(pc) =	sbr.rel @!p1 .LBB2_168-.Ltmp92, $1  }
0x4d5: {  	_ =	sdelay $0x3  }
0x4d6: {  	s23 =	sshll.u32 s22, $0x2  }
0x4d7: {  	s23 =	sshra.s32 s23, $0x2  }
0x4d8: {  	s23 =	sand.u32 $0xFFFFFFC0, s23  }
0x4d9: {  	s24 =	smov.u32 s21;
	s23 =	sadd.s32 $0x10100, s23  }
.LBB2_177:
0x4da: {  	v7 =	vadd.s32 s24, v6;
	_ =	sdelay $0x4  }
0x4db: {  	v7 =	vld.idx.msk [tilespmem:v7+s15+$0x0], $0xffff;
	_ =	sdelay $0x4  }
0x4dc: {  	v7 =	vshrl.u32 v7, $0x14  }
0x4dd: {  	v8 =	vand.u32 $0xFF0, v7  }
0x4de: {  	v8 =	vor.u32 v0, v8  }
0x4df: {  	s24 =	sadd.s32 $0x1, s24;
	v7 =	vand.u32 $0xF80, v7;
	v9 =	vand.u32 $0x7F, v8  }
0x4e0: {  	p1 =	slt.u32 s24, s20;
	v7 =	vor.u32 v7, v9  }
.Ltmp93:
0x4e1: {  	_ = 	snop;
	(pc) =	sbr.rel @p1 .LBB2_177-.Ltmp93, $3  }
0x4e2: {  	_ =	sdelay $0x1  }
0x4e3: {  	[tilespmem:s23+$0x0] =	vst v8  }
0x4e4: {  	s23 =	sadd.s32 $0x10, s23;
	[tilespmem:v7+s10+$0x0] =	vst.idx.add.s32.msk $0xffff, v2  }
.LBB2_168:
0x4e5: {  	s24 =	simm.s32 $0xA120  }
0x4e6: {  	v10 =	vld [tilespmem:s24+$0x10]  }
0x4e7: {  	v11 =	vld [tilespmem:s24+$0xFFFFFFF0];
	_ =	sdelay $0x2  }
0x4e8: {  	v13 =	vld [tilespmem:s24+$0x0]  }
0x4e9: {  	v15 =	vld [tilespmem:s24+$0xFFFFFFE0];
	(xrf0) =	vadd.scan.msk.s32 $0xffff, v10  }
0x4ea: {  	(xrf0) =	vadd.scan.msk.s32 $0xffff, v11;
	_ =	sdelay $0x2  }
0x4eb: {  	s25 =	simm.s32 $0xA160;
	(xrf0) =	vadd.scan.msk.s32 $0xffff, v13  }
0x4ec: {  	v9 =	vld [tilespmem:s25+$0x10];
	(xrf0) =	vadd.scan.msk.s32 $0xffff, v15  }
0x4ed: {  	v8 =	vld [tilespmem:s25+$0xFFFFFFF0];
	v14, _, _ =	vpop (xrf0)  }
0x4ee: {  	v7 =	vld [tilespmem:s25+$0x0];
	v10 =	vsub.s32 v14, v10;
	v12, _, _ =	vpop (xrf0)  }
0x4ef: {  	v16 =	vsub.s32 v12, v11;
	v11 =	vld [tilespmem:s25+$0xFFFFFFE0];
	_ =	sdelay $0x1  }
0x4f0: {  	s23 =	simm.s32 $0x14120;
	(xrf0) =	vadd.scan.msk.s32 $0xffff, v9;
	[tilespmem:s24+$0x10] =	vst v10;
	v10, _, _ =	vpop (xrf0)  }
0x4f1: {  	(xrf0) =	vadd.scan.msk.s32 $0xffff, v8;
	[tilespmem:s23+$0x10] =	vst v14;
	v14, _, _ =	vpop (xrf0)  }
0x4f2: {  	s26 =	simm.s32 $0x4;
	s28 =	simm.s32 $0xA1A0;
	[tilespmem:s24+$0xFFFFFFF0] =	vst v16;
	(xrf0) =	vadd.scan.msk.s32 $0xffff, v7;
	v13 =	vsub.s32 v10, v13;
	v15 =	vsub.s32 v14, v15  }
.LBB2_169:
0x4f3: {  	v16 =	vld [tilespmem:s28+$0x10];
	(xrf0) =	vadd.scan.msk.s32 $0xffff, v11;
	[tilespmem:s24+$0xFFFFFFE0] =	vst v15;
	v15 =	vmov v11  }
0x4f4: {  	s26 =	sadd.s32 $0x4, s26;
	v17 =	vld [tilespmem:s28+$0xFFFFFFF0];
	[tilespmem:s23+$0xFFFFFFE0] =	vst v14  }
0x4f5: {  	p1 =	slt.u32 s26, $0xFC;
	v18 =	vld [tilespmem:s28+$0x0];
	[tilespmem:s23+$0xFFFFFFF0] =	vst v12  }
.Ltmp94:
0x4f6: {  	v11 =	vld [tilespmem:s28+$0xFFFFFFE0];
	v14, _, _ =	vpop (xrf0);
	[tilespmem:s24+$0x0] =	vst v13;
	s24 =	smov.u32 s25;
	s25 =	smov.u32 s28;
	(pc) =	sbr.rel @p1 .LBB2_169-.Ltmp94, $4  }
0x4f7: {  	v13 =	vsub.s32 v14, v9;
	v12, _, _ =	vpop (xrf0);
	[tilespmem:s23+$0x0] =	vst v10  }
0x4f8: {  	s23 =	sadd.s32 $0x40, s23;
	(xrf0) =	vadd.scan.msk.s32 $0xffff, v16;
	v19 =	vsub.s32 v12, v8;
	[tilespmem:s24+$0x10] =	vst v13;
	v10, _, _ =	vpop (xrf0);
	v9 =	vmov v16  }
0x4f9: {  	(xrf0) =	vadd.scan.msk.s32 $0xffff, v17;
	v13 =	vsub.s32 v10, v7;
	[tilespmem:s23+$0x10] =	vst v14;
	v14, _, _ =	vpop (xrf0);
	v8 =	vmov v17  }
0x4fa: {  	s28 =	sadd.s32 $0x40, s28;
	(xrf0) =	vadd.scan.msk.s32 $0xffff, v18;
	v15 =	vsub.s32 v14, v15;
	[tilespmem:s24+$0xFFFFFFF0] =	vst v19;
	v7 =	vmov v18  }
0x4fb: {  	[tilespmem:s24+$0xFFFFFFE0] =	vst v15  }
0x4fc: {  	[tilespmem:s23+$0xFFFFFFF0] =	vst v12  }
0x4fd: {  	(xrf0) =	vadd.scan.msk.s32 $0xffff, v11;
	[tilespmem:s24+$0x0] =	vst v13  }
0x4fe: {  	[tilespmem:s23+$0xFFFFFFE0] =	vst v14;
	v59, _, _ =	vpop (xrf0)  }
0x4ff: {  	[tilespmem:s23+$0x0] =	vst v10;
	v9 =	vsub.s32 v59, v9  }
0x500: {  	s26 =	sadd.s32 $0x40, s23;
	v60, _, _ =	vpop (xrf0);
	[tilespmem:s25+$0x10] =	vst v9  }
0x501: {  	v8 =	vsub.s32 v60, v8;
	[tilespmem:s26+$0x10] =	vst v59  }
0x502: {  	p4 =	por $0x0, $0x0;
	v61, _, _ =	vpop (xrf0);
	[tilespmem:s25+$0xFFFFFFF0] =	vst v8  }
.Ltmp95:
0x503: {  	v62, _, _ =	vpop (xrf0);
	v7 =	vsub.s32 v61, v7;
	[tilespmem:s26+$0xFFFFFFF0] =	vst v60;
	(pc) =	sbr.rel @p4 .LBB2_171-.Ltmp95, $4  }
0x504: {  	v63 =	vsub.s32 v62, v11;
	[tilespmem:s25+$0x0] =	vst v7  }
0x505: {  	[tilespmem:s25+$0xFFFFFFE0] =	vst v63  }
0x506: {  	s24 =	simm.s32 $0x0;
	p1 =	por $0x0, $0x0;
	[tilespmem:s26+$0x0] =	vst v61  }
0x507: {  	p3 =	por $0x0, $0x0;
	s23 =	simm.s32 $0x15100;
	v7 =	vor.u32 s24, v3;
	s25 =	simm.s32 $0x100;
	[tilespmem:s26+$0xFFFFFFE0] =	vst v62  }
0x508: {  	_ =	sdelay $0x3  }
0x509: {  	v8 =	vld.idx.msk [tilespmem:v7+s11+$0x0], $0xffff;
	_ =	sdelay $0x4  }
0x50a: {  	(xrf0) =	vadd.scan.msk.s32 $0xffff, v8  }
0x50b: {  	p4 =	por $0x0, $0x0  }
.Ltmp96:
0x50c: {  	_ = 	snop;
	(pc) =	sbr.rel @p4 .LBB2_179-.Ltmp96, $2  }
0x50d: {  	_ =	sdelay $0x2  }
0x50e: {  	v7 =	vor.u32 s25, v3;
	s25 =	simm.s32 $0x200;
	p1 =	por $0x1, $0x1;
	v9, _, _ =	vpop (xrf0)  }
0x50f: {  	(v2sf) =	vpush v9, $0xF;
	_ =	sdelay $0x1  }
0x510: {  	v8 =	vsub.s32 s24, v8  }
0x511: {  	v8 =	vadd.s32 v9, v8  }
0x512: {  	[tilespmem:s23+$0x0] =	vst v8  }
0x513: {  	v8 =	vld.idx.msk [tilespmem:v7+s11+$0x0], $0xffff;
	_ =	sdelay $0x4  }
0x514: {  	(xrf0) =	vadd.scan.msk.s32 $0xffff, v8  }
0x515: {  	p4 =	por $0x0, $0x0  }
.Ltmp97:
0x516: {  	_ = 	snop;
	(pc) =	sbr.rel @p4 .LBB2_181-.Ltmp97, $3  }
0x517: {  	_ =	sdelay $0x1  }
0x518: {  	s28 =	simm.s32 $0x300;
	s26 =	spop (v2sf)  }
0x519: {  	p3 =	por $0x1, $0x1;
	v7 =	vor.u32 s25, v3;
	v9, _, _ =	vpop (xrf0);
	s25 =	sadd.s32 $0x0, s26;
	s26 =	simm.s32 $0x15100  }
.LBB2_182:
0x51a: {  	p4 =	seq.s32 s28, $0xF00;
	v8 =	vsub.s32 s25, v8;
	(v2sf) =	vpush v9, $0xF  }
0x51b: {  	s26 =	sadd.s32 $0x10, s26;
	v8 =	vadd.s32 v9, v8  }
0x51c: {  	[tilespmem:s26+$0x0] =	vst v8;
	_ =	sdelay $0x1  }
0x51d: {  	v8 =	vld.idx.msk [tilespmem:v7+s11+$0x0], $0xffff;
	_ =	sdelay $0x5  }
0x51e: {  	(xrf0) =	vadd.scan.msk.s32 $0xffff, v8;
	_ =	sdelay $0x1  }
.Ltmp98:
0x51f: {  	(pc) =	sbr.rel @!p4 .LBB2_182-.Ltmp98, $3  }
0x520: {  	_ =	sdelay $0x1  }
0x521: {  	s29 =	spop (v2sf)  }
0x522: {  	v7 =	vor.u32 s28, v3;
	s28 =	sadd.s32 $0x100, s28;
	v9, _, _ =	vpop (xrf0);
	s25 =	sadd.s32 s25, s29  }
.LBB2_183:
0x523: {  	_ = 	snop  }
0x524: {  	v8 =	vsub.s32 @p1 s25, v8;
	s26 =	sadd.s32 @p3 $0x10, s26;
	s28 =	simm.s32 $0x15100  }
0x525: {  	v8 =	vadd.s32 @p1 v9, v8;
	s28 =	smov.u32 @p3 s26  }
0x526: {  	[tilespmem:s28+$0x0] =	vst @p1 v8  }
0x527: {  	v7 =	vld.idx.msk [tilespmem:v7+s11+$0x0], $0xffff;
	_ =	sdelay $0x4  }
0x528: {  	(v2sf) =	vpush @p1 v9, $0xF;
	(xrf0) =	vadd.scan.msk.s32 $0xffff, v7;
	_ =	sdelay $0x5  }
0x529: {  	v8, _, _ =	vpop (xrf0)  }
0x52a: {  	(v2sf) =	vpush v8, $0xF;
	_ =	sdelay $0x7  }
0x52b: {  	s26 =	spop @p1 (v2sf)  }
0x52c: {  	s25 =	sadd.s32 @p1 s25, s26;
	s26 =	simm.s32 $0x0  }
0x52d: {  	p4 =	por $0x1, $0x1;
	s26 =	smov.u32 @p1 s25  }
.Ltmp99:
0x52e: {  	s25 =	sadd.s32 @p1 $0x10, s28;
	v7 =	vsub.s32 s26, v7;
	(pc) =	sbr.rel @!p4 .LBB2_184-.Ltmp99, $4  }
0x52f: {  	s23 =	smov.u32 @p1 s25;
	v7 =	vadd.s32 v8, v7  }
0x530: {  	s30 =	simm.s32 $0x3;
	s31 =	simm.s32 $0x1;
	[tilespmem:s23+$0x0] =	vst v7;
	v7 =	vmov s24  }
0x531: {  	p3 =	por $0x0, $0x0;
	s25 =	simm.s32 $0x2;
	p1 =	por $0x0, $0x0;
	v7 =	vand.u32 $0xFFFFFFFC, v7  }
0x532: {  	v15 =	vmov s31;
	v8 =	vmov s30;
	s23 =	simm.s32 $0xA120;
	s24 =	simm.s32 $0x4;
	v7 =	vbroadcast v7, $0x0;
	s29 =	spop (v2sf)  }
0x533: {  	v9 =	vand.u32 $0xFFFFFFFD, v15  }
0x534: {  	v11 =	vbroadcast v9, $0x0;
	_ =	sdelay $0x4  }
0x535: {  	p4 =	por $0x1, $0x1  }
.Ltmp100:
0x536: {  	v9 =	vmov s25;
	v13 =	vld.idx.msk [tilespmem:v11+s12+$0x0], $0xffff;
	(pc) =	sbr.rel @!p4 .LBB2_189-.Ltmp100, $4  }
0x537: {  	v10 =	vand.u32 $0xFFFFFFFE, v9;
	v9 =	vld.idx.msk [tilespmem:v8+s12+$0x0], $0xffff  }
0x538: {  	v12 =	vmov s24;
	s31 =	simm.s32 $0x5  }
0x539: {  	s30 =	simm.s32 $0x7;
	v12 =	vand.u32 $0xFFFFFFFC, v12;
	v15 =	vmov s31  }
0x53a: {  	s24 =	simm.s32 $0x8;
	p1 =	por $0x1, $0x1;
	v14 =	vld.idx.msk [tilespmem:v7+s12+$0x0], $0xffff;
	s25 =	simm.s32 $0x6;
	v8 =	vmov s30;
	v7 =	vbroadcast v12, $0x0;
	v10 =	vbroadcast v10, $0x0  }
0x53b: {  	_ =	sdelay $0x4  }
0x53c: {  	v11 =	vand.u32 $0xFFFFFFFD, v15;
	v15 =	vld.idx.msk [tilespmem:v10+s12+$0x0], $0xffff;
	v10 =	vmov s25  }
0x53d: {  	v19 =	vld [tilespmem:s23+$0x0];
	v16 =	vbroadcast v11, $0x0;
	v10 =	vand.u32 $0xFFFFFFFE, v10  }
0x53e: {  	v20 =	vld [tilespmem:s23+$0xFFFFFFE0];
	p4 =	por $0x1, $0x1;
	v10 =	vbroadcast v10, $0x0  }
.Ltmp101:
0x53f: {  	v11 =	vld [tilespmem:s23+$0xFFFFFFF0];
	(pc) =	sbr.rel @!p4 .LBB2_191-.Ltmp101, $4  }
0x540: {  	v12 =	vld [tilespmem:s23+$0x10]  }
0x541: {  	v18 =	vmov s24;
	s31 =	simm.s32 $0xB;
	v17 =	vld.idx.msk [tilespmem:v8+s12+$0x0], $0xffff  }
0x542: {  	s26 =	simm.s32 $0x9;
	s28 =	simm.s32 $0xC;
	p3 =	por $0x1, $0x1;
	v21 =	vand.u32 $0xFFFFFFFC, v18;
	v8 =	vmov s31;
	v18 =	vld.idx.msk [tilespmem:v7+s12+$0x0], $0xffff;
	v22 =	vadd.s32 v15, v19  }
0x543: {  	s24 =	simm.s32 $0xA120;
	s25 =	simm.s32 $0xA;
	v7 =	vbroadcast v21, $0x0;
	v15 =	vmov s26;
	s26 =	simm.s32 $0xA120;
	v19 =	vld.idx.msk [tilespmem:v16+s12+$0x0], $0xffff;
	v16 =	vadd.s32 v14, v20;
	[tilespmem:s23+$0x0] =	vst v22  }
.LBB2_192:
0x544: {  	p4 =	slt.u32 s28, $0xFC;
	v14 =	vand.u32 $0xFFFFFFFD, v15;
	v15 =	vmov s25;
	v20 =	vld.idx.msk [tilespmem:v10+s12+$0x0], $0xffff;
	[tilespmem:s24+$0xFFFFFFE0] =	vst v16;
	v10 =	vadd.s32 v13, v11;
	s26 =	sadd.s32 $0x40, s26  }
0x545: {  	v14 =	vbroadcast v14, $0x0;
	v11 =	vand.u32 $0xFFFFFFFE, v15;
	v15 =	vld [tilespmem:s26+$0x0];
	[tilespmem:s24+$0xFFFFFFF0] =	vst v10;
	v12 =	vadd.s32 v9, v12  }
0x546: {  	v10 =	vbroadcast v11, $0x0;
	v16 =	vld [tilespmem:s26+$0xFFFFFFE0];
	[tilespmem:s24+$0x10] =	vst v12;
	s24 =	smov.u32 s26  }
.Ltmp102:
0x547: {  	v9 =	vmov v17;
	v11 =	vld [tilespmem:s26+$0xFFFFFFF0];
	(pc) =	sbr.rel @p4 .LBB2_192-.Ltmp102, $4  }
0x548: {  	v21 =	vmov v18;
	v12 =	vld [tilespmem:s26+$0x10]  }
0x549: {  	s25 =	sadd.s32 $0x3, s28;
	v18 =	vmov s28;
	v13 =	vmov v19;
	v17 =	vld.idx.msk [tilespmem:v8+s12+$0x0], $0xffff  }
0x54a: {  	s29 =	sadd.s32 $0x1, s28;
	v19 =	vand.u32 $0xFFFFFFFC, v18;
	v8 =	vmov s25;
	v18 =	vld.idx.msk [tilespmem:v7+s12+$0x0], $0xffff;
	v20 =	vadd.s32 v20, v15  }
0x54b: {  	s25 =	sadd.s32 $0x2, s28;
	s28 =	sadd.s32 $0x4, s28;
	v7 =	vbroadcast v19, $0x0;
	v15 =	vmov s29;
	v19 =	vld.idx.msk [tilespmem:v14+s12+$0x0], $0xffff;
	v16 =	vadd.s32 v21, v16;
	[tilespmem:s26+$0x0] =	vst v20  }
0x54c: {  	_ =	sdelay $0x3  }
0x54d: {  	v20 =	vmovc v13;
	v21 =	vmovc v9;
	v9 =	vmov v17;
	v14 =	vmov v18;
	v13 =	vmov v19  }
.LBB2_194:
0x54e: {  	_ =	sdelay $0x3  }
0x54f: {  	v10 =	vld.idx.msk @p1 [tilespmem:v10+s12+$0x0], $0xffff  }
0x550: {  	s26 =	sadd.s32 @p3 $0x40, s26;
	s28 =	simm.s32 $0xA120;
	v8 =	vld.idx.msk [tilespmem:v8+s12+$0x0], $0xffff  }
0x551: {  	v7 =	vld.idx.msk [tilespmem:v7+s12+$0x0], $0xffff;
	s28 =	smov.u32 @p3 s26  }
0x552: {  	v17 =	vmov s25;
	v15 =	vand.u32 $0xFFFFFFFD, v15;
	v18 =	vld @p1 [tilespmem:s28+$0x0]  }
0x553: {  	v15 =	vbroadcast v15, $0x0;
	v17 =	vand.u32 $0xFFFFFFFE, v17;
	v19 =	vld @p1 [tilespmem:s28+$0xFFFFFFE0]  }
0x554: {  	v17 =	vbroadcast v17, $0x0;
	v22 =	vld @p1 [tilespmem:s28+$0xFFFFFFF0];
	s25 =	sadd.s32 @p1 $0x40, s28  }
0x555: {  	v23 =	vld @p1 [tilespmem:s28+$0x10];
	s23 =	smov.u32 @p1 s25  }
0x556: {  	v11 =	vadd.s32 @p3 v20, v11;
	v59 =	vld [tilespmem:s23+$0x0]  }
0x557: {  	[tilespmem:s24+$0xFFFFFFF0] =	vst @p3 v11;
	v11 =	vadd.s32 @p3 v21, v12;
	v60 =	vld [tilespmem:s23+$0xFFFFFFE0]  }
0x558: {  	[tilespmem:s24+$0xFFFFFFE0] =	vst @p3 v16;
	v9 =	vpsel p1, v9, v0;
	v12 =	vmov @p1 v14;
	v61 =	vld [tilespmem:s23+$0xFFFFFFF0]  }
0x559: {  	[tilespmem:s24+$0x10] =	vst @p3 v11;
	s24 =	smov.u32 @p1 s28;
	v15 =	vld.idx.msk [tilespmem:v15+s12+$0x0], $0xffff;
	v10 =	vadd.s32 @p1 v10, v18;
	v12 =	vadd.s32 @p1 v12, v19  }
0x55a: {  	s24 =	smov.u32 @p1 s24;
	v11 =	vmov @p1 v13;
	v18 =	vpsel p1, v23, v0;
	v58 =	vld.idx.msk [tilespmem:v17+s12+$0x0], $0xffff;
	[tilespmem:s28+$0x0] =	vst @p1 v10;
	v10 =	vpsel p1, v12, v0  }
0x55b: {  	v62 =	vld [tilespmem:s23+$0x10];
	v11 =	vpsel p1, v11, v0;
	v12 =	vpsel p1, v22, v0;
	v9 =	vadd.s32 @p1 v9, v18;
	[tilespmem:s24+$0xFFFFFFE0] =	vst @p1 v10  }
0x55c: {  	v10 =	vadd.s32 @p1 v11, v12;
	[tilespmem:s24+$0x10] =	vst @p1 v9  }
0x55d: {  	v7 =	vadd.s32 v7, v60;
	[tilespmem:s24+$0xFFFFFFF0] =	vst @p1 v10  }
0x55e: {  	[tilespmem:s23+$0xFFFFFFE0] =	vst v7;
	v7 =	vadd.s32 v15, v61  }
0x55f: {  	v63 =	vadd.s32 v58, v59;
	[tilespmem:s23+$0xFFFFFFF0] =	vst v7  }
0x560: {  	v7 =	vadd.s32 v8, v62;
	[tilespmem:s23+$0x0] =	vst v63  }
0x561: {  	[tilespmem:s23+$0x10] =	vst v7  }
.Ltmp103:
0x562: {  	(pc) =	sbr.rel @p2 .LBB2_202-.Ltmp103, $1  }
0x563: {  	_ =	sdelay $0x3  }
0x564: {  	p2 =	seq.s32 s20, $0x1  }
.Ltmp104:
0x565: {  	_ = 	snop;
	(pc) =	sbr.rel @p2 .LBB2_187-.Ltmp104, $3  }
0x566: {  	_ =	sdelay $0x1  }
0x567: {  	s24 =	simm.s32 $0x10100  }
0x568: {  	s23 =	simm.s32 $0x12100;
	p1 =	por $0x0, $0x0;
	v7 =	vld [tilespmem:s24+$0x0];
	s24 =	sadd.s32 $0xFFFFFFFF, s20  }
0x569: {  	_ =	sdelay $0x7  }
0x56a: {  	v8 =	vld.idx.msk [tilespmem:v7+s10+$0x0], $0xffff;
	_ =	sdelay $0x3  }
0x56b: {  	p2 =	seq.s32 s24, $0x1  }
.Ltmp105:
0x56c: {  	v9 =	vadd.s32 $0x1, v8;
	(pc) =	sbr.rel @p2 .LBB2_199-.Ltmp105, $4  }
0x56d: {  	[tilespmem:v7+s10+$0x0] =	vst.idx.msk $0xffff, v9  }
0x56e: {  	s25 =	simm.s32 $0x10110;
	[tilespmem:s23+$0x0] =	vst v8  }
0x56f: {  	v7 =	vld [tilespmem:s25+$0x0]  }
0x570: {  	s26 =	sadd.s32 $0xFFFFFFFF, s24;
	p1 =	por $0x1, $0x1;
	s24 =	simm.s32 $0x12100  }
.LBB2_200:
0x571: {  	p2 =	seq.s32 s26, $0x1;
	_ =	sdelay $0x5  }
0x572: {  	v8 =	vld.idx.msk [tilespmem:v7+s10+$0x0], $0xffff;
	_ =	sdelay $0x5  }
.Ltmp106:
0x573: {  	v9 =	vadd.s32 $0x1, v8;
	(pc) =	sbr.rel @!p2 .LBB2_200-.Ltmp106, $4  }
0x574: {  	s24 =	sadd.s32 $0x10, s24;
	[tilespmem:v7+s10+$0x0] =	vst.idx.msk $0xffff, v9  }
0x575: {  	s25 =	sadd.s32 $0x10, s25;
	[tilespmem:s24+$0x0] =	vst v8  }
0x576: {  	v7 =	vld [tilespmem:s25+$0x0]  }
0x577: {  	s26 =	sadd.s32 $0xFFFFFFFF, s26  }
.LBB2_201:
0x578: {  	_ =	sdelay $0x6  }
0x579: {  	v8 =	vld.idx.msk [tilespmem:v7+s10+$0x0], $0xffff;
	_ =	sdelay $0x4  }
0x57a: {  	s24 =	sadd.s32 @p1 $0x10, s24;
	v9 =	vadd.s32 $0x1, v8  }
0x57b: {  	s23 =	smov.u32 @p1 s24;
	[tilespmem:v7+s10+$0x0] =	vst.idx.msk $0xffff, v9  }
0x57c: {  	[tilespmem:s23+$0x0] =	vst v8  }
.Ltmp107:
0x57d: {  	(pc) =	sbr.rel @p0 .LBB2_202-.Ltmp107, $1  }
0x57e: {  	_ =	sdelay $0x3  }
0x57f: {  	s24 =	simm.s32 $0x0  }
0x580: {  	s30 =	simm.s32 $0x1;
	v7 =	vadd.s32 s24, v6  }
0x581: {  	s31 =	simm.s32 $0x2;
	v23 =	vadd.s32 s30, v6  }
0x582: {  	s23 =	simm.s32 $0x12120;
	p2 =	sgt.u32 s21, $0x4;
	v24 =	vadd.s32 s31, v6  }
.Ltmp108:
0x583: {  	v9 =	vld [tilespmem:s23+$0x10];
	(pc) =	sbr.rel @!p2 .LBB2_197-.Ltmp108, $4  }
0x584: {  	v10 =	vld [tilespmem:s23+$0xFFFFFFE0]  }
0x585: {  	v15 =	vld.idx.msk [tilespmem:v7+s15+$0x0], $0xffff  }
0x586: {  	s25 =	simm.s32 $0x3;
	v11 =	vld.idx.msk [tilespmem:v23+s15+$0x0], $0xffff  }
0x587: {  	p0 =	por $0x0, $0x0;
	p1 =	por $0x0, $0x0;
	s24 =	simm.s32 $0x4;
	v12 =	vadd.s32 s25, v6;
	v13 =	vld.idx.msk [tilespmem:v24+s15+$0x0], $0xffff  }
0x588: {  	_ =	sdelay $0x3  }
0x589: {  	v17 =	vld.idx.msk [tilespmem:v12+s15+$0x0], $0xffff  }
0x58a: {  	v29 =	vadd.s32 s24, v6;
	v27 =	vld [tilespmem:s23+$0xFFFFFFF0]  }
0x58b: {  	s29 =	simm.s32 $0x5;
	v8 =	vld [tilespmem:s23+$0x0]  }
0x58c: {  	s23 =	simm.s32 $0x12160;
	v16 =	vadd.s32 s29, v6  }
0x58d: {  	s30 =	simm.s32 $0x6;
	v20 =	vld [tilespmem:s23+$0x10]  }
0x58e: {  	p2 =	sgt.u32 s21, $0x8;
	v14 =	vadd.s32 s30, v6;
	v21 =	vld [tilespmem:s23+$0xFFFFFFE0]  }
.Ltmp109:
0x58f: {  	[tilespmem:v10+s16+$0x0] =	vst.idx.msk $0xffff, v15;
	v30 =	vld.idx.msk [tilespmem:v29+s15+$0x0], $0xffff;
	(pc) =	sbr.rel @!p2 .LBB2_216-.Ltmp109, $4  }
0x590: {  	[tilespmem:v9+s16+$0x0] =	vst.idx.msk $0xffff, v17;
	v17 =	vld.idx.msk [tilespmem:v7+s17+$0x0], $0xffff  }
0x591: {  	v32 =	vld.idx.msk [tilespmem:v16+s15+$0x0], $0xffff  }
0x592: {  	s31 =	simm.s32 $0x7;
	v18 =	vld.idx.msk [tilespmem:v12+s17+$0x0], $0xffff;
	[tilespmem:v27+s16+$0x0] =	vst.idx.msk $0xffff, v11  }
0x593: {  	s24 =	simm.s32 $0x8;
	p0 =	por $0x1, $0x1;
	v31 =	vld.idx.msk [tilespmem:v14+s15+$0x0], $0xffff;
	v12 =	vadd.s32 s31, v6;
	[tilespmem:v8+s16+$0x0] =	vst.idx.msk $0xffff, v13  }
0x594: {  	_ =	sdelay $0x3  }
0x595: {  	s29 =	simm.s32 $0x9;
	v13 =	vld.idx.msk [tilespmem:v12+s15+$0x0], $0xffff  }
0x596: {  	v22 =	vld [tilespmem:s23+$0xFFFFFFF0];
	v25 =	vadd.s32 s29, v6  }
0x597: {  	v28 =	vld [tilespmem:s23+$0x0]  }
0x598: {  	v23 =	vld.idx.msk [tilespmem:v23+s17+$0x0], $0xffff  }
0x599: {  	s30 =	simm.s32 $0xA;
	v19 =	vld.idx.msk [tilespmem:v24+s17+$0x0], $0xffff;
	[tilespmem:v21+s16+$0x0] =	vst.idx.msk $0xffff, v30  }
0x59a: {  	v26 =	vadd.s32 s30, v6;
	[tilespmem:v10+s18+$0x0] =	vst.idx.msk $0xffff, v17;
	v17 =	vld.idx.msk [tilespmem:v29+s17+$0x0], $0xffff  }
0x59b: {  	v7 =	vadd.s32 s24, v6;
	s31 =	simm.s32 $0xB;
	p2 =	sgt.u32 s21, $0xC;
	[tilespmem:v20+s16+$0x0] =	vst.idx.msk $0xffff, v13;
	v11 =	vld.idx.msk [tilespmem:v25+s15+$0x0], $0xffff  }
.Ltmp110:
0x59c: {  	s23 =	simm.s32 $0x121A0;
	[tilespmem:v9+s18+$0x0] =	vst.idx.msk $0xffff, v18;
	v18 =	vld.idx.msk [tilespmem:v12+s17+$0x0], $0xffff;
	v12 =	vadd.s32 s31, v6;
	(pc) =	sbr.rel @!p2 .LBB2_218-.Ltmp110, $4  }
0x59d: {  	v10 =	vld [tilespmem:s23+$0xFFFFFFE0]  }
0x59e: {  	v9 =	vld [tilespmem:s23+$0x10];
	[tilespmem:v27+s18+$0x0] =	vst.idx.msk $0xffff, v23  }
0x59f: {  	v13 =	vld.idx.msk [tilespmem:v26+s15+$0x0], $0xffff;
	[tilespmem:v22+s16+$0x0] =	vst.idx.msk $0xffff, v32  }
0x5a0: {  	s24 =	simm.s32 $0xC;
	p1 =	por $0x1, $0x1;
	v15 =	vld.idx.msk [tilespmem:v7+s15+$0x0], $0xffff;
	[tilespmem:v28+s16+$0x0] =	vst.idx.msk $0xffff, v31  }
.LBB2_219:
0x5a1: {  	v23 =	vadd.s32 s24, v6;
	s25 =	sadd.s32 $0x1, s24;
	v24 =	vld.idx.msk [tilespmem:v12+s15+$0x0], $0xffff;
	[tilespmem:v8+s18+$0x0] =	vst.idx.msk $0xffff, v19;
	v8 =	vmov v28;
	v27 =	vmov v11  }
0x5a2: {  	v11 =	vadd.s32 s25, v6;
	v29 =	vld [tilespmem:s23+$0xFFFFFFF0];
	[tilespmem:v20+s18+$0x0] =	vst.idx.msk $0xffff, v18  }
0x5a3: {  	v28 =	vld [tilespmem:s23+$0x0];
	[tilespmem:v21+s18+$0x0] =	vst.idx.msk $0xffff, v17  }
0x5a4: {  	s25 =	sadd.s32 $0x2, s24;
	v31 =	vmovc v13;
	v30 =	vld.idx.msk [tilespmem:v16+s17+$0x0], $0xffff;
	v16 =	vmov v25;
	v25 =	vmov v11;
	v20 =	vmov v9  }
0x5a5: {  	v19 =	vld.idx.msk [tilespmem:v14+s17+$0x0], $0xffff;
	v14 =	vmov v26;
	v26 =	vadd.s32 s25, v6;
	v21 =	vmov v10  }
0x5a6: {  	s25 =	sadd.s32 $0x3, s24;
	s24 =	sadd.s32 $0x4, s24;
	v32 =	vld.idx.msk [tilespmem:v23+s15+$0x0], $0xffff  }
0x5a7: {  	p2 =	slt.u32 s24, s21;
	v11 =	vld.idx.msk [tilespmem:v11+s15+$0x0], $0xffff;
	[tilespmem:v9+s16+$0x0] =	vst.idx.msk $0xffff, v24  }
.Ltmp111:
0x5a8: {  	[tilespmem:v10+s16+$0x0] =	vst.idx.msk $0xffff, v15;
	v18 =	vld.idx.msk [tilespmem:v12+s17+$0x0], $0xffff;
	v12 =	vadd.s32 s25, v6;
	(pc) =	sbr.rel @p2 .LBB2_219-.Ltmp111, $4  }
0x5a9: {  	v17 =	vld.idx.msk [tilespmem:v7+s17+$0x0], $0xffff;
	v7 =	vmov v23  }
0x5aa: {  	s23 =	sadd.s32 $0x40, s23;
	v13 =	vld.idx.msk [tilespmem:v26+s15+$0x0], $0xffff;
	[tilespmem:v29+s16+$0x0] =	vst.idx.msk $0xffff, v27  }
0x5ab: {  	v9 =	vld [tilespmem:s23+$0x10];
	[tilespmem:v28+s16+$0x0] =	vst.idx.msk $0xffff, v31  }
0x5ac: {  	v15 =	vmov v32;
	v10 =	vld [tilespmem:s23+$0xFFFFFFE0];
	[tilespmem:v22+s18+$0x0] =	vst.idx.msk $0xffff, v30;
	v22 =	vmov v29  }
0x5ad: {  	v33 =	vmovc v8;
	v8 =	vmov v28;
	v28 =	vmov v20;
	v34 =	vmov v21  }
0x5ae: {  	v35 =	vmovc v16;
	v23 =	vmovc v25;
	v25 =	vmov v14;
	v24 =	vmov v26;
	v27 =	vmov v22  }
.LBB2_221:
0x5af: {  	_ =	sdelay $0x1  }
0x5b0: {  	v16 =	vld [tilespmem:s23+$0xFFFFFFF0]  }
0x5b1: {  	v20 =	vld [tilespmem:s23+$0x0]  }
0x5b2: {  	v14 =	vld.idx.msk [tilespmem:v12+s15+$0x0], $0xffff  }
0x5b3: {  	[tilespmem:v28+s18+$0x0] =	vst.idx.msk @p0 $0xffff, v18  }
0x5b4: {  	v18 =	vld.idx.msk @p0 [tilespmem:v35+s17+$0x0], $0xffff;
	[tilespmem:v34+s18+$0x0] =	vst.idx.msk @p0 $0xffff, v17  }
0x5b5: {  	v17 =	vld.idx.msk @p0 [tilespmem:v25+s17+$0x0], $0xffff;
	[tilespmem:v10+s16+$0x0] =	vst.idx.msk $0xffff, v15  }
0x5b6: {  	[tilespmem:v33+s18+$0x0] =	vst.idx.msk @p1 $0xffff, v19;
	v7 =	vld.idx.msk [tilespmem:v7+s17+$0x0], $0xffff  }
0x5b7: {  	v8 =	vpsel p0, v8, v0;
	[tilespmem:v9+s16+$0x0] =	vst.idx.msk $0xffff, v14  }
0x5b8: {  	v62 =	vld.idx.msk [tilespmem:v12+s17+$0x0], $0xffff;
	[tilespmem:v16+s16+$0x0] =	vst.idx.msk $0xffff, v11  }
0x5b9: {  	[tilespmem:v20+s16+$0x0] =	vst.idx.msk $0xffff, v13;
	v11 =	vld.idx.msk [tilespmem:v23+s17+$0x0], $0xffff  }
0x5ba: {  	[tilespmem:v27+s18+$0x0] =	vst.idx.msk @p0 $0xffff, v18;
	v63 =	vld.idx.msk [tilespmem:v24+s17+$0x0], $0xffff  }
0x5bb: {  	v13 =	vpsel p0, v17, v0;
	[tilespmem:v10+s18+$0x0] =	vst.idx.msk $0xffff, v7  }
0x5bc: {  	[tilespmem:v8+s18+$0x0] =	vst.idx.msk @p0 $0xffff, v13  }
0x5bd: {  	[tilespmem:v9+s18+$0x0] =	vst.idx.msk $0xffff, v62  }
0x5be: {  	[tilespmem:v16+s18+$0x0] =	vst.idx.msk $0xffff, v11  }
0x5bf: {  	[tilespmem:v20+s18+$0x0] =	vst.idx.msk $0xffff, v63  }
.LBB2_202:
0x5c0: {  	p0 =	seq.s32 s21, s20  }
.Ltmp112:
0x5c1: {  	_ = 	snop;
	(pc) =	sbr.rel @p0 .LBB2_205-.Ltmp112, $1  }
0x5c2: {  	_ =	sdelay $0x3  }
0x5c3: {  	s22 =	sshll.u32 s22, $0x2  }
0x5c4: {  	s22 =	sshra.s32 s22, $0x2  }
0x5c5: {  	s22 =	sand.u32 $0xFFFFFFC0, s22  }
0x5c6: {  	s22 =	sadd.s32 $0x12100, s22  }
.LBB2_204:
0x5c7: {  	v7 =	vadd.s32 s21, v6;
	_ =	sdelay $0x1  }
0x5c8: {  	v8 =	vld [tilespmem:s22+$0x0];
	_ =	sdelay $0x2  }
0x5c9: {  	v9 =	vld.idx.msk [tilespmem:v7+s15+$0x0], $0xffff;
	_ =	sdelay $0x4  }
0x5ca: {  	s21 =	sadd.s32 $0x1, s21;
	[tilespmem:v8+s16+$0x0] =	vst.idx.msk $0xffff, v9  }
0x5cb: {  	p0 =	slt.u32 s21, s20;
	v7 =	vld.idx.msk [tilespmem:v7+s17+$0x0], $0xffff  }
.Ltmp113:
0x5cc: {  	_ = 	snop;
	(pc) =	sbr.rel @p0 .LBB2_204-.Ltmp113, $2  }
0x5cd: {  	_ =	sdelay $0x2  }
0x5ce: {  	s22 =	sadd.s32 $0x10, s22;
	[tilespmem:v8+s18+$0x0] =	vst.idx.msk $0xffff, v7  }
.LBB2_205:
0x5cf: {  	v6 =	vld [tilespmem:$0x4000];
	_ =	sdelay $0x4  }
0x5d0: {  	vm0 =	vlt.s32 v6, $0x0;
	v7 =	vandn.u32 $0x7FFFFFFF, v6  }
0x5d1: {  	v6 =	vsel vm0, v6, v7  }
0x5d2: {  	(xrf0) =	vmax.scan.msk.f32 $0xffff, v6  }
0x5d3: {  	s20 =	simm.s32 $0x4020  }
0x5d4: {  	v7 =	vld [tilespmem:s20+$0xFFFFFFE0];
	_ =	sdelay $0x1  }
0x5d5: {  	v8 =	vld [tilespmem:s20+$0xFFFFFFF0]  }
0x5d6: {  	v9 =	vld [tilespmem:s20+$0x0]  }
0x5d7: {  	v6, _, _ =	vpop (xrf0)  }
0x5d8: {  	s31 =	simm.s32 $0x4060;
	v10 =	vld [tilespmem:s20+$0x10];
	vm0 =	vlt.s32 v7, $0x0;
	v11 =	vandn.u32 $0x7FFFFFFF, v7;
	v6 =	vbroadcast v6, $0xF  }
0x5d9: {  	v12 =	vld [tilespmem:s31+$0xFFFFFFE0];
	v7 =	vsel vm0, v7, v11  }
0x5da: {  	vm0 =	vlt.s32 v8, $0x0;
	v11 =	vandn.u32 $0x7FFFFFFF, v8;
	v7 =	vsub.f32 v7, v6  }
0x5db: {  	v8 =	vsel vm0, v8, v11;
	vm0 =	vlt.s32 v9, $0x0;
	v11 =	vandn.u32 $0x7FFFFFFF, v9  }
0x5dc: {  	v9 =	vsel vm0, v9, v11;
	v11 =	vld [tilespmem:s31+$0xFFFFFFF0];
	v8 =	vsub.f32 v8, v6;
	v7 =	vmul.f32 $1.442695020e+00, v7  }
0x5dd: {  	vm1 =	vlt.s32 v10, $0x0;
	v13 =	vandn.u32 $0x7FFFFFFF, v10;
	v9 =	vsub.f32 v9, v6  }
0x5de: {  	vm0 =	vlt.s32 v12, $0x0;
	v8 =	vmul.f32 $1.442695020e+00, v8;
	(erf) = vpow2.f32 v7  }
0x5df: {  	v9 =	vmul.f32 $1.442695020e+00, v9;
	v7 =	vsel vm1, v10, v13;
	v10 =	vld [tilespmem:s31+$0x0];
	v13 =	vandn.u32 $0x7FFFFFFF, v12  }
0x5e0: {  	v7 =	vsub.f32 v7, v6;
	(erf) = vpow2.f32 v8;
	v8 =	vld [tilespmem:s31+$0x10];
	v12 =	vsel vm0, v12, v13  }
0x5e1: {  	vm0 =	vlt.s32 v11, $0x0;
	v13 =	vandn.u32 $0x7FFFFFFF, v11;
	(erf) = vpow2.f32 v9  }
0x5e2: {  	v11 =	vsel vm0, v11, v13;
	v14 =	vmul.f32 $1.442695020e+00, v7  }
0x5e3: {  	v12 =	vsub.f32 v12, v6;
	v11 =	vsub.f32 v11, v6  }
0x5e4: {  	s22 =	simm.s32 $0x40A0;
	(erf) = vpow2.f32 v14;
	vm0 =	vlt.s32 v10, $0x0;
	v13 =	vandn.u32 $0x7FFFFFFF, v10  }
0x5e5: {  	v7 =	vld [tilespmem:s22+$0x10];
	vm1 =	vlt.s32 v8, $0x0;
	v10 =	vsel vm0, v10, v13;
	v13 =	vandn.u32 $0x7FFFFFFF, v8  }
0x5e6: {  	v12 =	vmul.f32 $1.442695020e+00, v12;
	v14 =	vld [tilespmem:s22+$0xFFFFFFE0];
	v10 =	vsub.f32 v10, v6;
	v13 =	vsel vm1, v8, v13  }
0x5e7: {  	v9 =	vimm.f32 $0.0e+00;
	v11 =	vmul.f32 $1.442695020e+00, v11;
	v15 =	vpop (erf)  }
0x5e8: {  	v8 =	vld [tilespmem:s22+$0xFFFFFFF0];
	(erf) = vpow2.f32 v12;
	v10 =	vmul.f32 $1.442695020e+00, v10;
	v9 =	vadd.f32 v15, v9  }
0x5e9: {  	v12 =	vsub.f32 v13, v6;
	v13 =	vpop (erf);
	(erf) = vpow2.f32 v11  }
0x5ea: {  	s21 =	simm.s32 $0xB120;
	v16 =	vpop (erf);
	(erf) = vpow2.f32 v10;
	v10 =	vld [tilespmem:s22+$0x0];
	v11 =	vadd.f32 v13, v9  }
0x5eb: {  	vm0 =	vlt.s32 v7, $0x0;
	[tilespmem:s21+$0xFFFFFFE0] =	vst v15;
	vm1 =	vlt.s32 v14, $0x0;
	v15 =	vandn.u32 $0x7FFFFFFF, v14  }
0x5ec: {  	[tilespmem:s21+$0xFFFFFFF0] =	vst v13;
	v12 =	vmul.f32 $1.442695020e+00, v12;
	v15 =	vsel vm1, v14, v15;
	v11 =	vadd.f32 v16, v11  }
0x5ed: {  	s23 =	simm.s32 $0x8;
	s24 =	simm.s32 $0x40E0;
	s20 =	simm.s32 $0x0;
	v9 =	vandn.u32 $0x7FFFFFFF, v7;
	[tilespmem:s21+$0x0] =	vst v16;
	vm1 =	vlt.s32 v8, $0x0;
	v14 =	vandn.u32 $0x7FFFFFFF, v8;
	v13 =	vpop (erf)  }
.LBB2_206:
0x5ee: {  	v16 =	vld [tilespmem:s24+$0x10];
	v15 =	vsub.f32 v15, v6;
	(erf) = vpow2.f32 v12;
	[tilespmem:s21+$0x10] =	vst v13;
	v11 =	vadd.f32 v13, v11;
	s22 =	simm.s32 $0x80A0  }
0x5ef: {  	v8 =	vsel vm1, v8, v14;
	vm1 =	vlt.s32 v10, $0x0;
	v12 =	vandn.u32 $0x7FFFFFFF, v10  }
0x5f0: {  	v13 =	vld [tilespmem:s24+$0xFFFFFFE0];
	v17 =	vmul.f32 $1.442695020e+00, v15;
	v15 =	vsub.f32 v8, v6;
	v8 =	vsel vm1, v10, v12  }
0x5f1: {  	s23 =	sadd.s32 $0x4, s23;
	s21 =	sadd.s32 $0x40, s21;
	v10 =	vsel vm0, v7, v9;
	v12 =	vsub.f32 v8, v6;
	v9 =	vpop (erf)  }
0x5f2: {  	p0 =	slt.u32 s23, $0xFC;
	v8 =	vld [tilespmem:s24+$0xFFFFFFF0];
	v15 =	vmul.f32 $1.442695020e+00, v15;
	(erf) = vpow2.f32 v17;
	[tilespmem:s21+$0xFFFFFFE0] =	vst v9;
	v9 =	vadd.f32 v9, v11  }
.Ltmp114:
0x5f3: {  	v11 =	vsub.f32 v10, v6;
	vm0 =	vlt.s32 v16, $0x0;
	v14 =	vpop (erf);
	v7 =	vmov v16;
	(pc) =	sbr.rel @p0 .LBB2_206-.Ltmp114, $4  }
0x5f4: {  	v16 =	vmul.f32 $1.442695020e+00, v12;
	v10 =	vld [tilespmem:s24+$0x0];
	(erf) = vpow2.f32 v15;
	[tilespmem:s21+$0xFFFFFFF0] =	vst v14;
	v14 =	vadd.f32 v14, v9  }
0x5f5: {  	v9 =	vandn.u32 $0x7FFFFFFF, v7;
	vm1 =	vlt.s32 v13, $0x0;
	v15 =	vandn.u32 $0x7FFFFFFF, v13;
	v17 =	vpop (erf)  }
0x5f6: {  	v12 =	vmul.f32 $1.442695020e+00, v11;
	(erf) = vpow2.f32 v16;
	[tilespmem:s21+$0x0] =	vst v17;
	v11 =	vadd.f32 v17, v14  }
0x5f7: {  	s24 =	sadd.s32 $0x40, s24;
	v15 =	vsel vm1, v13, v15;
	vm1 =	vlt.s32 v8, $0x0;
	v14 =	vandn.u32 $0x7FFFFFFF, v8;
	v13 =	vpop (erf)  }
0x5f8: {  	v8 =	vsel vm1, v8, v14  }
0x5f9: {  	vm15 =	vlt.s32 v10, $0x0;
	v62 =	vandn.u32 $0x7FFFFFFF, v10;
	v8 =	vsub.f32 v8, v6  }
0x5fa: {  	v15 =	vsub.f32 v15, v6;
	v7 =	vsel vm0, v7, v9;
	v10 =	vsel vm15, v10, v62  }
0x5fb: {  	v10 =	vsub.f32 v10, v6;
	v8 =	vmul.f32 $1.442695020e+00, v8;
	v6 =	vsub.f32 v7, v6  }
0x5fc: {  	v63 =	vmul.f32 $1.442695020e+00, v15  }
0x5fd: {  	(erf) = vpow2.f32 v12;
	v6 =	vmul.f32 $1.442695020e+00, v6  }
0x5fe: {  	v9 =	vadd.f32 v13, v11;
	(erf) = vpow2.f32 v63;
	v7 =	vmul.f32 $1.442695020e+00, v10  }
0x5ff: {  	(erf) = vpow2.f32 v8;
	v8 =	vpop (erf)  }
0x600: {  	(erf) = vpow2.f32 v7;
	v7 =	vadd.f32 v8, v9  }
0x601: {  	(erf) = vpow2.f32 v6;
	v6 =	vpop (erf)  }
0x602: {  	v7 =	vadd.f32 v6, v7  }
0x603: {  	[tilespmem:s21+$0x10] =	vst v13;
	s31 =	sadd.s32 $0x40, s21  }
0x604: {  	[tilespmem:s31+$0xFFFFFFE0] =	vst v8;
	v9 =	vpop (erf)  }
0x605: {  	[tilespmem:s31+$0xFFFFFFF0] =	vst v6;
	v6 =	vadd.f32 v9, v7  }
0x606: {  	[tilespmem:s31+$0x0] =	vst v9;
	v7 =	vpop (erf)  }
0x607: {  	s21 =	sadd.s32 $0x40, s31;
	[tilespmem:s31+$0x10] =	vst v7;
	v6 =	vadd.f32 v7, v6;
	v7 =	vpop (erf)  }
0x608: {  	[tilespmem:s21+$0xFFFFFFE0] =	vst v7;
	v8 =	vpop (erf)  }
0x609: {  	v6 =	vadd.f32 v7, v6;
	[tilespmem:s21+$0xFFFFFFF0] =	vst v8;
	v9 =	vpop (erf)  }
0x60a: {  	[tilespmem:s21+$0x0] =	vst v9;
	v10 =	vpop (erf)  }
0x60b: {  	v6 =	vadd.f32 v8, v6;
	[tilespmem:s21+$0x10] =	vst v10  }
0x60c: {  	v7 =	vld [tilespmem:s22+$0x10]  }
0x60d: {  	v8 =	vld [tilespmem:s22+$0xFFFFFFF0];
	v6 =	vadd.f32 v9, v6  }
0x60e: {  	v9 =	vld [tilespmem:s22+$0x0]  }
0x60f: {  	v6 =	vadd.f32 v10, v6;
	v10 =	vld [tilespmem:s22+$0xFFFFFFE0];
	_ =	sdelay $0x3  }
0x610: {  	s21 =	simm.s32 $0xC100;
	s22 =	simm.s32 $0x80E0  }
.LBB2_208:
0x611: {  	s20 =	sadd.s32 $0x4, s20;
	[tilespmem:v7+s21+$0x0] =	vst.idx.msk $0xffff, v2;
	v7 =	vld [tilespmem:s22+$0x10]  }
0x612: {  	p0 =	slt.u32 s20, $0xFC;
	[tilespmem:v8+s21+$0x0] =	vst.idx.msk $0xffff, v2;
	v8 =	vld [tilespmem:s22+$0xFFFFFFF0]  }
0x613: {  	[tilespmem:v9+s21+$0x0] =	vst.idx.msk $0xffff, v2;
	v9 =	vld [tilespmem:s22+$0x0]  }
.Ltmp115:
0x614: {  	[tilespmem:v10+s21+$0x0] =	vst.idx.msk $0xffff, v2;
	v10 =	vld [tilespmem:s22+$0xFFFFFFE0];
	(pc) =	sbr.rel @p0 .LBB2_208-.Ltmp115, $2  }
0x615: {  	_ =	sdelay $0x2  }
0x616: {  	s22 =	sadd.s32 $0x40, s22  }
0x617: {  	_ =	sdelay $0x3  }
0x618: {  	[tilespmem:v7+s21+$0x0] =	vst.idx.msk $0xffff, v2  }
0x619: {  	[tilespmem:v8+s21+$0x0] =	vst.idx.msk $0xffff, v2  }
0x61a: {  	[tilespmem:v9+s21+$0x0] =	vst.idx.msk $0xffff, v2  }
0x61b: {  	[tilespmem:v10+s21+$0x0] =	vst.idx.msk $0xffff, v2  }
0x61c: {  	v7 =	vld [tilespmem:s21+$0x0];
	_ =	sdelay $0x4  }
0x61d: {  	vm0 =	veq.s32 v7, $0x1  }
0x61e: {  	v7 =	vmpcnt.ones.xlane vm0;
	_ =	sdelay $0x1  }
0x61f: {  	(v2sf) =	vpush v7, $0x0;
	_ =	sdelay $0x4  }
0x620: {  	s20 =	simm.s32 $0x0  }
0x621: {  	v8 =	vor.u32 s20, v0  }
0x622: {  	s22 =	simm.s32 $0xC110;
	[tilespmem:s20+$0x6080] =	vst.msk vm0, v8  }
0x623: {  	s23 =	simm.s32 $0x20;
	s21 =	simm.s32 $0x10;
	v7 =	vld [tilespmem:s22+$0x0]  }
.LBB2_210:
0x624: {  	p0 =	sne.s32 s23, $0x1FF0;
	_ =	sdelay $0x3  }
0x625: {  	vm0 =	veq.s32 v7, $0x1  }
0x626: {  	v7 =	vmpcnt.ones.xlane vm0  }
0x627: {  	s24 =	spop (v2sf)  }
0x628: {  	v8 =	vor.u32 s21, v0;
	s21 =	smov.u32 s23;
	(v2sf) =	vpush v7, $0x0;
	s20 =	sadd.s32 s20, s24  }
0x629: {  	[tilespmem:s20+$0x6080] =	vst.msk vm0, v8;
	_ =	sdelay $0x2  }
.Ltmp116:
0x62a: {  	(pc) =	sbr.rel @p0 .LBB2_210-.Ltmp116, $3  }
0x62b: {  	_ =	sdelay $0x1  }
0x62c: {  	s22 =	sadd.s32 $0x10, s22  }
0x62d: {  	s23 =	sadd.s32 $0x10, s23;
	v7 =	vld [tilespmem:s22+$0x0]  }
0x62e: {  	(xrf2) =	vadd.scan.msk.f32 $0xffff, v6;
	_ =	sdelay $0x4  }
0x62f: {  	vm0 =	veq.s32 v7, $0x1  }
0x630: {  	v6 =	vmpcnt.ones.xlane vm0;
	_ =	sdelay $0x2  }
0x631: {  	(v2sf) =	vpush v6, $0x0  }
0x632: {  	v6, _, _ =	vpop (xrf2)  }
0x633: {  	v6 =	vbroadcast v6, $0xF;
	_ =	sdelay $0x1  }
0x634: {  	(erf) = vrcp.f32 v6  }
0x635: {  	s22 =	spop (v2sf)  }
0x636: {  	s20 =	sadd.s32 s20, s22;
	v6 =	vor.u32 s21, v0  }
0x637: {  	s30 =	simm.s32 $0x60A0;
	[tilespmem:s20+$0x6080] =	vst.msk vm0, v6  }
0x638: {  	s20 =	simm.s32 $0xB120;
	v6 =	vld [tilespmem:s30+$0x10]  }
0x639: {  	v11 =	vld [tilespmem:s20+$0x10]  }
0x63a: {  	v15 =	vld [tilespmem:s20+$0xFFFFFFE0]  }
0x63b: {  	v13 =	vld [tilespmem:s20+$0xFFFFFFF0]  }
0x63c: {  	v10 =	vld [tilespmem:s20+$0x0]  }
0x63d: {  	v7 =	vld [tilespmem:s30+$0xFFFFFFF0];
	v8 =	vpop (erf)  }
0x63e: {  	v9 =	vld [tilespmem:s30+$0x0];
	v14 =	vmul.f32 v11, v8  }
0x63f: {  	s22 =	simm.s32 $0x60E0;
	s21 =	simm.s32 $0x0;
	v12 =	vld [tilespmem:s30+$0xFFFFFFE0];
	s31 =	spop (v2sf);
	v11 =	vmul.f32 v15, v8  }
.LBB2_212:
0x640: {  	s21 =	sadd.s32 $0x4, s21;
	v15 =	vmul.f32 v13, v8;
	[tilespmem:v6+s13+$0x0] =	vst.idx.msk $0xffff, v14;
	v6 =	vld [tilespmem:s22+$0x10];
	s20 =	sadd.s32 $0x40, s20  }
0x641: {  	v14 =	vld [tilespmem:s20+$0x10];
	p0 =	slt.u32 s21, $0xFC;
	v16 =	vmul.f32 v10, v8  }
0x642: {  	v17 =	vld [tilespmem:s20+$0xFFFFFFE0]  }
.Ltmp117:
0x643: {  	v13 =	vld [tilespmem:s20+$0xFFFFFFF0];
	(pc) =	sbr.rel @p0 .LBB2_212-.Ltmp117, $4  }
0x644: {  	v10 =	vld [tilespmem:s20+$0x0]  }
0x645: {  	[tilespmem:v7+s13+$0x0] =	vst.idx.msk $0xffff, v15;
	v7 =	vld [tilespmem:s22+$0xFFFFFFF0]  }
0x646: {  	v14 =	vmul.f32 v14, v8;
	[tilespmem:v9+s13+$0x0] =	vst.idx.msk $0xffff, v16;
	v9 =	vld [tilespmem:s22+$0x0]  }
0x647: {  	[tilespmem:v12+s13+$0x0] =	vst.idx.msk $0xffff, v11;
	v11 =	vmul.f32 v17, v8;
	v12 =	vld [tilespmem:s22+$0xFFFFFFE0];
	s22 =	sadd.s32 $0x40, s22  }
0x648: {  	_ =	sdelay $0x3  }
0x649: {  	v13 =	vmul.f32 v13, v8  }
0x64a: {  	[tilespmem:v6+s13+$0x0] =	vst.idx.msk $0xffff, v14;
	v6 =	vmul.f32 v10, v8  }
0x64b: {  	[tilespmem:v7+s13+$0x0] =	vst.idx.msk $0xffff, v13  }
0x64c: {  	[tilespmem:v9+s13+$0x0] =	vst.idx.msk $0xffff, v6  }
0x64d: {  	[tilespmem:v12+s13+$0x0] =	vst.idx.msk $0xffff, v11  }
0x64e: {  	[hbm4b:s3+s7] =	stream.strided.scatter [tilespmem:s14], [sflag:$0x1], $0x2000, s8, s7, $0x38;
	[tilespmem:$0x15200] =	vst v63  }
0x64f: {  	_ =	swait.ge [sflag:s9], $0x2000  }
0x650: {  	s19 =	sadd.s32 $0x1, s19;
	[sflag:s9] =	ssyncset.done $0x0  }
0x651: {  	p0 =	sne.s32 s19, s6;
	[sflag:s9] =	ssyncadd.s32 $0xFFFFE000  }
0x652: {  	[hbm4b:s4+s7] =	stream.strided.scatter [tilespmem:s13], [sflag:$0x1], $0x2000, s8, s7, $0x38;
	[tilespmem:$0x15200] =	vst v63  }
.Ltmp118:
0x653: {  	_ = 	snop;
	(pc) =	sbr.rel @p0 .LBB2_2-.Ltmp118, $4  }
.Ltmp119:
0x654: {  	_ = 	snop;
	(pc) =	sbr.rel @!p0 .LBB2_214-.Ltmp119, $4  }
0x655: {  	_ =	swait.ge [sflag:s9], $0x2000  }
0x656: {  	[sflag:s9] =	ssyncset.done $0x0  }
0x657: {  	[sflag:s9] =	ssyncadd.s32 $0xFFFFE000  }
0x658: {  	_ = 	snop  }
.LBB2_21:
.Ltmp120:
0x659: {  	(pc) =	sbr.rel .LBB2_33-.Ltmp120, $2  }
0x65a: {  	_ =	sdelay $0x2  }
0x65b: {  	s25 =	simm.s32 $0x0;
	s26 =	simm.s32 $0x15100  }
.LBB2_34:
.Ltmp121:
0x65c: {  	(pc) =	sbr.rel .LBB2_44-.Ltmp121, $2  }
0x65d: {  	_ =	sdelay $0x2  }
0x65e: {  	s26 =	simm.s32 $0xA120  }
.LBB2_71:
.Ltmp122:
0x65f: {  	(pc) =	sbr.rel .LBB2_83-.Ltmp122, $2  }
0x660: {  	_ =	sdelay $0x2  }
0x661: {  	s25 =	simm.s32 $0x0;
	s26 =	simm.s32 $0x15100  }
.LBB2_84:
.Ltmp123:
0x662: {  	(pc) =	sbr.rel .LBB2_94-.Ltmp123, $2  }
0x663: {  	_ =	sdelay $0x2  }
0x664: {  	s26 =	simm.s32 $0xA120  }
.LBB2_121:
.Ltmp124:
0x665: {  	(pc) =	sbr.rel .LBB2_133-.Ltmp124, $2  }
0x666: {  	_ =	sdelay $0x2  }
0x667: {  	s25 =	simm.s32 $0x0;
	s26 =	simm.s32 $0x15100  }
.LBB2_134:
.Ltmp125:
0x668: {  	(pc) =	sbr.rel .LBB2_144-.Ltmp125, $2  }
0x669: {  	_ =	sdelay $0x2  }
0x66a: {  	s26 =	simm.s32 $0xA120  }
.LBB2_171:
.Ltmp126:
0x66b: {  	(pc) =	sbr.rel .LBB2_183-.Ltmp126, $2  }
0x66c: {  	_ =	sdelay $0x2  }
0x66d: {  	s25 =	simm.s32 $0x0;
	s26 =	simm.s32 $0x15100  }
.LBB2_184:
.Ltmp127:
0x66e: {  	(pc) =	sbr.rel .LBB2_194-.Ltmp127, $2  }
0x66f: {  	_ =	sdelay $0x2  }
0x670: {  	s26 =	simm.s32 $0xA120  }
.LBB2_29:
.Ltmp128:
0x671: {  	(pc) =	sbr.rel .LBB2_33-.Ltmp128, $2  }
0x672: {  	_ =	sdelay $0x2  }
0x673: {  	s25 =	simm.s32 $0x0;
	s26 =	simm.s32 $0x15100  }
.LBB2_39:
.Ltmp129:
0x674: {  	(pc) =	sbr.rel .LBB2_44-.Ltmp129, $2  }
0x675: {  	_ =	sdelay $0x2  }
0x676: {  	s26 =	simm.s32 $0xA120  }
.LBB2_79:
.Ltmp130:
0x677: {  	(pc) =	sbr.rel .LBB2_83-.Ltmp130, $2  }
0x678: {  	_ =	sdelay $0x2  }
0x679: {  	s25 =	simm.s32 $0x0;
	s26 =	simm.s32 $0x15100  }
.LBB2_89:
.Ltmp131:
0x67a: {  	(pc) =	sbr.rel .LBB2_94-.Ltmp131, $2  }
0x67b: {  	_ =	sdelay $0x2  }
0x67c: {  	s26 =	simm.s32 $0xA120  }
.LBB2_129:
.Ltmp132:
0x67d: {  	(pc) =	sbr.rel .LBB2_133-.Ltmp132, $2  }
0x67e: {  	_ =	sdelay $0x2  }
0x67f: {  	s25 =	simm.s32 $0x0;
	s26 =	simm.s32 $0x15100  }
.LBB2_139:
.Ltmp133:
0x680: {  	(pc) =	sbr.rel .LBB2_144-.Ltmp133, $2  }
0x681: {  	_ =	sdelay $0x2  }
0x682: {  	s26 =	simm.s32 $0xA120  }
.LBB2_179:
.Ltmp134:
0x683: {  	(pc) =	sbr.rel .LBB2_183-.Ltmp134, $2  }
0x684: {  	_ =	sdelay $0x2  }
0x685: {  	s25 =	simm.s32 $0x0;
	s26 =	simm.s32 $0x15100  }
.LBB2_189:
.Ltmp135:
0x686: {  	(pc) =	sbr.rel .LBB2_194-.Ltmp135, $2  }
0x687: {  	_ =	sdelay $0x2  }
0x688: {  	s26 =	simm.s32 $0xA120  }
.LBB2_31:
.Ltmp136:
0x689: {  	(pc) =	sbr.rel .LBB2_33-.Ltmp136, $2  }
0x68a: {  	_ =	sdelay $0x2  }
0x68b: {  	s26 =	simm.s32 $0x15100  }
.LBB2_41:
.Ltmp137:
0x68c: {  	_ = 	snop;
	(pc) =	sbr.rel .LBB2_44-.Ltmp137, $2  }
0x68d: {  	_ =	sdelay $0x2  }
0x68e: {  	v20 =	vmovc v13;
	v21 =	vmovc v9;
	s24 =	simm.s32 $0xA120;
	s26 =	simm.s32 $0xA120;
	v9 =	vmov v17;
	v14 =	vmov v18;
	v13 =	vmov v19  }
.LBB2_81:
.Ltmp138:
0x68f: {  	(pc) =	sbr.rel .LBB2_83-.Ltmp138, $2  }
0x690: {  	_ =	sdelay $0x2  }
0x691: {  	s26 =	simm.s32 $0x15100  }
.LBB2_91:
.Ltmp139:
0x692: {  	_ = 	snop;
	(pc) =	sbr.rel .LBB2_94-.Ltmp139, $2  }
0x693: {  	_ =	sdelay $0x2  }
0x694: {  	v20 =	vmovc v13;
	v21 =	vmovc v9;
	s24 =	simm.s32 $0xA120;
	s26 =	simm.s32 $0xA120;
	v9 =	vmov v17;
	v14 =	vmov v18;
	v13 =	vmov v19  }
.LBB2_131:
.Ltmp140:
0x695: {  	(pc) =	sbr.rel .LBB2_133-.Ltmp140, $2  }
0x696: {  	_ =	sdelay $0x2  }
0x697: {  	s26 =	simm.s32 $0x15100  }
.LBB2_141:
.Ltmp141:
0x698: {  	_ = 	snop;
	(pc) =	sbr.rel .LBB2_144-.Ltmp141, $2  }
0x699: {  	_ =	sdelay $0x2  }
0x69a: {  	v20 =	vmovc v13;
	v21 =	vmovc v9;
	s24 =	simm.s32 $0xA120;
	s26 =	simm.s32 $0xA120;
	v9 =	vmov v17;
	v14 =	vmov v18;
	v13 =	vmov v19  }
.LBB2_181:
.Ltmp142:
0x69b: {  	(pc) =	sbr.rel .LBB2_183-.Ltmp142, $2  }
0x69c: {  	_ =	sdelay $0x2  }
0x69d: {  	s26 =	simm.s32 $0x15100  }
.LBB2_191:
.Ltmp143:
0x69e: {  	_ = 	snop;
	(pc) =	sbr.rel .LBB2_194-.Ltmp143, $2  }
0x69f: {  	_ =	sdelay $0x2  }
0x6a0: {  	v20 =	vmovc v13;
	v21 =	vmovc v9;
	s24 =	simm.s32 $0xA120;
	s26 =	simm.s32 $0xA120;
	v9 =	vmov v17;
	v14 =	vmov v18;
	v13 =	vmov v19  }
.LBB2_16:
.Ltmp144:
0x6a1: {  	(pc) =	sbr.rel .LBB2_25-.Ltmp144, $2  }
0x6a2: {  	_ =	sdelay $0x2  }
0x6a3: {  	s24 =	simm.s32 $0x10120  }
.LBB2_37:
.Ltmp145:
0x6a4: {  	(pc) =	sbr.rel .LBB2_51-.Ltmp145, $2  }
0x6a5: {  	_ =	sdelay $0x2  }
0x6a6: {  	s24 =	simm.s32 $0x12100  }
.LBB2_57:
.Ltmp146:
0x6a7: {  	(pc) =	sbr.rel .LBB2_75-.Ltmp146, $2  }
0x6a8: {  	_ =	sdelay $0x2  }
0x6a9: {  	s24 =	simm.s32 $0x10120  }
.LBB2_87:
.Ltmp147:
0x6aa: {  	(pc) =	sbr.rel .LBB2_101-.Ltmp147, $2  }
0x6ab: {  	_ =	sdelay $0x2  }
0x6ac: {  	s24 =	simm.s32 $0x12100  }
.LBB2_107:
.Ltmp148:
0x6ad: {  	(pc) =	sbr.rel .LBB2_125-.Ltmp148, $2  }
0x6ae: {  	_ =	sdelay $0x2  }
0x6af: {  	s24 =	simm.s32 $0x10120  }
.LBB2_137:
.Ltmp149:
0x6b0: {  	(pc) =	sbr.rel .LBB2_151-.Ltmp149, $2  }
0x6b1: {  	_ =	sdelay $0x2  }
0x6b2: {  	s24 =	simm.s32 $0x12100  }
.LBB2_157:
.Ltmp150:
0x6b3: {  	(pc) =	sbr.rel .LBB2_175-.Ltmp150, $2  }
0x6b4: {  	_ =	sdelay $0x2  }
0x6b5: {  	s24 =	simm.s32 $0x10120  }
.LBB2_187:
.Ltmp151:
0x6b6: {  	(pc) =	sbr.rel .LBB2_201-.Ltmp151, $2  }
0x6b7: {  	_ =	sdelay $0x2  }
0x6b8: {  	s24 =	simm.s32 $0x12100  }
.LBB2_23:
.Ltmp152:
0x6b9: {  	(pc) =	sbr.rel .LBB2_25-.Ltmp152, $2  }
0x6ba: {  	_ =	sdelay $0x2  }
0x6bb: {  	s24 =	simm.s32 $0x10120  }
.LBB2_49:
.Ltmp153:
0x6bc: {  	(pc) =	sbr.rel .LBB2_51-.Ltmp153, $2  }
0x6bd: {  	_ =	sdelay $0x2  }
0x6be: {  	s24 =	simm.s32 $0x12100  }
.LBB2_73:
.Ltmp154:
0x6bf: {  	(pc) =	sbr.rel .LBB2_75-.Ltmp154, $2  }
0x6c0: {  	_ =	sdelay $0x2  }
0x6c1: {  	s24 =	simm.s32 $0x10120  }
.LBB2_99:
.Ltmp155:
0x6c2: {  	(pc) =	sbr.rel .LBB2_101-.Ltmp155, $2  }
0x6c3: {  	_ =	sdelay $0x2  }
0x6c4: {  	s24 =	simm.s32 $0x12100  }
.LBB2_123:
.Ltmp156:
0x6c5: {  	(pc) =	sbr.rel .LBB2_125-.Ltmp156, $2  }
0x6c6: {  	_ =	sdelay $0x2  }
0x6c7: {  	s24 =	simm.s32 $0x10120  }
.LBB2_149:
.Ltmp157:
0x6c8: {  	(pc) =	sbr.rel .LBB2_151-.Ltmp157, $2  }
0x6c9: {  	_ =	sdelay $0x2  }
0x6ca: {  	s24 =	simm.s32 $0x12100  }
.LBB2_173:
.Ltmp158:
0x6cb: {  	(pc) =	sbr.rel .LBB2_175-.Ltmp158, $2  }
0x6cc: {  	_ =	sdelay $0x2  }
0x6cd: {  	s24 =	simm.s32 $0x10120  }
.LBB2_199:
.Ltmp159:
0x6ce: {  	(pc) =	sbr.rel .LBB2_201-.Ltmp159, $2  }
0x6cf: {  	_ =	sdelay $0x2  }
0x6d0: {  	s24 =	simm.s32 $0x12100  }
.LBB2_47:
.Ltmp160:
0x6d1: {  	(pc) =	sbr.rel .LBB2_64-.Ltmp160, $2  }
0x6d2: {  	_ =	sdelay $0x2  }
0x6d3: {  	_ = 	snop  }
.LBB2_97:
.Ltmp161:
0x6d4: {  	(pc) =	sbr.rel .LBB2_114-.Ltmp161, $2  }
0x6d5: {  	_ =	sdelay $0x2  }
0x6d6: {  	_ = 	snop  }
.LBB2_147:
.Ltmp162:
0x6d7: {  	(pc) =	sbr.rel .LBB2_164-.Ltmp162, $2  }
0x6d8: {  	_ =	sdelay $0x2  }
0x6d9: {  	_ = 	snop  }
.LBB2_197:
.Ltmp163:
0x6da: {  	(pc) =	sbr.rel .LBB2_221-.Ltmp163, $2  }
0x6db: {  	_ =	sdelay $0x2  }
0x6dc: {  	_ = 	snop  }
.LBB2_59:
.Ltmp164:
0x6dd: {  	_ = 	snop;
	(pc) =	sbr.rel .LBB2_64-.Ltmp164, $4  }
0x6de: {  	_ = 	snop  }
0x6df: {  	v28 =	vmov v9;
	v34 =	vmov v10  }
0x6e0: {  	v35 =	vmovc v23;
	v25 =	vmovc v24;
	v23 =	vmov v16;
	v9 =	vmov v20;
	v24 =	vmov v14  }
0x6e1: {  	v10 =	vmovc v21;
	v15 =	vmovc v30;
	v7 =	vmov v29;
	v11 =	vmov v32;
	v13 =	vmov v31  }
.LBB2_109:
.Ltmp165:
0x6e2: {  	_ = 	snop;
	(pc) =	sbr.rel .LBB2_114-.Ltmp165, $4  }
0x6e3: {  	_ = 	snop  }
0x6e4: {  	v28 =	vmov v9;
	v34 =	vmov v10  }
0x6e5: {  	v35 =	vmovc v23;
	v25 =	vmovc v24;
	v23 =	vmov v16;
	v9 =	vmov v20;
	v24 =	vmov v14  }
0x6e6: {  	v10 =	vmovc v21;
	v15 =	vmovc v30;
	v7 =	vmov v29;
	v11 =	vmov v32;
	v13 =	vmov v31  }
.LBB2_159:
.Ltmp166:
0x6e7: {  	_ = 	snop;
	(pc) =	sbr.rel .LBB2_164-.Ltmp166, $4  }
0x6e8: {  	_ = 	snop  }
0x6e9: {  	v28 =	vmov v9;
	v34 =	vmov v10  }
0x6ea: {  	v35 =	vmovc v23;
	v25 =	vmovc v24;
	v23 =	vmov v16;
	v9 =	vmov v20;
	v24 =	vmov v14  }
0x6eb: {  	v10 =	vmovc v21;
	v15 =	vmovc v30;
	v7 =	vmov v29;
	v11 =	vmov v32;
	v13 =	vmov v31  }
.LBB2_216:
.Ltmp167:
0x6ec: {  	_ = 	snop;
	(pc) =	sbr.rel .LBB2_221-.Ltmp167, $4  }
0x6ed: {  	_ = 	snop  }
0x6ee: {  	v28 =	vmov v9;
	v34 =	vmov v10  }
0x6ef: {  	v35 =	vmovc v23;
	v25 =	vmovc v24;
	v23 =	vmov v16;
	v9 =	vmov v20;
	v24 =	vmov v14  }
0x6f0: {  	v10 =	vmovc v21;
	v15 =	vmovc v30;
	v7 =	vmov v29;
	v11 =	vmov v32;
	v13 =	vmov v31  }
.LBB2_61:
.Ltmp168:
0x6f1: {  	(pc) =	sbr.rel .LBB2_64-.Ltmp168, $3  }
0x6f2: {  	_ =	sdelay $0x1  }
0x6f3: {  	v33 =	vmovc v8;
	v8 =	vmov v28;
	v28 =	vmov v20;
	v34 =	vmov v21  }
0x6f4: {  	v35 =	vmovc v16;
	v23 =	vmovc v25;
	v25 =	vmov v14;
	v24 =	vmov v26;
	v27 =	vmov v22  }
.LBB2_111:
.Ltmp169:
0x6f5: {  	(pc) =	sbr.rel .LBB2_114-.Ltmp169, $3  }
0x6f6: {  	_ =	sdelay $0x1  }
0x6f7: {  	v33 =	vmovc v8;
	v8 =	vmov v28;
	v28 =	vmov v20;
	v34 =	vmov v21  }
0x6f8: {  	v35 =	vmovc v16;
	v23 =	vmovc v25;
	v25 =	vmov v14;
	v24 =	vmov v26;
	v27 =	vmov v22  }
.LBB2_161:
.Ltmp170:
0x6f9: {  	(pc) =	sbr.rel .LBB2_164-.Ltmp170, $3  }
0x6fa: {  	_ =	sdelay $0x1  }
0x6fb: {  	v33 =	vmovc v8;
	v8 =	vmov v28;
	v28 =	vmov v20;
	v34 =	vmov v21  }
0x6fc: {  	v35 =	vmovc v16;
	v23 =	vmovc v25;
	v25 =	vmov v14;
	v24 =	vmov v26;
	v27 =	vmov v22  }
.LBB2_218:
.Ltmp171:
0x6fd: {  	(pc) =	sbr.rel .LBB2_221-.Ltmp171, $3  }
0x6fe: {  	_ =	sdelay $0x1  }
0x6ff: {  	v33 =	vmovc v8;
	v8 =	vmov v28;
	v28 =	vmov v20;
	v34 =	vmov v21  }
0x700: {  	v35 =	vmovc v16;
	v23 =	vmovc v25;
	v25 =	vmov v14;
	v24 =	vmov v26;
	v27 =	vmov v22  }
.LBB2_214:
0x701: {  	_ =	sfence.sel $0x180000  }
0x702: {  	[bflag:$0x0] =	sbarrier.arrive $0xFFFF  }
0x703: {  	p0 =	sne.s32 s1, $0x0;
	_ =	strace $0x90000047  }
0x704: {  	s0 =	sadd.s32 @!p0 $0x100000, s0;
	[bflag:$0x2] =	sbarrier.arrive $0xFFFF  }
0x705: {  	[sflag:s0] =	ssyncadd.tile.s32 @!p0 $0x1;
	_ =	shalt  }
.Lfunc_end2:
_tile_overlayer_lowered:
.L_overlay_start_2:
0x706: {  	(tag) =	ssettag $0x2  }
0x707: {  	s0 =	rddreg [dreg:$0x0];
	s2 =	stileid.u32  }
0x708: {  	s1 =	rddreg [dreg:$0x1];
	p0 =	sne.s32 s2, $0x0  }
0x709: {  	s3 =	rddreg [dreg:$0x2];
	[bflag:$0x3] =	sbarrier.arrive $0xFFFF;
	s2 =	simm.s32 @!p0 $0x1C01  }
0x70a: {  	[timem:s3], [sflag:s2] =	dma.local @!p0 [hbm:s0], s1  }
0x70b: {  	s0 =	simm.s32 @!p0 $0x1  }
0x70c: {  	_ =	swait.ge @!p0 [sflag:s0], s1  }
0x70d: {  	s1 =	ssub.s32 @!p0 $0x0, s1;
	[sflag:s0] =	ssyncset.done @!p0 $0x0  }
0x70e: {  	[sflag:s0] =	ssyncadd.s32 @!p0 s1  }
0x70f: {  	[bflag:$0x3] =	sbarrier.arrive $0xFFFF  }
0x710: {  	_ =	shalt  }

</sc_bundles>
